<compile_context>
chip_gen: v7x
topology: tpu7x:2x2x1
jax: 0.10.2.dev20260603
libtpu: 0.0.44.dev20260713+nightly
codegen_flags: <defaults>
</compile_context>

<pallas_src>
import functools

import jax
import jax.numpy as jnp
from jax import lax
from jax.experimental import pallas as pl
from jax.experimental.pallas import tpu as pltpu
from jax.experimental.pallas import tpu_sc as plsc

_N = 10000
_E = 320000
_DF = 128
_DE = 16
_H = 64
_W = 128
_F32 = jnp.float32

_NC = 2
_NS = 16
_NW = _NC * _NS
_EPW = _E // _NW
_CH = 80
_NCHUNK = _EPW // _CH
_RPS = 624
_RTAIL = _N - _NS * _RPS
_DW = 16

_mesh = plsc.VectorSubcoreMesh(core_axis_name="c", subcore_axis_name="s")


def _zero_acc(zeros_hbm, acc_sh, s):
    srow = pl.multiple_of(s * _RPS, 8)
    pltpu.sync_copy(zeros_hbm.at[pl.ds(srow, _RPS)],
                    acc_sh.at[pl.ds(srow, _RPS)])

    @pl.when(s == _NS - 1)
    def _zero_tail():
        pltpu.sync_copy(zeros_hbm.at[pl.ds(_NS * _RPS, _RTAIL)],
                        acc_sh.at[pl.ds(_NS * _RPS, _RTAIL)])


def _acc_out(acc_sh, out_hbm, c, s):
    srow = pl.multiple_of(s * _RPS, 8)
    orow = pl.multiple_of(c * _N + s * _RPS, 8)
    pltpu.sync_copy(acc_sh.at[pl.ds(srow, _RPS)],
                    out_hbm.at[pl.ds(orow, _RPS)])

    @pl.when(s == _NS - 1)
    def _out_tail():
        pltpu.sync_copy(acc_sh.at[pl.ds(_NS * _RPS, _RTAIL)],
                        out_hbm.at[pl.ds(c * _N + _NS * _RPS, _RTAIL)])



@functools.partial(
    pl.kernel,
    out_type=jax.ShapeDtypeStruct((_NC * _N, _DW), _F32),
    mesh=_mesh,
    compiler_params=pltpu.CompilerParams(use_tc_tiling_on_sc=False),
    scratch_types=[
        pltpu.VMEM_SHARED((_N, _DW), _F32),
        pltpu.VMEM((_NCHUNK, _CH), jnp.int32),
        pltpu.VMEM((_CH, _DW), _F32),
    ],
)
def _sc_deg(col2d_hbm, ones_hbm, zeros_hbm, out_hbm, acc_sh, cidx_v, ones_v):
    c = lax.axis_index("c")
    s = lax.axis_index("s")
    wid = s * _NC + c
    _zero_acc(zeros_hbm, acc_sh, s)
    pltpu.sync_copy(col2d_hbm.at[wid], cidx_v)
    pltpu.sync_copy(ones_hbm, ones_v)
    plsc.subcore_barrier()

    def body(j, carry):
        pltpu.sync_copy(ones_v, acc_sh.at[cidx_v.at[j]], add=True)
        return carry

    lax.fori_loop(0, _NCHUNK, body, 0)
    plsc.subcore_barrier()
    _acc_out(acc_sh, out_hbm, c, s)


@functools.partial(
    pl.kernel,
    out_type=jax.ShapeDtypeStruct((_NC * _N, _H), _F32),
    mesh=_mesh,
    compiler_params=pltpu.CompilerParams(use_tc_tiling_on_sc=False),
    scratch_types=[
        pltpu.VMEM_SHARED((_N, _H), _F32),
        pltpu.VMEM((_NCHUNK, _CH), jnp.int32),
        pltpu.VMEM((_NCHUNK, _CH), jnp.int32),
        pltpu.VMEM((_CH, _H), _F32),
        pltpu.VMEM((_CH, _H), _F32),
        pltpu.SemaphoreType.DMA,
        pltpu.SemaphoreType.DMA,
    ],
)
def _sc_scatter(hs_hbm, row2d_hbm, col2d_hbm, zeros_hbm, out_hbm,
                acc_sh, ridx_v, cidx_v, rows0_v, rows1_v, gsem0, gsem1):
    c = lax.axis_index("c")
    s = lax.axis_index("s")
    wid = s * _NC + c
    _zero_acc(zeros_hbm, acc_sh, s)
    pltpu.sync_copy(row2d_hbm.at[wid], ridx_v)
    pltpu.sync_copy(col2d_hbm.at[wid], cidx_v)
    plsc.subcore_barrier()

    def gstart(j, buf, sem):
        pltpu.async_copy(hs_hbm.at[ridx_v.at[j]], buf, sem)

    def gwait(buf, sem):
        pltpu.make_async_copy(hs_hbm.at[ridx_v.at[0]], buf, sem).wait()

    def scat(j, buf):
        pltpu.sync_copy(buf, acc_sh.at[cidx_v.at[j]], add=True)

    gstart(0, rows0_v, gsem0)

    def body(k, carry):
        j0 = 2 * k
        gstart(j0 + 1, rows1_v, gsem1)
        gwait(rows0_v, gsem0)
        scat(j0, rows0_v)
        gstart(j0 + 2, rows0_v, gsem0)
        gwait(rows1_v, gsem1)
        scat(j0 + 1, rows1_v)
        return carry

    lax.fori_loop(0, (_NCHUNK - 1) // 2, body, 0)
    gwait(rows0_v, gsem0)
    scat(_NCHUNK - 1, rows0_v)
    plsc.subcore_barrier()
    _acc_out(acc_sh, out_hbm, c, s)


@functools.partial(
    pl.kernel,
    out_type=jax.ShapeDtypeStruct((_E, _W), _F32),
    mesh=_mesh,
    compiler_params=pltpu.CompilerParams(use_tc_tiling_on_sc=False),
    scratch_types=[
        pltpu.VMEM((_NCHUNK, _CH), jnp.int32),
        pltpu.VMEM((_NCHUNK, _CH), jnp.int32),
        pltpu.VMEM((_CH, _H), _F32),
        pltpu.VMEM((_CH, _H), _F32),
        pltpu.VMEM((_CH, _H), _F32),
        pltpu.VMEM((_CH, _H), _F32),
        pltpu.SemaphoreType.DMA,
        pltpu.SemaphoreType.DMA,
        pltpu.SemaphoreType.DMA,
        pltpu.SemaphoreType.DMA,
        pltpu.SemaphoreType.DMA,
        pltpu.SemaphoreType.DMA,
        pltpu.SemaphoreType.DMA,
        pltpu.SemaphoreType.DMA,
    ],
)
def _sc_gather2(p_hbm, q_hbm, row2d_hbm, col2d_hbm, t_hbm,
                ridx_v, cidx_v, p0_v, q0_v, p1_v, q1_v,
                sp0, sq0, sp1, sq1, wp0, wq0, wp1, wq1):
    c = lax.axis_index("c")
    s = lax.axis_index("s")
    wid = s * _NC + c
    base = wid * _EPW
    pltpu.sync_copy(row2d_hbm.at[wid], ridx_v)
    pltpu.sync_copy(col2d_hbm.at[wid], cidx_v)

    def gstart(j, tab, idx, buf, sem):
        pltpu.async_copy(tab.at[idx.at[j]], buf, sem)

    def gwait(buf, sem):
        pltpu.make_async_copy(p_hbm.at[ridx_v.at[0]], buf, sem).wait()

    def wstart(j, buf, colo, sem):
        off = pl.multiple_of(base + j * _CH, 8)
        pltpu.async_copy(buf, t_hbm.at[pl.ds(off, _CH), pl.ds(colo, _H)], sem)

    def wwait(buf, colo, sem):
        pltpu.make_async_copy(
            buf, t_hbm.at[pl.ds(0, _CH), pl.ds(colo, _H)], sem).wait()

    gstart(0, p_hbm, ridx_v, p0_v, sp0)
    gstart(0, q_hbm, cidx_v, q0_v, sq0)

    def body(k, carry):
        j0 = 2 * k
        gstart(j0 + 1, p_hbm, ridx_v, p1_v, sp1)
        gstart(j0 + 1, q_hbm, cidx_v, q1_v, sq1)
        gwait(p0_v, sp0)
        wstart(j0, p0_v, 0, wp0)
        gwait(q0_v, sq0)
        wstart(j0, q0_v, _H, wq0)
        wwait(p0_v, 0, wp0)
        wwait(q0_v, _H, wq0)
        gstart(j0 + 2, p_hbm, ridx_v, p0_v, sp0)
        gstart(j0 + 2, q_hbm, cidx_v, q0_v, sq0)
        gwait(p1_v, sp1)
        wstart(j0 + 1, p1_v, 0, wp1)
        gwait(q1_v, sq1)
        wstart(j0 + 1, q1_v, _H, wq1)
        wwait(p1_v, 0, wp1)
        wwait(q1_v, _H, wq1)
        return carry

    lax.fori_loop(0, (_NCHUNK - 1) // 2, body, 0)
    gwait(p0_v, sp0)
    wstart(_NCHUNK - 1, p0_v, 0, wp0)
    gwait(q0_v, sq0)
    wstart(_NCHUNK - 1, q0_v, _H, wq0)
    wwait(p0_v, 0, wp0)
    wwait(q0_v, _H, wq0)



def _tc_prep_body(degp_ref, x_ref, w_ref, hs_ref, dinv_ref):
    deg = degp_ref[0:_N, 0:1] + degp_ref[_N:2 * _N, 0:1] + 1.0
    dinv = lax.rsqrt(deg)
    hp = jnp.dot(x_ref[...], w_ref[...], preferred_element_type=_F32)
    hs_ref[...] = hp * dinv
    dinv_ref[...] = dinv


def _tc_glue_body(part_ref, hs_ref, dinv_ref, b_ref, w_ref, out_ref):
    s_sum = part_ref[0:_N, :] + part_ref[_N:2 * _N, :]
    h = jnp.maximum(
        dinv_ref[...] * (s_sum + hs_ref[...]) + b_ref[...], 0.0)
    hp = jnp.dot(h, w_ref[...], preferred_element_type=_F32)
    out_ref[...] = dinv_ref[...] * hp


def _tc_fin_body(part_ref, hs_ref, dinv_ref, b_ref, wa_ref, wb_ref,
                 p_ref, q_ref):
    s_sum = part_ref[0:_N, :] + part_ref[_N:2 * _N, :]
    h = jnp.maximum(
        dinv_ref[...] * (s_sum + hs_ref[...]) + b_ref[...], 0.0)
    p_ref[...] = jnp.dot(h, wa_ref[...], preferred_element_type=_F32)
    q_ref[...] = jnp.dot(h, wb_ref[...], preferred_element_type=_F32)


_BE = 12800


def _tc_edge_body(t_ref, ea_ref, wc_ref, b1_ref, w2_ref, b2_ref,
                  w3t_ref, b3t_ref, out_ref):
    tf = t_ref[...]
    o = (tf[:, 0:_H] + tf[:, _H:_W]
         + jnp.dot(ea_ref[...], wc_ref[...], preferred_element_type=_F32)
         + b1_ref[...])
    o = jnp.maximum(o, 0.0)
    o = jnp.maximum(
        jnp.dot(o, w2_ref[...], preferred_element_type=_F32) + b2_ref[...], 0.0)
    ot = jax.lax.dot_general(w3t_ref[...], o, (((1,), (1,)), ((), ())),
                             preferred_element_type=_F32)
    out_ref[...] = ot + b3t_ref[...]


def _full(shape):
    return pl.BlockSpec(shape, lambda i: tuple(0 for _ in shape))



def kernel(x, edge_index, edge_attr, W1, b1, W2, b2, W3, b3,
           Wm1, bm1, Wm2, bm2, Wm3, bm3):
    ei = edge_index.astype(jnp.int32)
    row2d = ei[0].reshape(_NW, _NCHUNK, _CH)
    col2d = ei[1].reshape(_NW, _NCHUNK, _CH)
    ones16 = jnp.ones((_CH, _DW), _F32)
    zeros16 = jnp.zeros((_N, _DW), _F32)
    zeros64 = jnp.zeros((_N, _H), _F32)

    degp = _sc_deg(col2d, ones16, zeros16)

    hs1, dinv = pl.pallas_call(
        _tc_prep_body,
        out_shape=(jax.ShapeDtypeStruct((_N, _H), _F32),
                   jax.ShapeDtypeStruct((_N, 1), _F32)),
    )(degp, x, W1)

    part1 = _sc_scatter(hs1, row2d, col2d, zeros64)

    glue = pl.pallas_call(
        _tc_glue_body,
        out_shape=jax.ShapeDtypeStruct((_N, _H), _F32),
    )
    hs2 = glue(part1, hs1, dinv, b1.reshape(1, _H), W2)
    part2 = _sc_scatter(hs2, row2d, col2d, zeros64)
    hs3 = glue(part2, hs2, dinv, b2.reshape(1, _H), W3)
    part3 = _sc_scatter(hs3, row2d, col2d, zeros64)

    p, q = pl.pallas_call(
        _tc_fin_body,
        out_shape=(jax.ShapeDtypeStruct((_N, _H), _F32),
                   jax.ShapeDtypeStruct((_N, _H), _F32)),
    )(part3, hs3, dinv, b3.reshape(1, _H), Wm1[0:_H], Wm1[_H:2 * _H])

    t = _sc_gather2(p, q, row2d, col2d)

    out = pl.pallas_call(
        _tc_edge_body,
        grid=(_E // _BE,),
        in_specs=[
            pl.BlockSpec((_BE, _W), lambda i: (i, 0)),
            pl.BlockSpec((_BE, _DE), lambda i: (i, 0)),
            _full((_DE, _H)),
            _full((1, _H)),
            _full((_H, 32)),
            _full((1, 32)),
            _full((2, 32)),
            _full((2, 1)),
        ],
        out_specs=pl.BlockSpec((2, _BE), lambda i: (0, i)),
        out_shape=jax.ShapeDtypeStruct((2, _E), _F32),
    )(t, edge_attr, Wm1[2 * _H:], bm1.reshape(1, _H),
      Wm2, bm2.reshape(1, 32), Wm3.T, bm3.reshape(2, 1))
    return out.T

# --- scband reference (transcript-rebuilt; emitter-appended) ---
"""Pipeline reference for scband-fraud-detection-gnn-59914793779321 (READ-ONLY COPY).

The authoritative reference and input builder live on the scoring server;
editing this copy changes nothing except your own understanding.
"""

import jax, jax.numpy as jnp
import numpy as np

N = 10000
E = 320000
D_FEAT = 128
D_EDGE = 16
HID = 64


def gcn_conv(x, edge_index, W, b):
    # PyG GCNConv with add_self_loops=True, symmetric normalization
    n = x.shape[0]
    loop = jnp.arange(n, dtype=edge_index.dtype)
    row = jnp.concatenate([edge_index[0], loop])
    col = jnp.concatenate([edge_index[1], loop])
    ones = jnp.ones(row.shape[0], dtype=x.dtype)
    deg = jax.ops.segment_sum(ones, col, num_segments=n)
    dinv = jnp.where(deg > 0, jax.lax.rsqrt(jnp.maximum(deg, 1e-12)), 0.0)
    norm = dinv[row] * dinv[col]
    h = x @ W
    msg = h[row] * norm[:, None]
    out = jax.ops.segment_sum(msg, col, num_segments=n)
    return out + b


def setup_inputs(seed: int = 0) -> dict:
    key = jax.random.key(seed)
    ks = jax.random.split(key, 16)
    x = jax.random.normal(ks[0], (N, D_FEAT), dtype=jnp.float32)
    edge_index = jax.random.randint(ks[1], (2, E), 0, N, dtype=jnp.int64)
    edge_attr = jax.random.normal(ks[2], (E, D_EDGE), dtype=jnp.float32)
    s = 0.05
    W1 = jax.random.normal(ks[3], (D_FEAT, HID), dtype=jnp.float32) * s
    b1 = jnp.zeros((HID,), dtype=jnp.float32)
    W2 = jax.random.normal(ks[4], (HID, HID), dtype=jnp.float32) * s
    b2 = jnp.zeros((HID,), dtype=jnp.float32)
    W3 = jax.random.normal(ks[5], (HID, HID), dtype=jnp.float32) * s
    b3 = jnp.zeros((HID,), dtype=jnp.float32)
    Wm1 = jax.random.normal(ks[6], (HID * 2 + D_EDGE, HID), dtype=jnp.float32) * s
    bm1 = jnp.zeros((HID,), dtype=jnp.float32)
    Wm2 = jax.random.normal(ks[7], (HID, 32), dtype=jnp.float32) * s
    bm2 = jnp.zeros((32,), dtype=jnp.float32)
    Wm3 = jax.random.normal(ks[8], (32, 2), dtype=jnp.float32) * s
    bm3 = jnp.zeros((2,), dtype=jnp.float32)
    return {"x": x, "edge_index": edge_index, "edge_attr": edge_attr,
            "W1": W1, "b1": b1, "W2": W2, "b2": b2, "W3": W3, "b3": b3,
            "Wm1": Wm1, "bm1": bm1, "Wm2": Wm2, "bm2": bm2, "Wm3": Wm3, "bm3": bm3}


def reference(x, edge_index, edge_attr, W1, b1, W2, b2, W3, b3, Wm1, bm1, Wm2, bm2, Wm3, bm3):
    # dropout is identity in eval mode
    h = jax.nn.relu(gcn_conv(x, edge_index, W1, b1))
    h = jax.nn.relu(gcn_conv(h, edge_index, W2, b2))
    h = jax.nn.relu(gcn_conv(h, edge_index, W3, b3))
    row = edge_index[0]
    col = edge_index[1]
    edge_emb = jnp.concatenate([h[row], h[col], edge_attr], axis=1)
    o = jax.nn.relu(edge_emb @ Wm1 + bm1)
    o = jax.nn.relu(o @ Wm2 + bm2)
    o = o @ Wm3 + bm3
    return o

if __name__ == "__main__":
    import jax
    _d = setup_inputs()
    print(jax.jit(kernel)(*tuple(_d.values())))

</pallas_src>

<mosaic_0001>
#map = affine_map<(d0, d1) -> (0, 0)>
#map1 = affine_map<(d0, d1) -> (0, 0, 0)>
module attributes {stable_mosaic.version = 14 : i64} {
  func.func @_sc_scatter(%arg0: i32, %arg1: i32, %arg2: memref<10000x64xf32, #tpu.memory_space<hbm>>, %arg3: memref<32x125x80xi32, #tpu.memory_space<hbm>>, %arg4: memref<32x125x80xi32, #tpu.memory_space<hbm>>, %arg5: memref<10000x64xf32, #tpu.memory_space<hbm>>, %arg6: memref<20000x64xf32, #tpu.memory_space<hbm>>, %arg7: memref<10000x64xf32, #tpu.memory_space<vmem_shared>>, %arg8: memref<125x80xi32, #tpu.memory_space<vmem>>, %arg9: memref<125x80xi32, #tpu.memory_space<vmem>>, %arg10: memref<80x64xf32, #tpu.memory_space<vmem>>, %arg11: memref<80x64xf32, #tpu.memory_space<vmem>>, %arg12: memref<!tpu.dma_semaphore, #tpu.memory_space<semaphore_mem>>, %arg13: memref<!tpu.dma_semaphore, #tpu.memory_space<semaphore_mem>>) attributes {dimension_semantics = [#tpu.dimension_semantics<core_parallel>, #tpu.dimension_semantics<subcore_parallel>], iteration_bounds = array<i64: 2, 16>, scalar_prefetch = 0 : i64, scratch_operands = 7 : i64, tpu.core_type = #tpu.core_type<sc_vector_subcore>, window_params = [{transform_indices = #map}, {transform_indices = #map1}, {transform_indices = #map1}, {transform_indices = #map}, {transform_indices = #map}]} {
    %mul3A = arith.constant 2 : i32
    %mul3A_0 = arith.muli %arg1, %mul3A : i32
    %add3A = arith.addi %mul3A_0, %arg0 : i32
    %mul3A_1 = arith.constant 624 : i32
    %mul3A_2 = arith.muli %arg1, %mul3A_1 : i32
    %multiple_of3A = tpu.assume_multiple %mul3A_2, 8 : i32
    "tpu.region"() ({
      %run_scoped3A_37 = tpu.sem_alloc : memref<!tpu.dma_semaphore, #tpu.memory_space<semaphore_mem>>
      %dma_start3A_38 = arith.constant 0 : i32
      %dma_start3A_39 = tpu.memref_slice %arg7[%multiple_of3A, %dma_start3A_38] : memref<10000x64xf32, #tpu.memory_space<vmem_shared>> -> memref<624x64xf32, #tpu.memory_space<vmem_shared>>
      %dma_start3A_40 = arith.constant 0 : i32
      %dma_start3A_41 = tpu.memref_slice %arg5[%multiple_of3A, %dma_start3A_40] : memref<10000x64xf32, #tpu.memory_space<hbm>> -> memref<624x64xf32, #tpu.memory_space<hbm>>
      tpu.enqueue_dma source(%dma_start3A_41 : memref<624x64xf32, #tpu.memory_space<hbm>>) target(%dma_start3A_39 : memref<624x64xf32, #tpu.memory_space<vmem_shared>>) target_semaphore(%run_scoped3A_37 : memref<!tpu.dma_semaphore, #tpu.memory_space<semaphore_mem>>)
      %dma_wait3A_42 = arith.constant 0 : i32
      %dma_wait3A_43 = tpu.memref_slice %arg7[%multiple_of3A, %dma_wait3A_42] : memref<10000x64xf32, #tpu.memory_space<vmem_shared>> -> memref<624x64xf32, #tpu.memory_space<vmem_shared>>
      %dma_wait3A_44 = arith.constant 0 : i32
      %dma_wait3A_45 = tpu.memref_slice %arg5[%multiple_of3A, %dma_wait3A_44] : memref<10000x64xf32, #tpu.memory_space<hbm>> -> memref<624x64xf32, #tpu.memory_space<hbm>>
      tpu.wait_dma2 semaphore(%run_scoped3A_37 : memref<!tpu.dma_semaphore, #tpu.memory_space<semaphore_mem>>) src(%dma_wait3A_45 : memref<624x64xf32, #tpu.memory_space<hbm>>) dst(%dma_wait3A_43 : memref<624x64xf32, #tpu.memory_space<vmem_shared>>)
      tpu.yield
    }) : () -> ()
    %eq3A = arith.constant 15 : i32
    %eq3A_3 = arith.cmpi eq, %arg1, %eq3A : i32
    %convert_element_type3A = arith.extui %eq3A_3 : i1 to i32
    %cond3A = arith.constant 0 : i32
    %cond3A_4 = arith.cmpi ne, %convert_element_type3A, %cond3A : i32
    scf.if %cond3A_4 {
      "tpu.region"() ({
        %run_scoped3A_37 = tpu.sem_alloc : memref<!tpu.dma_semaphore, #tpu.memory_space<semaphore_mem>>
        %dma_start3A_38 = arith.constant 9984 : i32
        %dma_start3A_39 = arith.constant 0 : i32
        %dma_start3A_40 = tpu.memref_slice %arg7[%dma_start3A_38, %dma_start3A_39] : memref<10000x64xf32, #tpu.memory_space<vmem_shared>> -> memref<16x64xf32, #tpu.memory_space<vmem_shared>>
        %dma_start3A_41 = arith.constant 9984 : i32
        %dma_start3A_42 = arith.constant 0 : i32
        %dma_start3A_43 = tpu.memref_slice %arg5[%dma_start3A_41, %dma_start3A_42] : memref<10000x64xf32, #tpu.memory_space<hbm>> -> memref<16x64xf32, #tpu.memory_space<hbm>>
        tpu.enqueue_dma source(%dma_start3A_43 : memref<16x64xf32, #tpu.memory_space<hbm>>) target(%dma_start3A_40 : memref<16x64xf32, #tpu.memory_space<vmem_shared>>) target_semaphore(%run_scoped3A_37 : memref<!tpu.dma_semaphore, #tpu.memory_space<semaphore_mem>>)
        %dma_wait3A_44 = arith.constant 9984 : i32
        %dma_wait3A_45 = arith.constant 0 : i32
        %dma_wait3A_46 = tpu.memref_slice %arg7[%dma_wait3A_44, %dma_wait3A_45] : memref<10000x64xf32, #tpu.memory_space<vmem_shared>> -> memref<16x64xf32, #tpu.memory_space<vmem_shared>>
        %dma_wait3A_47 = arith.constant 9984 : i32
        %dma_wait3A_48 = arith.constant 0 : i32
        %dma_wait3A_49 = tpu.memref_slice %arg5[%dma_wait3A_47, %dma_wait3A_48] : memref<10000x64xf32, #tpu.memory_space<hbm>> -> memref<16x64xf32, #tpu.memory_space<hbm>>
        tpu.wait_dma2 semaphore(%run_scoped3A_37 : memref<!tpu.dma_semaphore, #tpu.memory_space<semaphore_mem>>) src(%dma_wait3A_49 : memref<16x64xf32, #tpu.memory_space<hbm>>) dst(%dma_wait3A_46 : memref<16x64xf32, #tpu.memory_space<vmem_shared>>)
        tpu.yield
      }) : () -> ()
    } else {
    }
    "tpu.region"() ({
      %run_scoped3A_37 = tpu.sem_alloc : memref<!tpu.dma_semaphore, #tpu.memory_space<semaphore_mem>>
      %dma_start3A_38 = arith.constant 0 : i32
      %dma_start3A_39 = arith.constant 0 : i32
      %dma_start3A_40 = tpu.memref_slice %arg3[%add3A, %dma_start3A_38, %dma_start3A_39] : memref<32x125x80xi32, #tpu.memory_space<hbm>> -> memref<1x125x80xi32, #tpu.memory_space<hbm>>
      %dma_start3A_41 = tpu.memref_squeeze %dma_start3A_40 : memref<1x125x80xi32, #tpu.memory_space<hbm>> -> memref<125x80xi32, #tpu.memory_space<hbm>>
      %dma_start3A_42 = arith.constant 0 : i32
      %dma_start3A_43 = arith.constant 0 : i32
      %dma_start3A_44 = tpu.memref_slice %arg3[%add3A, %dma_start3A_42, %dma_start3A_43] : memref<32x125x80xi32, #tpu.memory_space<hbm>> -> memref<1x125x80xi32, #tpu.memory_space<hbm>>
      %dma_start3A_45 = tpu.memref_squeeze %dma_start3A_44 : memref<1x125x80xi32, #tpu.memory_space<hbm>> -> memref<125x80xi32, #tpu.memory_space<hbm>>
      tpu.enqueue_dma source(%dma_start3A_45 : memref<125x80xi32, #tpu.memory_space<hbm>>) target(%arg8 : memref<125x80xi32, #tpu.memory_space<vmem>>) target_semaphore(%run_scoped3A_37 : memref<!tpu.dma_semaphore, #tpu.memory_space<semaphore_mem>>)
      %dma_wait3A_46 = arith.constant 0 : i32
      %dma_wait3A_47 = arith.constant 0 : i32
      %dma_wait3A_48 = tpu.memref_slice %arg3[%add3A, %dma_wait3A_46, %dma_wait3A_47] : memref<32x125x80xi32, #tpu.memory_space<hbm>> -> memref<1x125x80xi32, #tpu.memory_space<hbm>>
      %dma_wait3A_49 = tpu.memref_squeeze %dma_wait3A_48 : memref<1x125x80xi32, #tpu.memory_space<hbm>> -> memref<125x80xi32, #tpu.memory_space<hbm>>
      %dma_wait3A_50 = arith.constant 0 : i32
      %dma_wait3A_51 = arith.constant 0 : i32
      %dma_wait3A_52 = tpu.memref_slice %arg3[%add3A, %dma_wait3A_50, %dma_wait3A_51] : memref<32x125x80xi32, #tpu.memory_space<hbm>> -> memref<1x125x80xi32, #tpu.memory_space<hbm>>
      %dma_wait3A_53 = tpu.memref_squeeze %dma_wait3A_52 : memref<1x125x80xi32, #tpu.memory_space<hbm>> -> memref<125x80xi32, #tpu.memory_space<hbm>>
      tpu.wait_dma2 semaphore(%run_scoped3A_37 : memref<!tpu.dma_semaphore, #tpu.memory_space<semaphore_mem>>) src(%dma_wait3A_53 : memref<125x80xi32, #tpu.memory_space<hbm>>) dst(%arg8 : memref<125x80xi32, #tpu.memory_space<vmem>>)
      tpu.yield
    }) : () -> ()
    "tpu.region"() ({
      %run_scoped3A_37 = tpu.sem_alloc : memref<!tpu.dma_semaphore, #tpu.memory_space<semaphore_mem>>
      %dma_start3A_38 = arith.constant 0 : i32
      %dma_start3A_39 = arith.constant 0 : i32
      %dma_start3A_40 = tpu.memref_slice %arg4[%add3A, %dma_start3A_38, %dma_start3A_39] : memref<32x125x80xi32, #tpu.memory_space<hbm>> -> memref<1x125x80xi32, #tpu.memory_space<hbm>>
      %dma_start3A_41 = tpu.memref_squeeze %dma_start3A_40 : memref<1x125x80xi32, #tpu.memory_space<hbm>> -> memref<125x80xi32, #tpu.memory_space<hbm>>
      %dma_start3A_42 = arith.constant 0 : i32
      %dma_start3A_43 = arith.constant 0 : i32
      %dma_start3A_44 = tpu.memref_slice %arg4[%add3A, %dma_start3A_42, %dma_start3A_43] : memref<32x125x80xi32, #tpu.memory_space<hbm>> -> memref<1x125x80xi32, #tpu.memory_space<hbm>>
      %dma_start3A_45 = tpu.memref_squeeze %dma_start3A_44 : memref<1x125x80xi32, #tpu.memory_space<hbm>> -> memref<125x80xi32, #tpu.memory_space<hbm>>
      tpu.enqueue_dma source(%dma_start3A_45 : memref<125x80xi32, #tpu.memory_space<hbm>>) target(%arg9 : memref<125x80xi32, #tpu.memory_space<vmem>>) target_semaphore(%run_scoped3A_37 : memref<!tpu.dma_semaphore, #tpu.memory_space<semaphore_mem>>)
      %dma_wait3A_46 = arith.constant 0 : i32
      %dma_wait3A_47 = arith.constant 0 : i32
      %dma_wait3A_48 = tpu.memref_slice %arg4[%add3A, %dma_wait3A_46, %dma_wait3A_47] : memref<32x125x80xi32, #tpu.memory_space<hbm>> -> memref<1x125x80xi32, #tpu.memory_space<hbm>>
      %dma_wait3A_49 = tpu.memref_squeeze %dma_wait3A_48 : memref<1x125x80xi32, #tpu.memory_space<hbm>> -> memref<125x80xi32, #tpu.memory_space<hbm>>
      %dma_wait3A_50 = arith.constant 0 : i32
      %dma_wait3A_51 = arith.constant 0 : i32
      %dma_wait3A_52 = tpu.memref_slice %arg4[%add3A, %dma_wait3A_50, %dma_wait3A_51] : memref<32x125x80xi32, #tpu.memory_space<hbm>> -> memref<1x125x80xi32, #tpu.memory_space<hbm>>
      %dma_wait3A_53 = tpu.memref_squeeze %dma_wait3A_52 : memref<1x125x80xi32, #tpu.memory_space<hbm>> -> memref<125x80xi32, #tpu.memory_space<hbm>>
      tpu.wait_dma2 semaphore(%run_scoped3A_37 : memref<!tpu.dma_semaphore, #tpu.memory_space<semaphore_mem>>) src(%dma_wait3A_53 : memref<125x80xi32, #tpu.memory_space<hbm>>) dst(%arg9 : memref<125x80xi32, #tpu.memory_space<vmem>>)
      tpu.yield
    }) : () -> ()
    %barrier3A = arith.constant 0 : index
    tpu.barrier barrier_id(%barrier3A)
    %dma_start3A = arith.constant 0 : i32
    %dma_start3A_5 = arith.constant 0 : i32
    %dma_start3A_6 = tpu.memref_slice %arg8[%dma_start3A, %dma_start3A_5] : memref<125x80xi32, #tpu.memory_space<vmem>> -> memref<1x80xi32, #tpu.memory_space<vmem>>
    %dma_start3A_7 = tpu.memref_squeeze %dma_start3A_6 : memref<1x80xi32, #tpu.memory_space<vmem>> -> memref<80xi32, #tpu.memory_space<vmem>>
    %dma_start3A_8 = arith.constant 0 : i32
    %dma_start3A_9 = arith.constant 0 : i32
    %dma_start3A_10 = tpu.memref_slice %arg2[%dma_start3A_8, %dma_start3A_9] : memref<10000x64xf32, #tpu.memory_space<hbm>> -> memref<10000x64xf32, #tpu.memory_space<hbm>>
    tpu.enqueue_indirect_dma source(%dma_start3A_10 : memref<10000x64xf32, #tpu.memory_space<hbm>>) target(%arg10 : memref<80x64xf32, #tpu.memory_space<vmem>>) offsets(%dma_start3A_7 : memref<80xi32, #tpu.memory_space<vmem>>) semaphore(%arg12 : memref<!tpu.dma_semaphore, #tpu.memory_space<semaphore_mem>>)
    %scan3A = arith.constant 0 : i32
    %scan3A_11 = arith.constant 0 : i32
    %scan3A_12 = arith.constant 62 : i32
    %scan3A_13 = arith.addi %scan3A_11, %scan3A_12 : i32
    %scan3A_14 = arith.constant 1 : i32
    scf.for %scan3A_37 = %scan3A_11 to %scan3A_13 step %scan3A_14  : i32 {
      %mul3A_38 = arith.constant 2 : i32
      %mul3A_39 = arith.muli %mul3A_38, %scan3A_37 : i32
      %add3A_40 = arith.constant 1 : i32
      %add3A_41 = arith.addi %mul3A_39, %add3A_40 : i32
      %dma_start3A_42 = arith.constant 0 : i32
      %dma_start3A_43 = tpu.memref_slice %arg8[%add3A_41, %dma_start3A_42] : memref<125x80xi32, #tpu.memory_space<vmem>> -> memref<1x80xi32, #tpu.memory_space<vmem>>
      %dma_start3A_44 = tpu.memref_squeeze %dma_start3A_43 : memref<1x80xi32, #tpu.memory_space<vmem>> -> memref<80xi32, #tpu.memory_space<vmem>>
      %dma_start3A_45 = arith.constant 0 : i32
      %dma_start3A_46 = arith.constant 0 : i32
      %dma_start3A_47 = tpu.memref_slice %arg2[%dma_start3A_45, %dma_start3A_46] : memref<10000x64xf32, #tpu.memory_space<hbm>> -> memref<10000x64xf32, #tpu.memory_space<hbm>>
      tpu.enqueue_indirect_dma source(%dma_start3A_47 : memref<10000x64xf32, #tpu.memory_space<hbm>>) target(%arg11 : memref<80x64xf32, #tpu.memory_space<vmem>>) offsets(%dma_start3A_44 : memref<80xi32, #tpu.memory_space<vmem>>) semaphore(%arg13 : memref<!tpu.dma_semaphore, #tpu.memory_space<semaphore_mem>>)
      %dma_wait3A_48 = arith.constant 0 : i32
      %dma_wait3A_49 = arith.constant 0 : i32
      %dma_wait3A_50 = tpu.memref_slice %arg8[%dma_wait3A_48, %dma_wait3A_49] : memref<125x80xi32, #tpu.memory_space<vmem>> -> memref<1x80xi32, #tpu.memory_space<vmem>>
      %dma_wait3A_51 = tpu.memref_squeeze %dma_wait3A_50 : memref<1x80xi32, #tpu.memory_space<vmem>> -> memref<80xi32, #tpu.memory_space<vmem>>
      %dma_wait3A_52 = arith.constant 0 : i32
      %dma_wait3A_53 = arith.constant 0 : i32
      %dma_wait3A_54 = tpu.memref_slice %arg2[%dma_wait3A_52, %dma_wait3A_53] : memref<10000x64xf32, #tpu.memory_space<hbm>> -> memref<10000x64xf32, #tpu.memory_space<hbm>>
      tpu.wait_indirect_dma semaphore(%arg12 : memref<!tpu.dma_semaphore, #tpu.memory_space<semaphore_mem>>) src(%dma_wait3A_54 : memref<10000x64xf32, #tpu.memory_space<hbm>>) dst(%arg10 : memref<80x64xf32, #tpu.memory_space<vmem>>)
      "tpu.region"() ({
        %run_scoped3A_72 = tpu.sem_alloc : memref<!tpu.dma_semaphore, #tpu.memory_space<semaphore_mem>>
        %dma_start3A_73 = arith.constant 0 : i32
        %dma_start3A_74 = tpu.memref_slice %arg9[%mul3A_39, %dma_start3A_73] : memref<125x80xi32, #tpu.memory_space<vmem>> -> memref<1x80xi32, #tpu.memory_space<vmem>>
        %dma_start3A_75 = tpu.memref_squeeze %dma_start3A_74 : memref<1x80xi32, #tpu.memory_space<vmem>> -> memref<80xi32, #tpu.memory_space<vmem>>
        %dma_start3A_76 = arith.constant 0 : i32
        %dma_start3A_77 = arith.constant 0 : i32
        %dma_start3A_78 = tpu.memref_slice %arg7[%dma_start3A_76, %dma_start3A_77] : memref<10000x64xf32, #tpu.memory_space<vmem_shared>> -> memref<10000x64xf32, #tpu.memory_space<vmem_shared>>
        tpu.enqueue_indirect_dma source(%arg10 : memref<80x64xf32, #tpu.memory_space<vmem>>) target(%dma_start3A_78 : memref<10000x64xf32, #tpu.memory_space<vmem_shared>>) offsets(%dma_start3A_75 : memref<80xi32, #tpu.memory_space<vmem>>) semaphore(%run_scoped3A_72 : memref<!tpu.dma_semaphore, #tpu.memory_space<semaphore_mem>>) {add = true}
        %dma_wait3A_79 = arith.constant 0 : i32
        %dma_wait3A_80 = tpu.memref_slice %arg9[%mul3A_39, %dma_wait3A_79] : memref<125x80xi32, #tpu.memory_space<vmem>> -> memref<1x80xi32, #tpu.memory_space<vmem>>
        %dma_wait3A_81 = tpu.memref_squeeze %dma_wait3A_80 : memref<1x80xi32, #tpu.memory_space<vmem>> -> memref<80xi32, #tpu.memory_space<vmem>>
        %dma_wait3A_82 = arith.constant 0 : i32
        %dma_wait3A_83 = arith.constant 0 : i32
        %dma_wait3A_84 = tpu.memref_slice %arg7[%dma_wait3A_82, %dma_wait3A_83] : memref<10000x64xf32, #tpu.memory_space<vmem_shared>> -> memref<10000x64xf32, #tpu.memory_space<vmem_shared>>
        tpu.wait_indirect_dma semaphore(%run_scoped3A_72 : memref<!tpu.dma_semaphore, #tpu.memory_space<semaphore_mem>>) src(%arg10 : memref<80x64xf32, #tpu.memory_space<vmem>>) dst(%dma_wait3A_84 : memref<10000x64xf32, #tpu.memory_space<vmem_shared>>)
        tpu.yield
      }) : () -> ()
      %add3A_55 = arith.constant 2 : i32
      %add3A_56 = arith.addi %mul3A_39, %add3A_55 : i32
      %dma_start3A_57 = arith.constant 0 : i32
      %dma_start3A_58 = tpu.memref_slice %arg8[%add3A_56, %dma_start3A_57] : memref<125x80xi32, #tpu.memory_space<vmem>> -> memref<1x80xi32, #tpu.memory_space<vmem>>
      %dma_start3A_59 = tpu.memref_squeeze %dma_start3A_58 : memref<1x80xi32, #tpu.memory_space<vmem>> -> memref<80xi32, #tpu.memory_space<vmem>>
      %dma_start3A_60 = arith.constant 0 : i32
      %dma_start3A_61 = arith.constant 0 : i32
      %dma_start3A_62 = tpu.memref_slice %arg2[%dma_start3A_60, %dma_start3A_61] : memref<10000x64xf32, #tpu.memory_space<hbm>> -> memref<10000x64xf32, #tpu.memory_space<hbm>>
      tpu.enqueue_indirect_dma source(%dma_start3A_62 : memref<10000x64xf32, #tpu.memory_space<hbm>>) target(%arg10 : memref<80x64xf32, #tpu.memory_space<vmem>>) offsets(%dma_start3A_59 : memref<80xi32, #tpu.memory_space<vmem>>) semaphore(%arg12 : memref<!tpu.dma_semaphore, #tpu.memory_space<semaphore_mem>>)
      %dma_wait3A_63 = arith.constant 0 : i32
      %dma_wait3A_64 = arith.constant 0 : i32
      %dma_wait3A_65 = tpu.memref_slice %arg8[%dma_wait3A_63, %dma_wait3A_64] : memref<125x80xi32, #tpu.memory_space<vmem>> -> memref<1x80xi32, #tpu.memory_space<vmem>>
      %dma_wait3A_66 = tpu.memref_squeeze %dma_wait3A_65 : memref<1x80xi32, #tpu.memory_space<vmem>> -> memref<80xi32, #tpu.memory_space<vmem>>
      %dma_wait3A_67 = arith.constant 0 : i32
      %dma_wait3A_68 = arith.constant 0 : i32
      %dma_wait3A_69 = tpu.memref_slice %arg2[%dma_wait3A_67, %dma_wait3A_68] : memref<10000x64xf32, #tpu.memory_space<hbm>> -> memref<10000x64xf32, #tpu.memory_space<hbm>>
      tpu.wait_indirect_dma semaphore(%arg13 : memref<!tpu.dma_semaphore, #tpu.memory_space<semaphore_mem>>) src(%dma_wait3A_69 : memref<10000x64xf32, #tpu.memory_space<hbm>>) dst(%arg11 : memref<80x64xf32, #tpu.memory_space<vmem>>)
      %add3A_70 = arith.constant 1 : i32
      %add3A_71 = arith.addi %mul3A_39, %add3A_70 : i32
      "tpu.region"() ({
        %run_scoped3A_72 = tpu.sem_alloc : memref<!tpu.dma_semaphore, #tpu.memory_space<semaphore_mem>>
        %dma_start3A_73 = arith.constant 0 : i32
        %dma_start3A_74 = tpu.memref_slice %arg9[%add3A_71, %dma_start3A_73] : memref<125x80xi32, #tpu.memory_space<vmem>> -> memref<1x80xi32, #tpu.memory_space<vmem>>
        %dma_start3A_75 = tpu.memref_squeeze %dma_start3A_74 : memref<1x80xi32, #tpu.memory_space<vmem>> -> memref<80xi32, #tpu.memory_space<vmem>>
        %dma_start3A_76 = arith.constant 0 : i32
        %dma_start3A_77 = arith.constant 0 : i32
        %dma_start3A_78 = tpu.memref_slice %arg7[%dma_start3A_76, %dma_start3A_77] : memref<10000x64xf32, #tpu.memory_space<vmem_shared>> -> memref<10000x64xf32, #tpu.memory_space<vmem_shared>>
        tpu.enqueue_indirect_dma source(%arg11 : memref<80x64xf32, #tpu.memory_space<vmem>>) target(%dma_start3A_78 : memref<10000x64xf32, #tpu.memory_space<vmem_shared>>) offsets(%dma_start3A_75 : memref<80xi32, #tpu.memory_space<vmem>>) semaphore(%run_scoped3A_72 : memref<!tpu.dma_semaphore, #tpu.memory_space<semaphore_mem>>) {add = true}
        %dma_wait3A_79 = arith.constant 0 : i32
        %dma_wait3A_80 = tpu.memref_slice %arg9[%add3A_71, %dma_wait3A_79] : memref<125x80xi32, #tpu.memory_space<vmem>> -> memref<1x80xi32, #tpu.memory_space<vmem>>
        %dma_wait3A_81 = tpu.memref_squeeze %dma_wait3A_80 : memref<1x80xi32, #tpu.memory_space<vmem>> -> memref<80xi32, #tpu.memory_space<vmem>>
        %dma_wait3A_82 = arith.constant 0 : i32
        %dma_wait3A_83 = arith.constant 0 : i32
        %dma_wait3A_84 = tpu.memref_slice %arg7[%dma_wait3A_82, %dma_wait3A_83] : memref<10000x64xf32, #tpu.memory_space<vmem_shared>> -> memref<10000x64xf32, #tpu.memory_space<vmem_shared>>
        tpu.wait_indirect_dma semaphore(%run_scoped3A_72 : memref<!tpu.dma_semaphore, #tpu.memory_space<semaphore_mem>>) src(%arg11 : memref<80x64xf32, #tpu.memory_space<vmem>>) dst(%dma_wait3A_84 : memref<10000x64xf32, #tpu.memory_space<vmem_shared>>)
        tpu.yield
      }) : () -> ()
    }
    %scan3A_15 = arith.constant 62 : i32
    %dma_wait3A = arith.constant 0 : i32
    %dma_wait3A_16 = arith.constant 0 : i32
    %dma_wait3A_17 = tpu.memref_slice %arg8[%dma_wait3A, %dma_wait3A_16] : memref<125x80xi32, #tpu.memory_space<vmem>> -> memref<1x80xi32, #tpu.memory_space<vmem>>
    %dma_wait3A_18 = tpu.memref_squeeze %dma_wait3A_17 : memref<1x80xi32, #tpu.memory_space<vmem>> -> memref<80xi32, #tpu.memory_space<vmem>>
    %dma_wait3A_19 = arith.constant 0 : i32
    %dma_wait3A_20 = arith.constant 0 : i32
    %dma_wait3A_21 = tpu.memref_slice %arg2[%dma_wait3A_19, %dma_wait3A_20] : memref<10000x64xf32, #tpu.memory_space<hbm>> -> memref<10000x64xf32, #tpu.memory_space<hbm>>
    tpu.wait_indirect_dma semaphore(%arg12 : memref<!tpu.dma_semaphore, #tpu.memory_space<semaphore_mem>>) src(%dma_wait3A_21 : memref<10000x64xf32, #tpu.memory_space<hbm>>) dst(%arg10 : memref<80x64xf32, #tpu.memory_space<vmem>>)
    %run_scoped3A = arith.constant 124 : i32
    "tpu.region"() ({
      %run_scoped3A_37 = tpu.sem_alloc : memref<!tpu.dma_semaphore, #tpu.memory_space<semaphore_mem>>
      %dma_start3A_38 = arith.constant 0 : i32
      %dma_start3A_39 = tpu.memref_slice %arg9[%run_scoped3A, %dma_start3A_38] : memref<125x80xi32, #tpu.memory_space<vmem>> -> memref<1x80xi32, #tpu.memory_space<vmem>>
      %dma_start3A_40 = tpu.memref_squeeze %dma_start3A_39 : memref<1x80xi32, #tpu.memory_space<vmem>> -> memref<80xi32, #tpu.memory_space<vmem>>
      %dma_start3A_41 = arith.constant 0 : i32
      %dma_start3A_42 = arith.constant 0 : i32
      %dma_start3A_43 = tpu.memref_slice %arg7[%dma_start3A_41, %dma_start3A_42] : memref<10000x64xf32, #tpu.memory_space<vmem_shared>> -> memref<10000x64xf32, #tpu.memory_space<vmem_shared>>
      tpu.enqueue_indirect_dma source(%arg10 : memref<80x64xf32, #tpu.memory_space<vmem>>) target(%dma_start3A_43 : memref<10000x64xf32, #tpu.memory_space<vmem_shared>>) offsets(%dma_start3A_40 : memref<80xi32, #tpu.memory_space<vmem>>) semaphore(%run_scoped3A_37 : memref<!tpu.dma_semaphore, #tpu.memory_space<semaphore_mem>>) {add = true}
      %dma_wait3A_44 = arith.constant 0 : i32
      %dma_wait3A_45 = tpu.memref_slice %arg9[%run_scoped3A, %dma_wait3A_44] : memref<125x80xi32, #tpu.memory_space<vmem>> -> memref<1x80xi32, #tpu.memory_space<vmem>>
      %dma_wait3A_46 = tpu.memref_squeeze %dma_wait3A_45 : memref<1x80xi32, #tpu.memory_space<vmem>> -> memref<80xi32, #tpu.memory_space<vmem>>
      %dma_wait3A_47 = arith.constant 0 : i32
      %dma_wait3A_48 = arith.constant 0 : i32
      %dma_wait3A_49 = tpu.memref_slice %arg7[%dma_wait3A_47, %dma_wait3A_48] : memref<10000x64xf32, #tpu.memory_space<vmem_shared>> -> memref<10000x64xf32, #tpu.memory_space<vmem_shared>>
      tpu.wait_indirect_dma semaphore(%run_scoped3A_37 : memref<!tpu.dma_semaphore, #tpu.memory_space<semaphore_mem>>) src(%arg10 : memref<80x64xf32, #tpu.memory_space<vmem>>) dst(%dma_wait3A_49 : memref<10000x64xf32, #tpu.memory_space<vmem_shared>>)
      tpu.yield
    }) : () -> ()
    %barrier3A_22 = arith.constant 0 : index
    tpu.barrier barrier_id(%barrier3A_22)
    %mul3A_23 = arith.constant 624 : i32
    %mul3A_24 = arith.muli %arg1, %mul3A_23 : i32
    %multiple_of3A_25 = tpu.assume_multiple %mul3A_24, 8 : i32
    %mul3A_26 = arith.constant 10000 : i32
    %mul3A_27 = arith.muli %arg0, %mul3A_26 : i32
    %mul3A_28 = arith.constant 624 : i32
    %mul3A_29 = arith.muli %arg1, %mul3A_28 : i32
    %add3A_30 = arith.addi %mul3A_27, %mul3A_29 : i32
    %multiple_of3A_31 = tpu.assume_multiple %add3A_30, 8 : i32
    "tpu.region"() ({
      %run_scoped3A_37 = tpu.sem_alloc : memref<!tpu.dma_semaphore, #tpu.memory_space<semaphore_mem>>
      %dma_start3A_38 = arith.constant 0 : i32
      %dma_start3A_39 = tpu.memref_slice %arg6[%multiple_of3A_31, %dma_start3A_38] : memref<20000x64xf32, #tpu.memory_space<hbm>> -> memref<624x64xf32, #tpu.memory_space<hbm>>
      %dma_start3A_40 = arith.constant 0 : i32
      %dma_start3A_41 = tpu.memref_slice %arg7[%multiple_of3A_25, %dma_start3A_40] : memref<10000x64xf32, #tpu.memory_space<vmem_shared>> -> memref<624x64xf32, #tpu.memory_space<vmem_shared>>
      tpu.enqueue_dma source(%dma_start3A_41 : memref<624x64xf32, #tpu.memory_space<vmem_shared>>) target(%dma_start3A_39 : memref<624x64xf32, #tpu.memory_space<hbm>>) target_semaphore(%run_scoped3A_37 : memref<!tpu.dma_semaphore, #tpu.memory_space<semaphore_mem>>)
      %dma_wait3A_42 = arith.constant 0 : i32
      %dma_wait3A_43 = tpu.memref_slice %arg6[%multiple_of3A_31, %dma_wait3A_42] : memref<20000x64xf32, #tpu.memory_space<hbm>> -> memref<624x64xf32, #tpu.memory_space<hbm>>
      %dma_wait3A_44 = arith.constant 0 : i32
      %dma_wait3A_45 = tpu.memref_slice %arg7[%multiple_of3A_25, %dma_wait3A_44] : memref<10000x64xf32, #tpu.memory_space<vmem_shared>> -> memref<624x64xf32, #tpu.memory_space<vmem_shared>>
      tpu.wait_dma2 semaphore(%run_scoped3A_37 : memref<!tpu.dma_semaphore, #tpu.memory_space<semaphore_mem>>) src(%dma_wait3A_45 : memref<624x64xf32, #tpu.memory_space<vmem_shared>>) dst(%dma_wait3A_43 : memref<624x64xf32, #tpu.memory_space<hbm>>)
      tpu.yield
    }) : () -> ()
    %eq3A_32 = arith.constant 15 : i32
    %eq3A_33 = arith.cmpi eq, %arg1, %eq3A_32 : i32
    %convert_element_type3A_34 = arith.extui %eq3A_33 : i1 to i32
    %cond3A_35 = arith.constant 0 : i32
    %cond3A_36 = arith.cmpi ne, %convert_element_type3A_34, %cond3A_35 : i32
    scf.if %cond3A_36 {
      %mul3A_37 = arith.constant 10000 : i32
      %mul3A_38 = arith.muli %arg0, %mul3A_37 : i32
      %add3A_39 = arith.constant 9984 : i32
      %add3A_40 = arith.addi %mul3A_38, %add3A_39 : i32
      "tpu.region"() ({
        %run_scoped3A_41 = tpu.sem_alloc : memref<!tpu.dma_semaphore, #tpu.memory_space<semaphore_mem>>
        %dma_start3A_42 = arith.constant 0 : i32
        %dma_start3A_43 = tpu.memref_slice %arg6[%add3A_40, %dma_start3A_42] : memref<20000x64xf32, #tpu.memory_space<hbm>> -> memref<16x64xf32, #tpu.memory_space<hbm>>
        %dma_start3A_44 = arith.constant 9984 : i32
        %dma_start3A_45 = arith.constant 0 : i32
        %dma_start3A_46 = tpu.memref_slice %arg7[%dma_start3A_44, %dma_start3A_45] : memref<10000x64xf32, #tpu.memory_space<vmem_shared>> -> memref<16x64xf32, #tpu.memory_space<vmem_shared>>
        tpu.enqueue_dma source(%dma_start3A_46 : memref<16x64xf32, #tpu.memory_space<vmem_shared>>) target(%dma_start3A_43 : memref<16x64xf32, #tpu.memory_space<hbm>>) target_semaphore(%run_scoped3A_41 : memref<!tpu.dma_semaphore, #tpu.memory_space<semaphore_mem>>)
        %dma_wait3A_47 = arith.constant 0 : i32
        %dma_wait3A_48 = tpu.memref_slice %arg6[%add3A_40, %dma_wait3A_47] : memref<20000x64xf32, #tpu.memory_space<hbm>> -> memref<16x64xf32, #tpu.memory_space<hbm>>
        %dma_wait3A_49 = arith.constant 9984 : i32
        %dma_wait3A_50 = arith.constant 0 : i32
        %dma_wait3A_51 = tpu.memref_slice %arg7[%dma_wait3A_49, %dma_wait3A_50] : memref<10000x64xf32, #tpu.memory_space<vmem_shared>> -> memref<16x64xf32, #tpu.memory_space<vmem_shared>>
        tpu.wait_dma2 semaphore(%run_scoped3A_41 : memref<!tpu.dma_semaphore, #tpu.memory_space<semaphore_mem>>) src(%dma_wait3A_51 : memref<16x64xf32, #tpu.memory_space<vmem_shared>>) dst(%dma_wait3A_48 : memref<16x64xf32, #tpu.memory_space<hbm>>)
        tpu.yield
      }) : () -> ()
    } else {
    }
    return
  }
}

#map = affine_map<(d0, d1) -> (0, 0)>
#map1 = affine_map<(d0, d1) -> (0, 0, 0)>
module attributes {stable_mosaic.version = 14 : i64} {
  func.func @_sc_scatter(%arg0: i32, %arg1: i32, %arg2: memref<10000x64xf32, #tpu.memory_space<hbm>>, %arg3: memref<32x125x80xi32, #tpu.memory_space<hbm>>, %arg4: memref<32x125x80xi32, #tpu.memory_space<hbm>>, %arg5: memref<10000x64xf32, #tpu.memory_space<hbm>>, %arg6: memref<20000x64xf32, #tpu.memory_space<hbm>>, %arg7: memref<10000x64xf32, #tpu.memory_space<vmem_shared>>, %arg8: memref<125x80xi32, #tpu.memory_space<vmem>>, %arg9: memref<125x80xi32, #tpu.memory_space<vmem>>, %arg10: memref<80x64xf32, #tpu.memory_space<vmem>>, %arg11: memref<80x64xf32, #tpu.memory_space<vmem>>, %arg12: memref<!tpu.dma_semaphore, #tpu.memory_space<semaphore_mem>>, %arg13: memref<!tpu.dma_semaphore, #tpu.memory_space<semaphore_mem>>) attributes {dimension_semantics = [#tpu.dimension_semantics<core_parallel>, #tpu.dimension_semantics<subcore_parallel>], iteration_bounds = array<i64: 2, 16>, scalar_prefetch = 0 : i64, scratch_operands = 7 : i64, tpu.core_type = #tpu.core_type<sc_vector_subcore>, window_params = [{transform_indices = #map}, {transform_indices = #map1}, {transform_indices = #map1}, {transform_indices = #map}, {transform_indices = #map}]} {
    %mul3A = arith.constant 2 : i32
    %mul3A_0 = arith.muli %arg1, %mul3A : i32
    %add3A = arith.addi %mul3A_0, %arg0 : i32
    %mul3A_1 = arith.constant 624 : i32
    %mul3A_2 = arith.muli %arg1, %mul3A_1 : i32
    %multiple_of3A = tpu.assume_multiple %mul3A_2, 8 : i32
    "tpu.region"() ({
      %run_scoped3A_37 = tpu.sem_alloc : memref<!tpu.dma_semaphore, #tpu.memory_space<semaphore_mem>>
      %dma_start3A_38 = arith.constant 0 : i32
      %dma_start3A_39 = tpu.memref_slice %arg7[%multiple_of3A, %dma_start3A_38] : memref<10000x64xf32, #tpu.memory_space<vmem_shared>> -> memref<624x64xf32, #tpu.memory_space<vmem_shared>>
      %dma_start3A_40 = arith.constant 0 : i32
      %dma_start3A_41 = tpu.memref_slice %arg5[%multiple_of3A, %dma_start3A_40] : memref<10000x64xf32, #tpu.memory_space<hbm>> -> memref<624x64xf32, #tpu.memory_space<hbm>>
      tpu.enqueue_dma source(%dma_start3A_41 : memref<624x64xf32, #tpu.memory_space<hbm>>) target(%dma_start3A_39 : memref<624x64xf32, #tpu.memory_space<vmem_shared>>) target_semaphore(%run_scoped3A_37 : memref<!tpu.dma_semaphore, #tpu.memory_space<semaphore_mem>>)
      %dma_wait3A_42 = arith.constant 0 : i32
      %dma_wait3A_43 = tpu.memref_slice %arg7[%multiple_of3A, %dma_wait3A_42] : memref<10000x64xf32, #tpu.memory_space<vmem_shared>> -> memref<624x64xf32, #tpu.memory_space<vmem_shared>>
      %dma_wait3A_44 = arith.constant 0 : i32
      %dma_wait3A_45 = tpu.memref_slice %arg5[%multiple_of3A, %dma_wait3A_44] : memref<10000x64xf32, #tpu.memory_space<hbm>> -> memref<624x64xf32, #tpu.memory_space<hbm>>
      tpu.wait_dma2 semaphore(%run_scoped3A_37 : memref<!tpu.dma_semaphore, #tpu.memory_space<semaphore_mem>>) src(%dma_wait3A_45 : memref<624x64xf32, #tpu.memory_space<hbm>>) dst(%dma_wait3A_43 : memref<624x64xf32, #tpu.memory_space<vmem_shared>>)
      tpu.yield
    }) : () -> ()
    %eq3A = arith.constant 15 : i32
    %eq3A_3 = arith.cmpi eq, %arg1, %eq3A : i32
    %convert_element_type3A = arith.extui %eq3A_3 : i1 to i32
    %cond3A = arith.constant 0 : i32
    %cond3A_4 = arith.cmpi ne, %convert_element_type3A, %cond3A : i32
    scf.if %cond3A_4 {
      "tpu.region"() ({
        %run_scoped3A_37 = tpu.sem_alloc : memref<!tpu.dma_semaphore, #tpu.memory_space<semaphore_mem>>
        %dma_start3A_38 = arith.constant 9984 : i32
        %dma_start3A_39 = arith.constant 0 : i32
        %dma_start3A_40 = tpu.memref_slice %arg7[%dma_start3A_38, %dma_start3A_39] : memref<10000x64xf32, #tpu.memory_space<vmem_shared>> -> memref<16x64xf32, #tpu.memory_space<vmem_shared>>
        %dma_start3A_41 = arith.constant 9984 : i32
        %dma_start3A_42 = arith.constant 0 : i32
        %dma_start3A_43 = tpu.memref_slice %arg5[%dma_start3A_41, %dma_start3A_42] : memref<10000x64xf32, #tpu.memory_space<hbm>> -> memref<16x64xf32, #tpu.memory_space<hbm>>
        tpu.enqueue_dma source(%dma_start3A_43 : memref<16x64xf32, #tpu.memory_space<hbm>>) target(%dma_start3A_40 : memref<16x64xf32, #tpu.memory_space<vmem_shared>>) target_semaphore(%run_scoped3A_37 : memref<!tpu.dma_semaphore, #tpu.memory_space<semaphore_mem>>)
        %dma_wait3A_44 = arith.constant 9984 : i32
        %dma_wait3A_45 = arith.constant 0 : i32
        %dma_wait3A_46 = tpu.memref_slice %arg7[%dma_wait3A_44, %dma_wait3A_45] : memref<10000x64xf32, #tpu.memory_space<vmem_shared>> -> memref<16x64xf32, #tpu.memory_space<vmem_shared>>
        %dma_wait3A_47 = arith.constant 9984 : i32
        %dma_wait3A_48 = arith.constant 0 : i32
        %dma_wait3A_49 = tpu.memref_slice %arg5[%dma_wait3A_47, %dma_wait3A_48] : memref<10000x64xf32, #tpu.memory_space<hbm>> -> memref<16x64xf32, #tpu.memory_space<hbm>>
        tpu.wait_dma2 semaphore(%run_scoped3A_37 : memref<!tpu.dma_semaphore, #tpu.memory_space<semaphore_mem>>) src(%dma_wait3A_49 : memref<16x64xf32, #tpu.memory_space<hbm>>) dst(%dma_wait3A_46 : memref<16x64xf32, #tpu.memory_space<vmem_shared>>)
        tpu.yield
      }) : () -> ()
    } else {
    }
    "tpu.region"() ({
      %run_scoped3A_37 = tpu.sem_alloc : memref<!tpu.dma_semaphore, #tpu.memory_space<semaphore_mem>>
      %dma_start3A_38 = arith.constant 0 : i32
      %dma_start3A_39 = arith.constant 0 : i32
      %dma_start3A_40 = tpu.memref_slice %arg3[%add3A, %dma_start3A_38, %dma_start3A_39] : memref<32x125x80xi32, #tpu.memory_space<hbm>> -> memref<1x125x80xi32, #tpu.memory_space<hbm>>
      %dma_start3A_41 = tpu.memref_squeeze %dma_start3A_40 : memref<1x125x80xi32, #tpu.memory_space<hbm>> -> memref<125x80xi32, #tpu.memory_space<hbm>>
      %dma_start3A_42 = arith.constant 0 : i32
      %dma_start3A_43 = arith.constant 0 : i32
      %dma_start3A_44 = tpu.memref_slice %arg3[%add3A, %dma_start3A_42, %dma_start3A_43] : memref<32x125x80xi32, #tpu.memory_space<hbm>> -> memref<1x125x80xi32, #tpu.memory_space<hbm>>
      %dma_start3A_45 = tpu.memref_squeeze %dma_start3A_44 : memref<1x125x80xi32, #tpu.memory_space<hbm>> -> memref<125x80xi32, #tpu.memory_space<hbm>>
      tpu.enqueue_dma source(%dma_start3A_45 : memref<125x80xi32, #tpu.memory_space<hbm>>) target(%arg8 : memref<125x80xi32, #tpu.memory_space<vmem>>) target_semaphore(%run_scoped3A_37 : memref<!tpu.dma_semaphore, #tpu.memory_space<semaphore_mem>>)
      %dma_wait3A_46 = arith.constant 0 : i32
      %dma_wait3A_47 = arith.constant 0 : i32
      %dma_wait3A_48 = tpu.memref_slice %arg3[%add3A, %dma_wait3A_46, %dma_wait3A_47] : memref<32x125x80xi32, #tpu.memory_space<hbm>> -> memref<1x125x80xi32, #tpu.memory_space<hbm>>
      %dma_wait3A_49 = tpu.memref_squeeze %dma_wait3A_48 : memref<1x125x80xi32, #tpu.memory_space<hbm>> -> memref<125x80xi32, #tpu.memory_space<hbm>>
      %dma_wait3A_50 = arith.constant 0 : i32
      %dma_wait3A_51 = arith.constant 0 : i32
      %dma_wait3A_52 = tpu.memref_slice %arg3[%add3A, %dma_wait3A_50, %dma_wait3A_51] : memref<32x125x80xi32, #tpu.memory_space<hbm>> -> memref<1x125x80xi32, #tpu.memory_space<hbm>>
      %dma_wait3A_53 = tpu.memref_squeeze %dma_wait3A_52 : memref<1x125x80xi32, #tpu.memory_space<hbm>> -> memref<125x80xi32, #tpu.memory_space<hbm>>
      tpu.wait_dma2 semaphore(%run_scoped3A_37 : memref<!tpu.dma_semaphore, #tpu.memory_space<semaphore_mem>>) src(%dma_wait3A_53 : memref<125x80xi32, #tpu.memory_space<hbm>>) dst(%arg8 : memref<125x80xi32, #tpu.memory_space<vmem>>)
      tpu.yield
    }) : () -> ()
    "tpu.region"() ({
      %run_scoped3A_37 = tpu.sem_alloc : memref<!tpu.dma_semaphore, #tpu.memory_space<semaphore_mem>>
      %dma_start3A_38 = arith.constant 0 : i32
      %dma_start3A_39 = arith.constant 0 : i32
      %dma_start3A_40 = tpu.memref_slice %arg4[%add3A, %dma_start3A_38, %dma_start3A_39] : memref<32x125x80xi32, #tpu.memory_space<hbm>> -> memref<1x125x80xi32, #tpu.memory_space<hbm>>
      %dma_start3A_41 = tpu.memref_squeeze %dma_start3A_40 : memref<1x125x80xi32, #tpu.memory_space<hbm>> -> memref<125x80xi32, #tpu.memory_space<hbm>>
      %dma_start3A_42 = arith.constant 0 : i32
      %dma_start3A_43 = arith.constant 0 : i32
      %dma_start3A_44 = tpu.memref_slice %arg4[%add3A, %dma_start3A_42, %dma_start3A_43] : memref<32x125x80xi32, #tpu.memory_space<hbm>> -> memref<1x125x80xi32, #tpu.memory_space<hbm>>
      %dma_start3A_45 = tpu.memref_squeeze %dma_start3A_44 : memref<1x125x80xi32, #tpu.memory_space<hbm>> -> memref<125x80xi32, #tpu.memory_space<hbm>>
      tpu.enqueue_dma source(%dma_start3A_45 : memref<125x80xi32, #tpu.memory_space<hbm>>) target(%arg9 : memref<125x80xi32, #tpu.memory_space<vmem>>) target_semaphore(%run_scoped3A_37 : memref<!tpu.dma_semaphore, #tpu.memory_space<semaphore_mem>>)
      %dma_wait3A_46 = arith.constant 0 : i32
      %dma_wait3A_47 = arith.constant 0 : i32
      %dma_wait3A_48 = tpu.memref_slice %arg4[%add3A, %dma_wait3A_46, %dma_wait3A_47] : memref<32x125x80xi32, #tpu.memory_space<hbm>> -> memref<1x125x80xi32, #tpu.memory_space<hbm>>
      %dma_wait3A_49 = tpu.memref_squeeze %dma_wait3A_48 : memref<1x125x80xi32, #tpu.memory_space<hbm>> -> memref<125x80xi32, #tpu.memory_space<hbm>>
      %dma_wait3A_50 = arith.constant 0 : i32
      %dma_wait3A_51 = arith.constant 0 : i32
      %dma_wait3A_52 = tpu.memref_slice %arg4[%add3A, %dma_wait3A_50, %dma_wait3A_51] : memref<32x125x80xi32, #tpu.memory_space<hbm>> -> memref<1x125x80xi32, #tpu.memory_space<hbm>>
      %dma_wait3A_53 = tpu.memref_squeeze %dma_wait3A_52 : memref<1x125x80xi32, #tpu.memory_space<hbm>> -> memref<125x80xi32, #tpu.memory_space<hbm>>
      tpu.wait_dma2 semaphore(%run_scoped3A_37 : memref<!tpu.dma_semaphore, #tpu.memory_space<semaphore_mem>>) src(%dma_wait3A_53 : memref<125x80xi32, #tpu.memory_space<hbm>>) dst(%arg9 : memref<125x80xi32, #tpu.memory_space<vmem>>)
      tpu.yield
    }) : () -> ()
    %barrier3A = arith.constant 0 : index
    tpu.barrier barrier_id(%barrier3A)
    %dma_start3A = arith.constant 0 : i32
    %dma_start3A_5 = arith.constant 0 : i32
    %dma_start3A_6 = tpu.memref_slice %arg8[%dma_start3A, %dma_start3A_5] : memref<125x80xi32, #tpu.memory_space<vmem>> -> memref<1x80xi32, #tpu.memory_space<vmem>>
    %dma_start3A_7 = tpu.memref_squeeze %dma_start3A_6 : memref<1x80xi32, #tpu.memory_space<vmem>> -> memref<80xi32, #tpu.memory_space<vmem>>
    %dma_start3A_8 = arith.constant 0 : i32
    %dma_start3A_9 = arith.constant 0 : i32
    %dma_start3A_10 = tpu.memref_slice %arg2[%dma_start3A_8, %dma_start3A_9] : memref<10000x64xf32, #tpu.memory_space<hbm>> -> memref<10000x64xf32, #tpu.memory_space<hbm>>
    tpu.enqueue_indirect_dma source(%dma_start3A_10 : memref<10000x64xf32, #tpu.memory_space<hbm>>) target(%arg10 : memref<80x64xf32, #tpu.memory_space<vmem>>) offsets(%dma_start3A_7 : memref<80xi32, #tpu.memory_space<vmem>>) semaphore(%arg12 : memref<!tpu.dma_semaphore, #tpu.memory_space<semaphore_mem>>)
    %scan3A = arith.constant 0 : i32
    %scan3A_11 = arith.constant 0 : i32
    %scan3A_12 = arith.constant 62 : i32
    %scan3A_13 = arith.addi %scan3A_11, %scan3A_12 : i32
    %scan3A_14 = arith.constant 1 : i32
    scf.for %scan3A_37 = %scan3A_11 to %scan3A_13 step %scan3A_14  : i32 {
      %mul3A_38 = arith.constant 2 : i32
      %mul3A_39 = arith.muli %mul3A_38, %scan3A_37 : i32
      %add3A_40 = arith.constant 1 : i32
      %add3A_41 = arith.addi %mul3A_39, %add3A_40 : i32
      %dma_start3A_42 = arith.constant 0 : i32
      %dma_start3A_43 = tpu.memref_slice %arg8[%add3A_41, %dma_start3A_42] : memref<125x80xi32, #tpu.memory_space<vmem>> -> memref<1x80xi32, #tpu.memory_space<vmem>>
      %dma_start3A_44 = tpu.memref_squeeze %dma_start3A_43 : memref<1x80xi32, #tpu.memory_space<vmem>> -> memref<80xi32, #tpu.memory_space<vmem>>
      %dma_start3A_45 = arith.constant 0 : i32
      %dma_start3A_46 = arith.constant 0 : i32
      %dma_start3A_47 = tpu.memref_slice %arg2[%dma_start3A_45, %dma_start3A_46] : memref<10000x64xf32, #tpu.memory_space<hbm>> -> memref<10000x64xf32, #tpu.memory_space<hbm>>
      tpu.enqueue_indirect_dma source(%dma_start3A_47 : memref<10000x64xf32, #tpu.memory_space<hbm>>) target(%arg11 : memref<80x64xf32, #tpu.memory_space<vmem>>) offsets(%dma_start3A_44 : memref<80xi32, #tpu.memory_space<vmem>>) semaphore(%arg13 : memref<!tpu.dma_semaphore, #tpu.memory_space<semaphore_mem>>)
      %dma_wait3A_48 = arith.constant 0 : i32
      %dma_wait3A_49 = arith.constant 0 : i32
      %dma_wait3A_50 = tpu.memref_slice %arg8[%dma_wait3A_48, %dma_wait3A_49] : memref<125x80xi32, #tpu.memory_space<vmem>> -> memref<1x80xi32, #tpu.memory_space<vmem>>
      %dma_wait3A_51 = tpu.memref_squeeze %dma_wait3A_50 : memref<1x80xi32, #tpu.memory_space<vmem>> -> memref<80xi32, #tpu.memory_space<vmem>>
      %dma_wait3A_52 = arith.constant 0 : i32
      %dma_wait3A_53 = arith.constant 0 : i32
      %dma_wait3A_54 = tpu.memref_slice %arg2[%dma_wait3A_52, %dma_wait3A_53] : memref<10000x64xf32, #tpu.memory_space<hbm>> -> memref<10000x64xf32, #tpu.memory_space<hbm>>
      tpu.wait_indirect_dma semaphore(%arg12 : memref<!tpu.dma_semaphore, #tpu.memory_space<semaphore_mem>>) src(%dma_wait3A_54 : memref<10000x64xf32, #tpu.memory_space<hbm>>) dst(%arg10 : memref<80x64xf32, #tpu.memory_space<vmem>>)
      "tpu.region"() ({
        %run_scoped3A_72 = tpu.sem_alloc : memref<!tpu.dma_semaphore, #tpu.memory_space<semaphore_mem>>
        %dma_start3A_73 = arith.constant 0 : i32
        %dma_start3A_74 = tpu.memref_slice %arg9[%mul3A_39, %dma_start3A_73] : memref<125x80xi32, #tpu.memory_space<vmem>> -> memref<1x80xi32, #tpu.memory_space<vmem>>
        %dma_start3A_75 = tpu.memref_squeeze %dma_start3A_74 : memref<1x80xi32, #tpu.memory_space<vmem>> -> memref<80xi32, #tpu.memory_space<vmem>>
        %dma_start3A_76 = arith.constant 0 : i32
        %dma_start3A_77 = arith.constant 0 : i32
        %dma_start3A_78 = tpu.memref_slice %arg7[%dma_start3A_76, %dma_start3A_77] : memref<10000x64xf32, #tpu.memory_space<vmem_shared>> -> memref<10000x64xf32, #tpu.memory_space<vmem_shared>>
        tpu.enqueue_indirect_dma source(%arg10 : memref<80x64xf32, #tpu.memory_space<vmem>>) target(%dma_start3A_78 : memref<10000x64xf32, #tpu.memory_space<vmem_shared>>) offsets(%dma_start3A_75 : memref<80xi32, #tpu.memory_space<vmem>>) semaphore(%run_scoped3A_72 : memref<!tpu.dma_semaphore, #tpu.memory_space<semaphore_mem>>) {add = true}
        %dma_wait3A_79 = arith.constant 0 : i32
        %dma_wait3A_80 = tpu.memref_slice %arg9[%mul3A_39, %dma_wait3A_79] : memref<125x80xi32, #tpu.memory_space<vmem>> -> memref<1x80xi32, #tpu.memory_space<vmem>>
        %dma_wait3A_81 = tpu.memref_squeeze %dma_wait3A_80 : memref<1x80xi32, #tpu.memory_space<vmem>> -> memref<80xi32, #tpu.memory_space<vmem>>
        %dma_wait3A_82 = arith.constant 0 : i32
        %dma_wait3A_83 = arith.constant 0 : i32
        %dma_wait3A_84 = tpu.memref_slice %arg7[%dma_wait3A_82, %dma_wait3A_83] : memref<10000x64xf32, #tpu.memory_space<vmem_shared>> -> memref<10000x64xf32, #tpu.memory_space<vmem_shared>>
        tpu.wait_indirect_dma semaphore(%run_scoped3A_72 : memref<!tpu.dma_semaphore, #tpu.memory_space<semaphore_mem>>) src(%arg10 : memref<80x64xf32, #tpu.memory_space<vmem>>) dst(%dma_wait3A_84 : memref<10000x64xf32, #tpu.memory_space<vmem_shared>>)
        tpu.yield
      }) : () -> ()
      %add3A_55 = arith.constant 2 : i32
      %add3A_56 = arith.addi %mul3A_39, %add3A_55 : i32
      %dma_start3A_57 = arith.constant 0 : i32
      %dma_start3A_58 = tpu.memref_slice %arg8[%add3A_56, %dma_start3A_57] : memref<125x80xi32, #tpu.memory_space<vmem>> -> memref<1x80xi32, #tpu.memory_space<vmem>>
      %dma_start3A_59 = tpu.memref_squeeze %dma_start3A_58 : memref<1x80xi32, #tpu.memory_space<vmem>> -> memref<80xi32, #tpu.memory_space<vmem>>
      %dma_start3A_60 = arith.constant 0 : i32
      %dma_start3A_61 = arith.constant 0 : i32
      %dma_start3A_62 = tpu.memref_slice %arg2[%dma_start3A_60, %dma_start3A_61] : memref<10000x64xf32, #tpu.memory_space<hbm>> -> memref<10000x64xf32, #tpu.memory_space<hbm>>
      tpu.enqueue_indirect_dma source(%dma_start3A_62 : memref<10000x64xf32, #tpu.memory_space<hbm>>) target(%arg10 : memref<80x64xf32, #tpu.memory_space<vmem>>) offsets(%dma_start3A_59 : memref<80xi32, #tpu.memory_space<vmem>>) semaphore(%arg12 : memref<!tpu.dma_semaphore, #tpu.memory_space<semaphore_mem>>)
      %dma_wait3A_63 = arith.constant 0 : i32
      %dma_wait3A_64 = arith.constant 0 : i32
      %dma_wait3A_65 = tpu.memref_slice %arg8[%dma_wait3A_63, %dma_wait3A_64] : memref<125x80xi32, #tpu.memory_space<vmem>> -> memref<1x80xi32, #tpu.memory_space<vmem>>
      %dma_wait3A_66 = tpu.memref_squeeze %dma_wait3A_65 : memref<1x80xi32, #tpu.memory_space<vmem>> -> memref<80xi32, #tpu.memory_space<vmem>>
      %dma_wait3A_67 = arith.constant 0 : i32
      %dma_wait3A_68 = arith.constant 0 : i32
      %dma_wait3A_69 = tpu.memref_slice %arg2[%dma_wait3A_67, %dma_wait3A_68] : memref<10000x64xf32, #tpu.memory_space<hbm>> -> memref<10000x64xf32, #tpu.memory_space<hbm>>
      tpu.wait_indirect_dma semaphore(%arg13 : memref<!tpu.dma_semaphore, #tpu.memory_space<semaphore_mem>>) src(%dma_wait3A_69 : memref<10000x64xf32, #tpu.memory_space<hbm>>) dst(%arg11 : memref<80x64xf32, #tpu.memory_space<vmem>>)
      %add3A_70 = arith.constant 1 : i32
      %add3A_71 = arith.addi %mul3A_39, %add3A_70 : i32
      "tpu.region"() ({
        %run_scoped3A_72 = tpu.sem_alloc : memref<!tpu.dma_semaphore, #tpu.memory_space<semaphore_mem>>
        %dma_start3A_73 = arith.constant 0 : i32
        %dma_start3A_74 = tpu.memref_slice %arg9[%add3A_71, %dma_start3A_73] : memref<125x80xi32, #tpu.memory_space<vmem>> -> memref<1x80xi32, #tpu.memory_space<vmem>>
        %dma_start3A_75 = tpu.memref_squeeze %dma_start3A_74 : memref<1x80xi32, #tpu.memory_space<vmem>> -> memref<80xi32, #tpu.memory_space<vmem>>
        %dma_start3A_76 = arith.constant 0 : i32
        %dma_start3A_77 = arith.constant 0 : i32
        %dma_start3A_78 = tpu.memref_slice %arg7[%dma_start3A_76, %dma_start3A_77] : memref<10000x64xf32, #tpu.memory_space<vmem_shared>> -> memref<10000x64xf32, #tpu.memory_space<vmem_shared>>
        tpu.enqueue_indirect_dma source(%arg11 : memref<80x64xf32, #tpu.memory_space<vmem>>) target(%dma_start3A_78 : memref<10000x64xf32, #tpu.memory_space<vmem_shared>>) offsets(%dma_start3A_75 : memref<80xi32, #tpu.memory_space<vmem>>) semaphore(%run_scoped3A_72 : memref<!tpu.dma_semaphore, #tpu.memory_space<semaphore_mem>>) {add = true}
        %dma_wait3A_79 = arith.constant 0 : i32
        %dma_wait3A_80 = tpu.memref_slice %arg9[%add3A_71, %dma_wait3A_79] : memref<125x80xi32, #tpu.memory_space<vmem>> -> memref<1x80xi32, #tpu.memory_space<vmem>>
        %dma_wait3A_81 = tpu.memref_squeeze %dma_wait3A_80 : memref<1x80xi32, #tpu.memory_space<vmem>> -> memref<80xi32, #tpu.memory_space<vmem>>
        %dma_wait3A_82 = arith.constant 0 : i32
        %dma_wait3A_83 = arith.constant 0 : i32
        %dma_wait3A_84 = tpu.memref_slice %arg7[%dma_wait3A_82, %dma_wait3A_83] : memref<10000x64xf32, #tpu.memory_space<vmem_shared>> -> memref<10000x64xf32, #tpu.memory_space<vmem_shared>>
        tpu.wait_indirect_dma semaphore(%run_scoped3A_72 : memref<!tpu.dma_semaphore, #tpu.memory_space<semaphore_mem>>) src(%arg11 : memref<80x64xf32, #tpu.memory_space<vmem>>) dst(%dma_wait3A_84 : memref<10000x64xf32, #tpu.memory_space<vmem_shared>>)
        tpu.yield
      }) : () -> ()
    }
    %scan3A_15 = arith.constant 62 : i32
    %dma_wait3A = arith.constant 0 : i32
    %dma_wait3A_16 = arith.constant 0 : i32
    %dma_wait3A_17 = tpu.memref_slice %arg8[%dma_wait3A, %dma_wait3A_16] : memref<125x80xi32, #tpu.memory_space<vmem>> -> memref<1x80xi32, #tpu.memory_space<vmem>>
    %dma_wait3A_18 = tpu.memref_squeeze %dma_wait3A_17 : memref<1x80xi32, #tpu.memory_space<vmem>> -> memref<80xi32, #tpu.memory_space<vmem>>
    %dma_wait3A_19 = arith.constant 0 : i32
    %dma_wait3A_20 = arith.constant 0 : i32
    %dma_wait3A_21 = tpu.memref_slice %arg2[%dma_wait3A_19, %dma_wait3A_20] : memref<10000x64xf32, #tpu.memory_space<hbm>> -> memref<10000x64xf32, #tpu.memory_space<hbm>>
    tpu.wait_indirect_dma semaphore(%arg12 : memref<!tpu.dma_semaphore, #tpu.memory_space<semaphore_mem>>) src(%dma_wait3A_21 : memref<10000x64xf32, #tpu.memory_space<hbm>>) dst(%arg10 : memref<80x64xf32, #tpu.memory_space<vmem>>)
    %run_scoped3A = arith.constant 124 : i32
    "tpu.region"() ({
      %run_scoped3A_37 = tpu.sem_alloc : memref<!tpu.dma_semaphore, #tpu.memory_space<semaphore_mem>>
      %dma_start3A_38 = arith.constant 0 : i32
      %dma_start3A_39 = tpu.memref_slice %arg9[%run_scoped3A, %dma_start3A_38] : memref<125x80xi32, #tpu.memory_space<vmem>> -> memref<1x80xi32, #tpu.memory_space<vmem>>
      %dma_start3A_40 = tpu.memref_squeeze %dma_start3A_39 : memref<1x80xi32, #tpu.memory_space<vmem>> -> memref<80xi32, #tpu.memory_space<vmem>>
      %dma_start3A_41 = arith.constant 0 : i32
      %dma_start3A_42 = arith.constant 0 : i32
      %dma_start3A_43 = tpu.memref_slice %arg7[%dma_start3A_41, %dma_start3A_42] : memref<10000x64xf32, #tpu.memory_space<vmem_shared>> -> memref<10000x64xf32, #tpu.memory_space<vmem_shared>>
      tpu.enqueue_indirect_dma source(%arg10 : memref<80x64xf32, #tpu.memory_space<vmem>>) target(%dma_start3A_43 : memref<10000x64xf32, #tpu.memory_space<vmem_shared>>) offsets(%dma_start3A_40 : memref<80xi32, #tpu.memory_space<vmem>>) semaphore(%run_scoped3A_37 : memref<!tpu.dma_semaphore, #tpu.memory_space<semaphore_mem>>) {add = true}
      %dma_wait3A_44 = arith.constant 0 : i32
      %dma_wait3A_45 = tpu.memref_slice %arg9[%run_scoped3A, %dma_wait3A_44] : memref<125x80xi32, #tpu.memory_space<vmem>> -> memref<1x80xi32, #tpu.memory_space<vmem>>
      %dma_wait3A_46 = tpu.memref_squeeze %dma_wait3A_45 : memref<1x80xi32, #tpu.memory_space<vmem>> -> memref<80xi32, #tpu.memory_space<vmem>>
      %dma_wait3A_47 = arith.constant 0 : i32
      %dma_wait3A_48 = arith.constant 0 : i32
      %dma_wait3A_49 = tpu.memref_slice %arg7[%dma_wait3A_47, %dma_wait3A_48] : memref<10000x64xf32, #tpu.memory_space<vmem_shared>> -> memref<10000x64xf32, #tpu.memory_space<vmem_shared>>
      tpu.wait_indirect_dma semaphore(%run_scoped3A_37 : memref<!tpu.dma_semaphore, #tpu.memory_space<semaphore_mem>>) src(%arg10 : memref<80x64xf32, #tpu.memory_space<vmem>>) dst(%dma_wait3A_49 : memref<10000x64xf32, #tpu.memory_space<vmem_shared>>)
      tpu.yield
    }) : () -> ()
    %barrier3A_22 = arith.constant 0 : index
    tpu.barrier barrier_id(%barrier3A_22)
    %mul3A_23 = arith.constant 624 : i32
    %mul3A_24 = arith.muli %arg1, %mul3A_23 : i32
    %multiple_of3A_25 = tpu.assume_multiple %mul3A_24, 8 : i32
    %mul3A_26 = arith.constant 10000 : i32
    %mul3A_27 = arith.muli %arg0, %mul3A_26 : i32
    %mul3A_28 = arith.constant 624 : i32
    %mul3A_29 = arith.muli %arg1, %mul3A_28 : i32
    %add3A_30 = arith.addi %mul3A_27, %mul3A_29 : i32
    %multiple_of3A_31 = tpu.assume_multiple %add3A_30, 8 : i32
    "tpu.region"() ({
      %run_scoped3A_37 = tpu.sem_alloc : memref<!tpu.dma_semaphore, #tpu.memory_space<semaphore_mem>>
      %dma_start3A_38 = arith.constant 0 : i32
      %dma_start3A_39 = tpu.memref_slice %arg6[%multiple_of3A_31, %dma_start3A_38] : memref<20000x64xf32, #tpu.memory_space<hbm>> -> memref<624x64xf32, #tpu.memory_space<hbm>>
      %dma_start3A_40 = arith.constant 0 : i32
      %dma_start3A_41 = tpu.memref_slice %arg7[%multiple_of3A_25, %dma_start3A_40] : memref<10000x64xf32, #tpu.memory_space<vmem_shared>> -> memref<624x64xf32, #tpu.memory_space<vmem_shared>>
      tpu.enqueue_dma source(%dma_start3A_41 : memref<624x64xf32, #tpu.memory_space<vmem_shared>>) target(%dma_start3A_39 : memref<624x64xf32, #tpu.memory_space<hbm>>) target_semaphore(%run_scoped3A_37 : memref<!tpu.dma_semaphore, #tpu.memory_space<semaphore_mem>>)
      %dma_wait3A_42 = arith.constant 0 : i32
      %dma_wait3A_43 = tpu.memref_slice %arg6[%multiple_of3A_31, %dma_wait3A_42] : memref<20000x64xf32, #tpu.memory_space<hbm>> -> memref<624x64xf32, #tpu.memory_space<hbm>>
      %dma_wait3A_44 = arith.constant 0 : i32
      %dma_wait3A_45 = tpu.memref_slice %arg7[%multiple_of3A_25, %dma_wait3A_44] : memref<10000x64xf32, #tpu.memory_space<vmem_shared>> -> memref<624x64xf32, #tpu.memory_space<vmem_shared>>
      tpu.wait_dma2 semaphore(%run_scoped3A_37 : memref<!tpu.dma_semaphore, #tpu.memory_space<semaphore_mem>>) src(%dma_wait3A_45 : memref<624x64xf32, #tpu.memory_space<vmem_shared>>) dst(%dma_wait3A_43 : memref<624x64xf32, #tpu.memory_space<hbm>>)
      tpu.yield
    }) : () -> ()
    %eq3A_32 = arith.constant 15 : i32
    %eq3A_33 = arith.cmpi eq, %arg1, %eq3A_32 : i32
    %convert_element_type3A_34 = arith.extui %eq3A_33 : i1 to i32
    %cond3A_35 = arith.constant 0 : i32
    %cond3A_36 = arith.cmpi ne, %convert_element_type3A_34, %cond3A_35 : i32
    scf.if %cond3A_36 {
      %mul3A_37 = arith.constant 10000 : i32
      %mul3A_38 = arith.muli %arg0, %mul3A_37 : i32
      %add3A_39 = arith.constant 9984 : i32
      %add3A_40 = arith.addi %mul3A_38, %add3A_39 : i32
      "tpu.region"() ({
        %run_scoped3A_41 = tpu.sem_alloc : memref<!tpu.dma_semaphore, #tpu.memory_space<semaphore_mem>>
        %dma_start3A_42 = arith.constant 0 : i32
        %dma_start3A_43 = tpu.memref_slice %arg6[%add3A_40, %dma_start3A_42] : memref<20000x64xf32, #tpu.memory_space<hbm>> -> memref<16x64xf32, #tpu.memory_space<hbm>>
        %dma_start3A_44 = arith.constant 9984 : i32
        %dma_start3A_45 = arith.constant 0 : i32
        %dma_start3A_46 = tpu.memref_slice %arg7[%dma_start3A_44, %dma_start3A_45] : memref<10000x64xf32, #tpu.memory_space<vmem_shared>> -> memref<16x64xf32, #tpu.memory_space<vmem_shared>>
        tpu.enqueue_dma source(%dma_start3A_46 : memref<16x64xf32, #tpu.memory_space<vmem_shared>>) target(%dma_start3A_43 : memref<16x64xf32, #tpu.memory_space<hbm>>) target_semaphore(%run_scoped3A_41 : memref<!tpu.dma_semaphore, #tpu.memory_space<semaphore_mem>>)
        %dma_wait3A_47 = arith.constant 0 : i32
        %dma_wait3A_48 = tpu.memref_slice %arg6[%add3A_40, %dma_wait3A_47] : memref<20000x64xf32, #tpu.memory_space<hbm>> -> memref<16x64xf32, #tpu.memory_space<hbm>>
        %dma_wait3A_49 = arith.constant 9984 : i32
        %dma_wait3A_50 = arith.constant 0 : i32
        %dma_wait3A_51 = tpu.memref_slice %arg7[%dma_wait3A_49, %dma_wait3A_50] : memref<10000x64xf32, #tpu.memory_space<vmem_shared>> -> memref<16x64xf32, #tpu.memory_space<vmem_shared>>
        tpu.wait_dma2 semaphore(%run_scoped3A_41 : memref<!tpu.dma_semaphore, #tpu.memory_space<semaphore_mem>>) src(%dma_wait3A_51 : memref<16x64xf32, #tpu.memory_space<vmem_shared>>) dst(%dma_wait3A_48 : memref<16x64xf32, #tpu.memory_space<hbm>>)
        tpu.yield
      }) : () -> ()
    } else {
    }
    return
  }
}

#map = affine_map<(d0, d1) -> (0, 0, 0)>
#map1 = affine_map<(d0, d1) -> (0, 0)>
module attributes {stable_mosaic.version = 14 : i64} {
  func.func @_sc_deg(%arg0: i32, %arg1: i32, %arg2: memref<32x125x80xi32, #tpu.memory_space<hbm>>, %arg3: memref<80x16xf32, #tpu.memory_space<hbm>>, %arg4: memref<10000x16xf32, #tpu.memory_space<hbm>>, %arg5: memref<20000x16xf32, #tpu.memory_space<hbm>>, %arg6: memref<10000x16xf32, #tpu.memory_space<vmem_shared>>, %arg7: memref<125x80xi32, #tpu.memory_space<vmem>>, %arg8: memref<80x16xf32, #tpu.memory_space<vmem>>) attributes {dimension_semantics = [#tpu.dimension_semantics<core_parallel>, #tpu.dimension_semantics<subcore_parallel>], iteration_bounds = array<i64: 2, 16>, scalar_prefetch = 0 : i64, scratch_operands = 3 : i64, tpu.core_type = #tpu.core_type<sc_vector_subcore>, window_params = [{transform_indices = #map}, {transform_indices = #map1}, {transform_indices = #map1}, {transform_indices = #map1}]} {
    %mul3A = arith.constant 2 : i32
    %mul3A_0 = arith.muli %arg1, %mul3A : i32
    %add3A = arith.addi %mul3A_0, %arg0 : i32
    %mul3A_1 = arith.constant 624 : i32
    %mul3A_2 = arith.muli %arg1, %mul3A_1 : i32
    %multiple_of3A = tpu.assume_multiple %mul3A_2, 8 : i32
    "tpu.region"() ({
      %run_scoped3A = tpu.sem_alloc : memref<!tpu.dma_semaphore, #tpu.memory_space<semaphore_mem>>
      %dma_start3A = arith.constant 0 : i32
      %dma_start3A_25 = tpu.memref_slice %arg6[%multiple_of3A, %dma_start3A] : memref<10000x16xf32, #tpu.memory_space<vmem_shared>> -> memref<624x16xf32, #tpu.memory_space<vmem_shared>>
      %dma_start3A_26 = arith.constant 0 : i32
      %dma_start3A_27 = tpu.memref_slice %arg4[%multiple_of3A, %dma_start3A_26] : memref<10000x16xf32, #tpu.memory_space<hbm>> -> memref<624x16xf32, #tpu.memory_space<hbm>>
      tpu.enqueue_dma source(%dma_start3A_27 : memref<624x16xf32, #tpu.memory_space<hbm>>) target(%dma_start3A_25 : memref<624x16xf32, #tpu.memory_space<vmem_shared>>) target_semaphore(%run_scoped3A : memref<!tpu.dma_semaphore, #tpu.memory_space<semaphore_mem>>)
      %dma_wait3A = arith.constant 0 : i32
      %dma_wait3A_28 = tpu.memref_slice %arg6[%multiple_of3A, %dma_wait3A] : memref<10000x16xf32, #tpu.memory_space<vmem_shared>> -> memref<624x16xf32, #tpu.memory_space<vmem_shared>>
      %dma_wait3A_29 = arith.constant 0 : i32
      %dma_wait3A_30 = tpu.memref_slice %arg4[%multiple_of3A, %dma_wait3A_29] : memref<10000x16xf32, #tpu.memory_space<hbm>> -> memref<624x16xf32, #tpu.memory_space<hbm>>
      tpu.wait_dma2 semaphore(%run_scoped3A : memref<!tpu.dma_semaphore, #tpu.memory_space<semaphore_mem>>) src(%dma_wait3A_30 : memref<624x16xf32, #tpu.memory_space<hbm>>) dst(%dma_wait3A_28 : memref<624x16xf32, #tpu.memory_space<vmem_shared>>)
      tpu.yield
    }) : () -> ()
    %eq3A = arith.constant 15 : i32
    %eq3A_3 = arith.cmpi eq, %arg1, %eq3A : i32
    %convert_element_type3A = arith.extui %eq3A_3 : i1 to i32
    %cond3A = arith.constant 0 : i32
    %cond3A_4 = arith.cmpi ne, %convert_element_type3A, %cond3A : i32
    scf.if %cond3A_4 {
      "tpu.region"() ({
        %run_scoped3A = tpu.sem_alloc : memref<!tpu.dma_semaphore, #tpu.memory_space<semaphore_mem>>
        %dma_start3A = arith.constant 9984 : i32
        %dma_start3A_25 = arith.constant 0 : i32
        %dma_start3A_26 = tpu.memref_slice %arg6[%dma_start3A, %dma_start3A_25] : memref<10000x16xf32, #tpu.memory_space<vmem_shared>> -> memref<16x16xf32, #tpu.memory_space<vmem_shared>>
        %dma_start3A_27 = arith.constant 9984 : i32
        %dma_start3A_28 = arith.constant 0 : i32
        %dma_start3A_29 = tpu.memref_slice %arg4[%dma_start3A_27, %dma_start3A_28] : memref<10000x16xf32, #tpu.memory_space<hbm>> -> memref<16x16xf32, #tpu.memory_space<hbm>>
        tpu.enqueue_dma source(%dma_start3A_29 : memref<16x16xf32, #tpu.memory_space<hbm>>) target(%dma_start3A_26 : memref<16x16xf32, #tpu.memory_space<vmem_shared>>) target_semaphore(%run_scoped3A : memref<!tpu.dma_semaphore, #tpu.memory_space<semaphore_mem>>)
        %dma_wait3A = arith.constant 9984 : i32
        %dma_wait3A_30 = arith.constant 0 : i32
        %dma_wait3A_31 = tpu.memref_slice %arg6[%dma_wait3A, %dma_wait3A_30] : memref<10000x16xf32, #tpu.memory_space<vmem_shared>> -> memref<16x16xf32, #tpu.memory_space<vmem_shared>>
        %dma_wait3A_32 = arith.constant 9984 : i32
        %dma_wait3A_33 = arith.constant 0 : i32
        %dma_wait3A_34 = tpu.memref_slice %arg4[%dma_wait3A_32, %dma_wait3A_33] : memref<10000x16xf32, #tpu.memory_space<hbm>> -> memref<16x16xf32, #tpu.memory_space<hbm>>
        tpu.wait_dma2 semaphore(%run_scoped3A : memref<!tpu.dma_semaphore, #tpu.memory_space<semaphore_mem>>) src(%dma_wait3A_34 : memref<16x16xf32, #tpu.memory_space<hbm>>) dst(%dma_wait3A_31 : memref<16x16xf32, #tpu.memory_space<vmem_shared>>)
        tpu.yield
      }) : () -> ()
    } else {
    }
    "tpu.region"() ({
      %run_scoped3A = tpu.sem_alloc : memref<!tpu.dma_semaphore, #tpu.memory_space<semaphore_mem>>
      %dma_start3A = arith.constant 0 : i32
      %dma_start3A_25 = arith.constant 0 : i32
      %dma_start3A_26 = tpu.memref_slice %arg2[%add3A, %dma_start3A, %dma_start3A_25] : memref<32x125x80xi32, #tpu.memory_space<hbm>> -> memref<1x125x80xi32, #tpu.memory_space<hbm>>
      %dma_start3A_27 = tpu.memref_squeeze %dma_start3A_26 : memref<1x125x80xi32, #tpu.memory_space<hbm>> -> memref<125x80xi32, #tpu.memory_space<hbm>>
      %dma_start3A_28 = arith.constant 0 : i32
      %dma_start3A_29 = arith.constant 0 : i32
      %dma_start3A_30 = tpu.memref_slice %arg2[%add3A, %dma_start3A_28, %dma_start3A_29] : memref<32x125x80xi32, #tpu.memory_space<hbm>> -> memref<1x125x80xi32, #tpu.memory_space<hbm>>
      %dma_start3A_31 = tpu.memref_squeeze %dma_start3A_30 : memref<1x125x80xi32, #tpu.memory_space<hbm>> -> memref<125x80xi32, #tpu.memory_space<hbm>>
      tpu.enqueue_dma source(%dma_start3A_31 : memref<125x80xi32, #tpu.memory_space<hbm>>) target(%arg7 : memref<125x80xi32, #tpu.memory_space<vmem>>) target_semaphore(%run_scoped3A : memref<!tpu.dma_semaphore, #tpu.memory_space<semaphore_mem>>)
      %dma_wait3A = arith.constant 0 : i32
      %dma_wait3A_32 = arith.constant 0 : i32
      %dma_wait3A_33 = tpu.memref_slice %arg2[%add3A, %dma_wait3A, %dma_wait3A_32] : memref<32x125x80xi32, #tpu.memory_space<hbm>> -> memref<1x125x80xi32, #tpu.memory_space<hbm>>
      %dma_wait3A_34 = tpu.memref_squeeze %dma_wait3A_33 : memref<1x125x80xi32, #tpu.memory_space<hbm>> -> memref<125x80xi32, #tpu.memory_space<hbm>>
      %dma_wait3A_35 = arith.constant 0 : i32
      %dma_wait3A_36 = arith.constant 0 : i32
      %dma_wait3A_37 = tpu.memref_slice %arg2[%add3A, %dma_wait3A_35, %dma_wait3A_36] : memref<32x125x80xi32, #tpu.memory_space<hbm>> -> memref<1x125x80xi32, #tpu.memory_space<hbm>>
      %dma_wait3A_38 = tpu.memref_squeeze %dma_wait3A_37 : memref<1x125x80xi32, #tpu.memory_space<hbm>> -> memref<125x80xi32, #tpu.memory_space<hbm>>
      tpu.wait_dma2 semaphore(%run_scoped3A : memref<!tpu.dma_semaphore, #tpu.memory_space<semaphore_mem>>) src(%dma_wait3A_38 : memref<125x80xi32, #tpu.memory_space<hbm>>) dst(%arg7 : memref<125x80xi32, #tpu.memory_space<vmem>>)
      tpu.yield
    }) : () -> ()
    "tpu.region"() ({
      %run_scoped3A = tpu.sem_alloc : memref<!tpu.dma_semaphore, #tpu.memory_space<semaphore_mem>>
      tpu.enqueue_dma source(%arg3 : memref<80x16xf32, #tpu.memory_space<hbm>>) target(%arg8 : memref<80x16xf32, #tpu.memory_space<vmem>>) target_semaphore(%run_scoped3A : memref<!tpu.dma_semaphore, #tpu.memory_space<semaphore_mem>>)
      tpu.wait_dma2 semaphore(%run_scoped3A : memref<!tpu.dma_semaphore, #tpu.memory_space<semaphore_mem>>) src(%arg3 : memref<80x16xf32, #tpu.memory_space<hbm>>) dst(%arg8 : memref<80x16xf32, #tpu.memory_space<vmem>>)
      tpu.yield
    }) : () -> ()
    %barrier3A = arith.constant 0 : index
    tpu.barrier barrier_id(%barrier3A)
    %scan3A = arith.constant 0 : i32
    %scan3A_5 = arith.constant 0 : i32
    %scan3A_6 = arith.constant 125 : i32
    %scan3A_7 = arith.addi %scan3A_5, %scan3A_6 : i32
    %scan3A_8 = arith.constant 1 : i32
    scf.for %scan3A_25 = %scan3A_5 to %scan3A_7 step %scan3A_8  : i32 {
      "tpu.region"() ({
        %run_scoped3A = tpu.sem_alloc : memref<!tpu.dma_semaphore, #tpu.memory_space<semaphore_mem>>
        %dma_start3A = arith.constant 0 : i32
        %dma_start3A_26 = tpu.memref_slice %arg7[%scan3A_25, %dma_start3A] : memref<125x80xi32, #tpu.memory_space<vmem>> -> memref<1x80xi32, #tpu.memory_space<vmem>>
        %dma_start3A_27 = tpu.memref_squeeze %dma_start3A_26 : memref<1x80xi32, #tpu.memory_space<vmem>> -> memref<80xi32, #tpu.memory_space<vmem>>
        %dma_start3A_28 = arith.constant 0 : i32
        %dma_start3A_29 = arith.constant 0 : i32
        %dma_start3A_30 = tpu.memref_slice %arg6[%dma_start3A_28, %dma_start3A_29] : memref<10000x16xf32, #tpu.memory_space<vmem_shared>> -> memref<10000x16xf32, #tpu.memory_space<vmem_shared>>
        tpu.enqueue_indirect_dma source(%arg8 : memref<80x16xf32, #tpu.memory_space<vmem>>) target(%dma_start3A_30 : memref<10000x16xf32, #tpu.memory_space<vmem_shared>>) offsets(%dma_start3A_27 : memref<80xi32, #tpu.memory_space<vmem>>) semaphore(%run_scoped3A : memref<!tpu.dma_semaphore, #tpu.memory_space<semaphore_mem>>) {add = true}
        %dma_wait3A = arith.constant 0 : i32
        %dma_wait3A_31 = tpu.memref_slice %arg7[%scan3A_25, %dma_wait3A] : memref<125x80xi32, #tpu.memory_space<vmem>> -> memref<1x80xi32, #tpu.memory_space<vmem>>
        %dma_wait3A_32 = tpu.memref_squeeze %dma_wait3A_31 : memref<1x80xi32, #tpu.memory_space<vmem>> -> memref<80xi32, #tpu.memory_space<vmem>>
        %dma_wait3A_33 = arith.constant 0 : i32
        %dma_wait3A_34 = arith.constant 0 : i32
        %dma_wait3A_35 = tpu.memref_slice %arg6[%dma_wait3A_33, %dma_wait3A_34] : memref<10000x16xf32, #tpu.memory_space<vmem_shared>> -> memref<10000x16xf32, #tpu.memory_space<vmem_shared>>
        tpu.wait_indirect_dma semaphore(%run_scoped3A : memref<!tpu.dma_semaphore, #tpu.memory_space<semaphore_mem>>) src(%arg8 : memref<80x16xf32, #tpu.memory_space<vmem>>) dst(%dma_wait3A_35 : memref<10000x16xf32, #tpu.memory_space<vmem_shared>>)
        tpu.yield
      }) : () -> ()
    }
    %scan3A_9 = arith.constant 125 : i32
    %barrier3A_10 = arith.constant 0 : index
    tpu.barrier barrier_id(%barrier3A_10)
    %mul3A_11 = arith.constant 624 : i32
    %mul3A_12 = arith.muli %arg1, %mul3A_11 : i32
    %multiple_of3A_13 = tpu.assume_multiple %mul3A_12, 8 : i32
    %mul3A_14 = arith.constant 10000 : i32
    %mul3A_15 = arith.muli %arg0, %mul3A_14 : i32
    %mul3A_16 = arith.constant 624 : i32
    %mul3A_17 = arith.muli %arg1, %mul3A_16 : i32
    %add3A_18 = arith.addi %mul3A_15, %mul3A_17 : i32
    %multiple_of3A_19 = tpu.assume_multiple %add3A_18, 8 : i32
    "tpu.region"() ({
      %run_scoped3A = tpu.sem_alloc : memref<!tpu.dma_semaphore, #tpu.memory_space<semaphore_mem>>
      %dma_start3A = arith.constant 0 : i32
      %dma_start3A_25 = tpu.memref_slice %arg5[%multiple_of3A_19, %dma_start3A] : memref<20000x16xf32, #tpu.memory_space<hbm>> -> memref<624x16xf32, #tpu.memory_space<hbm>>
      %dma_start3A_26 = arith.constant 0 : i32
      %dma_start3A_27 = tpu.memref_slice %arg6[%multiple_of3A_13, %dma_start3A_26] : memref<10000x16xf32, #tpu.memory_space<vmem_shared>> -> memref<624x16xf32, #tpu.memory_space<vmem_shared>>
      tpu.enqueue_dma source(%dma_start3A_27 : memref<624x16xf32, #tpu.memory_space<vmem_shared>>) target(%dma_start3A_25 : memref<624x16xf32, #tpu.memory_space<hbm>>) target_semaphore(%run_scoped3A : memref<!tpu.dma_semaphore, #tpu.memory_space<semaphore_mem>>)
      %dma_wait3A = arith.constant 0 : i32
      %dma_wait3A_28 = tpu.memref_slice %arg5[%multiple_of3A_19, %dma_wait3A] : memref<20000x16xf32, #tpu.memory_space<hbm>> -> memref<624x16xf32, #tpu.memory_space<hbm>>
      %dma_wait3A_29 = arith.constant 0 : i32
      %dma_wait3A_30 = tpu.memref_slice %arg6[%multiple_of3A_13, %dma_wait3A_29] : memref<10000x16xf32, #tpu.memory_space<vmem_shared>> -> memref<624x16xf32, #tpu.memory_space<vmem_shared>>
      tpu.wait_dma2 semaphore(%run_scoped3A : memref<!tpu.dma_semaphore, #tpu.memory_space<semaphore_mem>>) src(%dma_wait3A_30 : memref<624x16xf32, #tpu.memory_space<vmem_shared>>) dst(%dma_wait3A_28 : memref<624x16xf32, #tpu.memory_space<hbm>>)
      tpu.yield
    }) : () -> ()
    %eq3A_20 = arith.constant 15 : i32
    %eq3A_21 = arith.cmpi eq, %arg1, %eq3A_20 : i32
    %convert_element_type3A_22 = arith.extui %eq3A_21 : i1 to i32
    %cond3A_23 = arith.constant 0 : i32
    %cond3A_24 = arith.cmpi ne, %convert_element_type3A_22, %cond3A_23 : i32
    scf.if %cond3A_24 {
      %mul3A_25 = arith.constant 10000 : i32
      %mul3A_26 = arith.muli %arg0, %mul3A_25 : i32
      %add3A_27 = arith.constant 9984 : i32
      %add3A_28 = arith.addi %mul3A_26, %add3A_27 : i32
      "tpu.region"() ({
        %run_scoped3A = tpu.sem_alloc : memref<!tpu.dma_semaphore, #tpu.memory_space<semaphore_mem>>
        %dma_start3A = arith.constant 0 : i32
        %dma_start3A_29 = tpu.memref_slice %arg5[%add3A_28, %dma_start3A] : memref<20000x16xf32, #tpu.memory_space<hbm>> -> memref<16x16xf32, #tpu.memory_space<hbm>>
        %dma_start3A_30 = arith.constant 9984 : i32
        %dma_start3A_31 = arith.constant 0 : i32
        %dma_start3A_32 = tpu.memref_slice %arg6[%dma_start3A_30, %dma_start3A_31] : memref<10000x16xf32, #tpu.memory_space<vmem_shared>> -> memref<16x16xf32, #tpu.memory_space<vmem_shared>>
        tpu.enqueue_dma source(%dma_start3A_32 : memref<16x16xf32, #tpu.memory_space<vmem_shared>>) target(%dma_start3A_29 : memref<16x16xf32, #tpu.memory_space<hbm>>) target_semaphore(%run_scoped3A : memref<!tpu.dma_semaphore, #tpu.memory_space<semaphore_mem>>)
        %dma_wait3A = arith.constant 0 : i32
        %dma_wait3A_33 = tpu.memref_slice %arg5[%add3A_28, %dma_wait3A] : memref<20000x16xf32, #tpu.memory_space<hbm>> -> memref<16x16xf32, #tpu.memory_space<hbm>>
        %dma_wait3A_34 = arith.constant 9984 : i32
        %dma_wait3A_35 = arith.constant 0 : i32
        %dma_wait3A_36 = tpu.memref_slice %arg6[%dma_wait3A_34, %dma_wait3A_35] : memref<10000x16xf32, #tpu.memory_space<vmem_shared>> -> memref<16x16xf32, #tpu.memory_space<vmem_shared>>
        tpu.wait_dma2 semaphore(%run_scoped3A : memref<!tpu.dma_semaphore, #tpu.memory_space<semaphore_mem>>) src(%dma_wait3A_36 : memref<16x16xf32, #tpu.memory_space<vmem_shared>>) dst(%dma_wait3A_33 : memref<16x16xf32, #tpu.memory_space<hbm>>)
        tpu.yield
      }) : () -> ()
    } else {
    }
    return
  }
}

#map = affine_map<(d0, d1) -> (0, 0)>
#map1 = affine_map<(d0, d1) -> (0, 0, 0)>
module attributes {stable_mosaic.version = 14 : i64} {
  func.func @_sc_scatter(%arg0: i32, %arg1: i32, %arg2: memref<10000x64xf32, #tpu.memory_space<hbm>>, %arg3: memref<32x125x80xi32, #tpu.memory_space<hbm>>, %arg4: memref<32x125x80xi32, #tpu.memory_space<hbm>>, %arg5: memref<10000x64xf32, #tpu.memory_space<hbm>>, %arg6: memref<20000x64xf32, #tpu.memory_space<hbm>>, %arg7: memref<10000x64xf32, #tpu.memory_space<vmem_shared>>, %arg8: memref<125x80xi32, #tpu.memory_space<vmem>>, %arg9: memref<125x80xi32, #tpu.memory_space<vmem>>, %arg10: memref<80x64xf32, #tpu.memory_space<vmem>>, %arg11: memref<80x64xf32, #tpu.memory_space<vmem>>, %arg12: memref<!tpu.dma_semaphore, #tpu.memory_space<semaphore_mem>>, %arg13: memref<!tpu.dma_semaphore, #tpu.memory_space<semaphore_mem>>) attributes {dimension_semantics = [#tpu.dimension_semantics<core_parallel>, #tpu.dimension_semantics<subcore_parallel>], iteration_bounds = array<i64: 2, 16>, scalar_prefetch = 0 : i64, scratch_operands = 7 : i64, tpu.core_type = #tpu.core_type<sc_vector_subcore>, window_params = [{transform_indices = #map}, {transform_indices = #map1}, {transform_indices = #map1}, {transform_indices = #map}, {transform_indices = #map}]} {
    %mul3A = arith.constant 2 : i32
    %mul3A_0 = arith.muli %arg1, %mul3A : i32
    %add3A = arith.addi %mul3A_0, %arg0 : i32
    %mul3A_1 = arith.constant 624 : i32
    %mul3A_2 = arith.muli %arg1, %mul3A_1 : i32
    %multiple_of3A = tpu.assume_multiple %mul3A_2, 8 : i32
    "tpu.region"() ({
      %run_scoped3A_37 = tpu.sem_alloc : memref<!tpu.dma_semaphore, #tpu.memory_space<semaphore_mem>>
      %dma_start3A_38 = arith.constant 0 : i32
      %dma_start3A_39 = tpu.memref_slice %arg7[%multiple_of3A, %dma_start3A_38] : memref<10000x64xf32, #tpu.memory_space<vmem_shared>> -> memref<624x64xf32, #tpu.memory_space<vmem_shared>>
      %dma_start3A_40 = arith.constant 0 : i32
      %dma_start3A_41 = tpu.memref_slice %arg5[%multiple_of3A, %dma_start3A_40] : memref<10000x64xf32, #tpu.memory_space<hbm>> -> memref<624x64xf32, #tpu.memory_space<hbm>>
      tpu.enqueue_dma source(%dma_start3A_41 : memref<624x64xf32, #tpu.memory_space<hbm>>) target(%dma_start3A_39 : memref<624x64xf32, #tpu.memory_space<vmem_shared>>) target_semaphore(%run_scoped3A_37 : memref<!tpu.dma_semaphore, #tpu.memory_space<semaphore_mem>>)
      %dma_wait3A_42 = arith.constant 0 : i32
      %dma_wait3A_43 = tpu.memref_slice %arg7[%multiple_of3A, %dma_wait3A_42] : memref<10000x64xf32, #tpu.memory_space<vmem_shared>> -> memref<624x64xf32, #tpu.memory_space<vmem_shared>>
      %dma_wait3A_44 = arith.constant 0 : i32
      %dma_wait3A_45 = tpu.memref_slice %arg5[%multiple_of3A, %dma_wait3A_44] : memref<10000x64xf32, #tpu.memory_space<hbm>> -> memref<624x64xf32, #tpu.memory_space<hbm>>
      tpu.wait_dma2 semaphore(%run_scoped3A_37 : memref<!tpu.dma_semaphore, #tpu.memory_space<semaphore_mem>>) src(%dma_wait3A_45 : memref<624x64xf32, #tpu.memory_space<hbm>>) dst(%dma_wait3A_43 : memref<624x64xf32, #tpu.memory_space<vmem_shared>>)
      tpu.yield
    }) : () -> ()
    %eq3A = arith.constant 15 : i32
    %eq3A_3 = arith.cmpi eq, %arg1, %eq3A : i32
    %convert_element_type3A = arith.extui %eq3A_3 : i1 to i32
    %cond3A = arith.constant 0 : i32
    %cond3A_4 = arith.cmpi ne, %convert_element_type3A, %cond3A : i32
    scf.if %cond3A_4 {
      "tpu.region"() ({
        %run_scoped3A_37 = tpu.sem_alloc : memref<!tpu.dma_semaphore, #tpu.memory_space<semaphore_mem>>
        %dma_start3A_38 = arith.constant 9984 : i32
        %dma_start3A_39 = arith.constant 0 : i32
        %dma_start3A_40 = tpu.memref_slice %arg7[%dma_start3A_38, %dma_start3A_39] : memref<10000x64xf32, #tpu.memory_space<vmem_shared>> -> memref<16x64xf32, #tpu.memory_space<vmem_shared>>
        %dma_start3A_41 = arith.constant 9984 : i32
        %dma_start3A_42 = arith.constant 0 : i32
        %dma_start3A_43 = tpu.memref_slice %arg5[%dma_start3A_41, %dma_start3A_42] : memref<10000x64xf32, #tpu.memory_space<hbm>> -> memref<16x64xf32, #tpu.memory_space<hbm>>
        tpu.enqueue_dma source(%dma_start3A_43 : memref<16x64xf32, #tpu.memory_space<hbm>>) target(%dma_start3A_40 : memref<16x64xf32, #tpu.memory_space<vmem_shared>>) target_semaphore(%run_scoped3A_37 : memref<!tpu.dma_semaphore, #tpu.memory_space<semaphore_mem>>)
        %dma_wait3A_44 = arith.constant 9984 : i32
        %dma_wait3A_45 = arith.constant 0 : i32
        %dma_wait3A_46 = tpu.memref_slice %arg7[%dma_wait3A_44, %dma_wait3A_45] : memref<10000x64xf32, #tpu.memory_space<vmem_shared>> -> memref<16x64xf32, #tpu.memory_space<vmem_shared>>
        %dma_wait3A_47 = arith.constant 9984 : i32
        %dma_wait3A_48 = arith.constant 0 : i32
        %dma_wait3A_49 = tpu.memref_slice %arg5[%dma_wait3A_47, %dma_wait3A_48] : memref<10000x64xf32, #tpu.memory_space<hbm>> -> memref<16x64xf32, #tpu.memory_space<hbm>>
        tpu.wait_dma2 semaphore(%run_scoped3A_37 : memref<!tpu.dma_semaphore, #tpu.memory_space<semaphore_mem>>) src(%dma_wait3A_49 : memref<16x64xf32, #tpu.memory_space<hbm>>) dst(%dma_wait3A_46 : memref<16x64xf32, #tpu.memory_space<vmem_shared>>)
        tpu.yield
      }) : () -> ()
    } else {
    }
    "tpu.region"() ({
      %run_scoped3A_37 = tpu.sem_alloc : memref<!tpu.dma_semaphore, #tpu.memory_space<semaphore_mem>>
      %dma_start3A_38 = arith.constant 0 : i32
      %dma_start3A_39 = arith.constant 0 : i32
      %dma_start3A_40 = tpu.memref_slice %arg3[%add3A, %dma_start3A_38, %dma_start3A_39] : memref<32x125x80xi32, #tpu.memory_space<hbm>> -> memref<1x125x80xi32, #tpu.memory_space<hbm>>
      %dma_start3A_41 = tpu.memref_squeeze %dma_start3A_40 : memref<1x125x80xi32, #tpu.memory_space<hbm>> -> memref<125x80xi32, #tpu.memory_space<hbm>>
      %dma_start3A_42 = arith.constant 0 : i32
      %dma_start3A_43 = arith.constant 0 : i32
      %dma_start3A_44 = tpu.memref_slice %arg3[%add3A, %dma_start3A_42, %dma_start3A_43] : memref<32x125x80xi32, #tpu.memory_space<hbm>> -> memref<1x125x80xi32, #tpu.memory_space<hbm>>
      %dma_start3A_45 = tpu.memref_squeeze %dma_start3A_44 : memref<1x125x80xi32, #tpu.memory_space<hbm>> -> memref<125x80xi32, #tpu.memory_space<hbm>>
      tpu.enqueue_dma source(%dma_start3A_45 : memref<125x80xi32, #tpu.memory_space<hbm>>) target(%arg8 : memref<125x80xi32, #tpu.memory_space<vmem>>) target_semaphore(%run_scoped3A_37 : memref<!tpu.dma_semaphore, #tpu.memory_space<semaphore_mem>>)
      %dma_wait3A_46 = arith.constant 0 : i32
      %dma_wait3A_47 = arith.constant 0 : i32
      %dma_wait3A_48 = tpu.memref_slice %arg3[%add3A, %dma_wait3A_46, %dma_wait3A_47] : memref<32x125x80xi32, #tpu.memory_space<hbm>> -> memref<1x125x80xi32, #tpu.memory_space<hbm>>
      %dma_wait3A_49 = tpu.memref_squeeze %dma_wait3A_48 : memref<1x125x80xi32, #tpu.memory_space<hbm>> -> memref<125x80xi32, #tpu.memory_space<hbm>>
      %dma_wait3A_50 = arith.constant 0 : i32
      %dma_wait3A_51 = arith.constant 0 : i32
      %dma_wait3A_52 = tpu.memref_slice %arg3[%add3A, %dma_wait3A_50, %dma_wait3A_51] : memref<32x125x80xi32, #tpu.memory_space<hbm>> -> memref<1x125x80xi32, #tpu.memory_space<hbm>>
      %dma_wait3A_53 = tpu.memref_squeeze %dma_wait3A_52 : memref<1x125x80xi32, #tpu.memory_space<hbm>> -> memref<125x80xi32, #tpu.memory_space<hbm>>
      tpu.wait_dma2 semaphore(%run_scoped3A_37 : memref<!tpu.dma_semaphore, #tpu.memory_space<semaphore_mem>>) src(%dma_wait3A_53 : memref<125x80xi32, #tpu.memory_space<hbm>>) dst(%arg8 : memref<125x80xi32, #tpu.memory_space<vmem>>)
      tpu.yield
    }) : () -> ()
    "tpu.region"() ({
      %run_scoped3A_37 = tpu.sem_alloc : memref<!tpu.dma_semaphore, #tpu.memory_space<semaphore_mem>>
      %dma_start3A_38 = arith.constant 0 : i32
      %dma_start3A_39 = arith.constant 0 : i32
      %dma_start3A_40 = tpu.memref_slice %arg4[%add3A, %dma_start3A_38, %dma_start3A_39] : memref<32x125x80xi32, #tpu.memory_space<hbm>> -> memref<1x125x80xi32, #tpu.memory_space<hbm>>
      %dma_start3A_41 = tpu.memref_squeeze %dma_start3A_40 : memref<1x125x80xi32, #tpu.memory_space<hbm>> -> memref<125x80xi32, #tpu.memory_space<hbm>>
      %dma_start3A_42 = arith.constant 0 : i32
      %dma_start3A_43 = arith.constant 0 : i32
      %dma_start3A_44 = tpu.memref_slice %arg4[%add3A, %dma_start3A_42, %dma_start3A_43] : memref<32x125x80xi32, #tpu.memory_space<hbm>> -> memref<1x125x80xi32, #tpu.memory_space<hbm>>
      %dma_start3A_45 = tpu.memref_squeeze %dma_start3A_44 : memref<1x125x80xi32, #tpu.memory_space<hbm>> -> memref<125x80xi32, #tpu.memory_space<hbm>>
      tpu.enqueue_dma source(%dma_start3A_45 : memref<125x80xi32, #tpu.memory_space<hbm>>) target(%arg9 : memref<125x80xi32, #tpu.memory_space<vmem>>) target_semaphore(%run_scoped3A_37 : memref<!tpu.dma_semaphore, #tpu.memory_space<semaphore_mem>>)
      %dma_wait3A_46 = arith.constant 0 : i32
      %dma_wait3A_47 = arith.constant 0 : i32
      %dma_wait3A_48 = tpu.memref_slice %arg4[%add3A, %dma_wait3A_46, %dma_wait3A_47] : memref<32x125x80xi32, #tpu.memory_space<hbm>> -> memref<1x125x80xi32, #tpu.memory_space<hbm>>
      %dma_wait3A_49 = tpu.memref_squeeze %dma_wait3A_48 : memref<1x125x80xi32, #tpu.memory_space<hbm>> -> memref<125x80xi32, #tpu.memory_space<hbm>>
      %dma_wait3A_50 = arith.constant 0 : i32
      %dma_wait3A_51 = arith.constant 0 : i32
      %dma_wait3A_52 = tpu.memref_slice %arg4[%add3A, %dma_wait3A_50, %dma_wait3A_51] : memref<32x125x80xi32, #tpu.memory_space<hbm>> -> memref<1x125x80xi32, #tpu.memory_space<hbm>>
      %dma_wait3A_53 = tpu.memref_squeeze %dma_wait3A_52 : memref<1x125x80xi32, #tpu.memory_space<hbm>> -> memref<125x80xi32, #tpu.memory_space<hbm>>
      tpu.wait_dma2 semaphore(%run_scoped3A_37 : memref<!tpu.dma_semaphore, #tpu.memory_space<semaphore_mem>>) src(%dma_wait3A_53 : memref<125x80xi32, #tpu.memory_space<hbm>>) dst(%arg9 : memref<125x80xi32, #tpu.memory_space<vmem>>)
      tpu.yield
    }) : () -> ()
    %barrier3A = arith.constant 0 : index
    tpu.barrier barrier_id(%barrier3A)
    %dma_start3A = arith.constant 0 : i32
    %dma_start3A_5 = arith.constant 0 : i32
    %dma_start3A_6 = tpu.memref_slice %arg8[%dma_start3A, %dma_start3A_5] : memref<125x80xi32, #tpu.memory_space<vmem>> -> memref<1x80xi32, #tpu.memory_space<vmem>>
    %dma_start3A_7 = tpu.memref_squeeze %dma_start3A_6 : memref<1x80xi32, #tpu.memory_space<vmem>> -> memref<80xi32, #tpu.memory_space<vmem>>
    %dma_start3A_8 = arith.constant 0 : i32
    %dma_start3A_9 = arith.constant 0 : i32
    %dma_start3A_10 = tpu.memref_slice %arg2[%dma_start3A_8, %dma_start3A_9] : memref<10000x64xf32, #tpu.memory_space<hbm>> -> memref<10000x64xf32, #tpu.memory_space<hbm>>
    tpu.enqueue_indirect_dma source(%dma_start3A_10 : memref<10000x64xf32, #tpu.memory_space<hbm>>) target(%arg10 : memref<80x64xf32, #tpu.memory_space<vmem>>) offsets(%dma_start3A_7 : memref<80xi32, #tpu.memory_space<vmem>>) semaphore(%arg12 : memref<!tpu.dma_semaphore, #tpu.memory_space<semaphore_mem>>)
    %scan3A = arith.constant 0 : i32
    %scan3A_11 = arith.constant 0 : i32
    %scan3A_12 = arith.constant 62 : i32
    %scan3A_13 = arith.addi %scan3A_11, %scan3A_12 : i32
    %scan3A_14 = arith.constant 1 : i32
    scf.for %scan3A_37 = %scan3A_11 to %scan3A_13 step %scan3A_14  : i32 {
      %mul3A_38 = arith.constant 2 : i32
      %mul3A_39 = arith.muli %mul3A_38, %scan3A_37 : i32
      %add3A_40 = arith.constant 1 : i32
      %add3A_41 = arith.addi %mul3A_39, %add3A_40 : i32
      %dma_start3A_42 = arith.constant 0 : i32
      %dma_start3A_43 = tpu.memref_slice %arg8[%add3A_41, %dma_start3A_42] : memref<125x80xi32, #tpu.memory_space<vmem>> -> memref<1x80xi32, #tpu.memory_space<vmem>>
      %dma_start3A_44 = tpu.memref_squeeze %dma_start3A_43 : memref<1x80xi32, #tpu.memory_space<vmem>> -> memref<80xi32, #tpu.memory_space<vmem>>
      %dma_start3A_45 = arith.constant 0 : i32
      %dma_start3A_46 = arith.constant 0 : i32
      %dma_start3A_47 = tpu.memref_slice %arg2[%dma_start3A_45, %dma_start3A_46] : memref<10000x64xf32, #tpu.memory_space<hbm>> -> memref<10000x64xf32, #tpu.memory_space<hbm>>
      tpu.enqueue_indirect_dma source(%dma_start3A_47 : memref<10000x64xf32, #tpu.memory_space<hbm>>) target(%arg11 : memref<80x64xf32, #tpu.memory_space<vmem>>) offsets(%dma_start3A_44 : memref<80xi32, #tpu.memory_space<vmem>>) semaphore(%arg13 : memref<!tpu.dma_semaphore, #tpu.memory_space<semaphore_mem>>)
      %dma_wait3A_48 = arith.constant 0 : i32
      %dma_wait3A_49 = arith.constant 0 : i32
      %dma_wait3A_50 = tpu.memref_slice %arg8[%dma_wait3A_48, %dma_wait3A_49] : memref<125x80xi32, #tpu.memory_space<vmem>> -> memref<1x80xi32, #tpu.memory_space<vmem>>
      %dma_wait3A_51 = tpu.memref_squeeze %dma_wait3A_50 : memref<1x80xi32, #tpu.memory_space<vmem>> -> memref<80xi32, #tpu.memory_space<vmem>>
      %dma_wait3A_52 = arith.constant 0 : i32
      %dma_wait3A_53 = arith.constant 0 : i32
      %dma_wait3A_54 = tpu.memref_slice %arg2[%dma_wait3A_52, %dma_wait3A_53] : memref<10000x64xf32, #tpu.memory_space<hbm>> -> memref<10000x64xf32, #tpu.memory_space<hbm>>
      tpu.wait_indirect_dma semaphore(%arg12 : memref<!tpu.dma_semaphore, #tpu.memory_space<semaphore_mem>>) src(%dma_wait3A_54 : memref<10000x64xf32, #tpu.memory_space<hbm>>) dst(%arg10 : memref<80x64xf32, #tpu.memory_space<vmem>>)
      "tpu.region"() ({
        %run_scoped3A_72 = tpu.sem_alloc : memref<!tpu.dma_semaphore, #tpu.memory_space<semaphore_mem>>
        %dma_start3A_73 = arith.constant 0 : i32
        %dma_start3A_74 = tpu.memref_slice %arg9[%mul3A_39, %dma_start3A_73] : memref<125x80xi32, #tpu.memory_space<vmem>> -> memref<1x80xi32, #tpu.memory_space<vmem>>
        %dma_start3A_75 = tpu.memref_squeeze %dma_start3A_74 : memref<1x80xi32, #tpu.memory_space<vmem>> -> memref<80xi32, #tpu.memory_space<vmem>>
        %dma_start3A_76 = arith.constant 0 : i32
        %dma_start3A_77 = arith.constant 0 : i32
        %dma_start3A_78 = tpu.memref_slice %arg7[%dma_start3A_76, %dma_start3A_77] : memref<10000x64xf32, #tpu.memory_space<vmem_shared>> -> memref<10000x64xf32, #tpu.memory_space<vmem_shared>>
        tpu.enqueue_indirect_dma source(%arg10 : memref<80x64xf32, #tpu.memory_space<vmem>>) target(%dma_start3A_78 : memref<10000x64xf32, #tpu.memory_space<vmem_shared>>) offsets(%dma_start3A_75 : memref<80xi32, #tpu.memory_space<vmem>>) semaphore(%run_scoped3A_72 : memref<!tpu.dma_semaphore, #tpu.memory_space<semaphore_mem>>) {add = true}
        %dma_wait3A_79 = arith.constant 0 : i32
        %dma_wait3A_80 = tpu.memref_slice %arg9[%mul3A_39, %dma_wait3A_79] : memref<125x80xi32, #tpu.memory_space<vmem>> -> memref<1x80xi32, #tpu.memory_space<vmem>>
        %dma_wait3A_81 = tpu.memref_squeeze %dma_wait3A_80 : memref<1x80xi32, #tpu.memory_space<vmem>> -> memref<80xi32, #tpu.memory_space<vmem>>
        %dma_wait3A_82 = arith.constant 0 : i32
        %dma_wait3A_83 = arith.constant 0 : i32
        %dma_wait3A_84 = tpu.memref_slice %arg7[%dma_wait3A_82, %dma_wait3A_83] : memref<10000x64xf32, #tpu.memory_space<vmem_shared>> -> memref<10000x64xf32, #tpu.memory_space<vmem_shared>>
        tpu.wait_indirect_dma semaphore(%run_scoped3A_72 : memref<!tpu.dma_semaphore, #tpu.memory_space<semaphore_mem>>) src(%arg10 : memref<80x64xf32, #tpu.memory_space<vmem>>) dst(%dma_wait3A_84 : memref<10000x64xf32, #tpu.memory_space<vmem_shared>>)
        tpu.yield
      }) : () -> ()
      %add3A_55 = arith.constant 2 : i32
      %add3A_56 = arith.addi %mul3A_39, %add3A_55 : i32
      %dma_start3A_57 = arith.constant 0 : i32
      %dma_start3A_58 = tpu.memref_slice %arg8[%add3A_56, %dma_start3A_57] : memref<125x80xi32, #tpu.memory_space<vmem>> -> memref<1x80xi32, #tpu.memory_space<vmem>>
      %dma_start3A_59 = tpu.memref_squeeze %dma_start3A_58 : memref<1x80xi32, #tpu.memory_space<vmem>> -> memref<80xi32, #tpu.memory_space<vmem>>
      %dma_start3A_60 = arith.constant 0 : i32
      %dma_start3A_61 = arith.constant 0 : i32
      %dma_start3A_62 = tpu.memref_slice %arg2[%dma_start3A_60, %dma_start3A_61] : memref<10000x64xf32, #tpu.memory_space<hbm>> -> memref<10000x64xf32, #tpu.memory_space<hbm>>
      tpu.enqueue_indirect_dma source(%dma_start3A_62 : memref<10000x64xf32, #tpu.memory_space<hbm>>) target(%arg10 : memref<80x64xf32, #tpu.memory_space<vmem>>) offsets(%dma_start3A_59 : memref<80xi32, #tpu.memory_space<vmem>>) semaphore(%arg12 : memref<!tpu.dma_semaphore, #tpu.memory_space<semaphore_mem>>)
      %dma_wait3A_63 = arith.constant 0 : i32
      %dma_wait3A_64 = arith.constant 0 : i32
      %dma_wait3A_65 = tpu.memref_slice %arg8[%dma_wait3A_63, %dma_wait3A_64] : memref<125x80xi32, #tpu.memory_space<vmem>> -> memref<1x80xi32, #tpu.memory_space<vmem>>
      %dma_wait3A_66 = tpu.memref_squeeze %dma_wait3A_65 : memref<1x80xi32, #tpu.memory_space<vmem>> -> memref<80xi32, #tpu.memory_space<vmem>>
      %dma_wait3A_67 = arith.constant 0 : i32
      %dma_wait3A_68 = arith.constant 0 : i32
      %dma_wait3A_69 = tpu.memref_slice %arg2[%dma_wait3A_67, %dma_wait3A_68] : memref<10000x64xf32, #tpu.memory_space<hbm>> -> memref<10000x64xf32, #tpu.memory_space<hbm>>
      tpu.wait_indirect_dma semaphore(%arg13 : memref<!tpu.dma_semaphore, #tpu.memory_space<semaphore_mem>>) src(%dma_wait3A_69 : memref<10000x64xf32, #tpu.memory_space<hbm>>) dst(%arg11 : memref<80x64xf32, #tpu.memory_space<vmem>>)
      %add3A_70 = arith.constant 1 : i32
      %add3A_71 = arith.addi %mul3A_39, %add3A_70 : i32
      "tpu.region"() ({
        %run_scoped3A_72 = tpu.sem_alloc : memref<!tpu.dma_semaphore, #tpu.memory_space<semaphore_mem>>
        %dma_start3A_73 = arith.constant 0 : i32
        %dma_start3A_74 = tpu.memref_slice %arg9[%add3A_71, %dma_start3A_73] : memref<125x80xi32, #tpu.memory_space<vmem>> -> memref<1x80xi32, #tpu.memory_space<vmem>>
        %dma_start3A_75 = tpu.memref_squeeze %dma_start3A_74 : memref<1x80xi32, #tpu.memory_space<vmem>> -> memref<80xi32, #tpu.memory_space<vmem>>
        %dma_start3A_76 = arith.constant 0 : i32
        %dma_start3A_77 = arith.constant 0 : i32
        %dma_start3A_78 = tpu.memref_slice %arg7[%dma_start3A_76, %dma_start3A_77] : memref<10000x64xf32, #tpu.memory_space<vmem_shared>> -> memref<10000x64xf32, #tpu.memory_space<vmem_shared>>
        tpu.enqueue_indirect_dma source(%arg11 : memref<80x64xf32, #tpu.memory_space<vmem>>) target(%dma_start3A_78 : memref<10000x64xf32, #tpu.memory_space<vmem_shared>>) offsets(%dma_start3A_75 : memref<80xi32, #tpu.memory_space<vmem>>) semaphore(%run_scoped3A_72 : memref<!tpu.dma_semaphore, #tpu.memory_space<semaphore_mem>>) {add = true}
        %dma_wait3A_79 = arith.constant 0 : i32
        %dma_wait3A_80 = tpu.memref_slice %arg9[%add3A_71, %dma_wait3A_79] : memref<125x80xi32, #tpu.memory_space<vmem>> -> memref<1x80xi32, #tpu.memory_space<vmem>>
        %dma_wait3A_81 = tpu.memref_squeeze %dma_wait3A_80 : memref<1x80xi32, #tpu.memory_space<vmem>> -> memref<80xi32, #tpu.memory_space<vmem>>
        %dma_wait3A_82 = arith.constant 0 : i32
        %dma_wait3A_83 = arith.constant 0 : i32
        %dma_wait3A_84 = tpu.memref_slice %arg7[%dma_wait3A_82, %dma_wait3A_83] : memref<10000x64xf32, #tpu.memory_space<vmem_shared>> -> memref<10000x64xf32, #tpu.memory_space<vmem_shared>>
        tpu.wait_indirect_dma semaphore(%run_scoped3A_72 : memref<!tpu.dma_semaphore, #tpu.memory_space<semaphore_mem>>) src(%arg11 : memref<80x64xf32, #tpu.memory_space<vmem>>) dst(%dma_wait3A_84 : memref<10000x64xf32, #tpu.memory_space<vmem_shared>>)
        tpu.yield
      }) : () -> ()
    }
    %scan3A_15 = arith.constant 62 : i32
    %dma_wait3A = arith.constant 0 : i32
    %dma_wait3A_16 = arith.constant 0 : i32
    %dma_wait3A_17 = tpu.memref_slice %arg8[%dma_wait3A, %dma_wait3A_16] : memref<125x80xi32, #tpu.memory_space<vmem>> -> memref<1x80xi32, #tpu.memory_space<vmem>>
    %dma_wait3A_18 = tpu.memref_squeeze %dma_wait3A_17 : memref<1x80xi32, #tpu.memory_space<vmem>> -> memref<80xi32, #tpu.memory_space<vmem>>
    %dma_wait3A_19 = arith.constant 0 : i32
    %dma_wait3A_20 = arith.constant 0 : i32
    %dma_wait3A_21 = tpu.memref_slice %arg2[%dma_wait3A_19, %dma_wait3A_20] : memref<10000x64xf32, #tpu.memory_space<hbm>> -> memref<10000x64xf32, #tpu.memory_space<hbm>>
    tpu.wait_indirect_dma semaphore(%arg12 : memref<!tpu.dma_semaphore, #tpu.memory_space<semaphore_mem>>) src(%dma_wait3A_21 : memref<10000x64xf32, #tpu.memory_space<hbm>>) dst(%arg10 : memref<80x64xf32, #tpu.memory_space<vmem>>)
    %run_scoped3A = arith.constant 124 : i32
    "tpu.region"() ({
      %run_scoped3A_37 = tpu.sem_alloc : memref<!tpu.dma_semaphore, #tpu.memory_space<semaphore_mem>>
      %dma_start3A_38 = arith.constant 0 : i32
      %dma_start3A_39 = tpu.memref_slice %arg9[%run_scoped3A, %dma_start3A_38] : memref<125x80xi32, #tpu.memory_space<vmem>> -> memref<1x80xi32, #tpu.memory_space<vmem>>
      %dma_start3A_40 = tpu.memref_squeeze %dma_start3A_39 : memref<1x80xi32, #tpu.memory_space<vmem>> -> memref<80xi32, #tpu.memory_space<vmem>>
      %dma_start3A_41 = arith.constant 0 : i32
      %dma_start3A_42 = arith.constant 0 : i32
      %dma_start3A_43 = tpu.memref_slice %arg7[%dma_start3A_41, %dma_start3A_42] : memref<10000x64xf32, #tpu.memory_space<vmem_shared>> -> memref<10000x64xf32, #tpu.memory_space<vmem_shared>>
      tpu.enqueue_indirect_dma source(%arg10 : memref<80x64xf32, #tpu.memory_space<vmem>>) target(%dma_start3A_43 : memref<10000x64xf32, #tpu.memory_space<vmem_shared>>) offsets(%dma_start3A_40 : memref<80xi32, #tpu.memory_space<vmem>>) semaphore(%run_scoped3A_37 : memref<!tpu.dma_semaphore, #tpu.memory_space<semaphore_mem>>) {add = true}
      %dma_wait3A_44 = arith.constant 0 : i32
      %dma_wait3A_45 = tpu.memref_slice %arg9[%run_scoped3A, %dma_wait3A_44] : memref<125x80xi32, #tpu.memory_space<vmem>> -> memref<1x80xi32, #tpu.memory_space<vmem>>
      %dma_wait3A_46 = tpu.memref_squeeze %dma_wait3A_45 : memref<1x80xi32, #tpu.memory_space<vmem>> -> memref<80xi32, #tpu.memory_space<vmem>>
      %dma_wait3A_47 = arith.constant 0 : i32
      %dma_wait3A_48 = arith.constant 0 : i32
      %dma_wait3A_49 = tpu.memref_slice %arg7[%dma_wait3A_47, %dma_wait3A_48] : memref<10000x64xf32, #tpu.memory_space<vmem_shared>> -> memref<10000x64xf32, #tpu.memory_space<vmem_shared>>
      tpu.wait_indirect_dma semaphore(%run_scoped3A_37 : memref<!tpu.dma_semaphore, #tpu.memory_space<semaphore_mem>>) src(%arg10 : memref<80x64xf32, #tpu.memory_space<vmem>>) dst(%dma_wait3A_49 : memref<10000x64xf32, #tpu.memory_space<vmem_shared>>)
      tpu.yield
    }) : () -> ()
    %barrier3A_22 = arith.constant 0 : index
    tpu.barrier barrier_id(%barrier3A_22)
    %mul3A_23 = arith.constant 624 : i32
    %mul3A_24 = arith.muli %arg1, %mul3A_23 : i32
    %multiple_of3A_25 = tpu.assume_multiple %mul3A_24, 8 : i32
    %mul3A_26 = arith.constant 10000 : i32
    %mul3A_27 = arith.muli %arg0, %mul3A_26 : i32
    %mul3A_28 = arith.constant 624 : i32
    %mul3A_29 = arith.muli %arg1, %mul3A_28 : i32
    %add3A_30 = arith.addi %mul3A_27, %mul3A_29 : i32
    %multiple_of3A_31 = tpu.assume_multiple %add3A_30, 8 : i32
    "tpu.region"() ({
      %run_scoped3A_37 = tpu.sem_alloc : memref<!tpu.dma_semaphore, #tpu.memory_space<semaphore_mem>>
      %dma_start3A_38 = arith.constant 0 : i32
      %dma_start3A_39 = tpu.memref_slice %arg6[%multiple_of3A_31, %dma_start3A_38] : memref<20000x64xf32, #tpu.memory_space<hbm>> -> memref<624x64xf32, #tpu.memory_space<hbm>>
      %dma_start3A_40 = arith.constant 0 : i32
      %dma_start3A_41 = tpu.memref_slice %arg7[%multiple_of3A_25, %dma_start3A_40] : memref<10000x64xf32, #tpu.memory_space<vmem_shared>> -> memref<624x64xf32, #tpu.memory_space<vmem_shared>>
      tpu.enqueue_dma source(%dma_start3A_41 : memref<624x64xf32, #tpu.memory_space<vmem_shared>>) target(%dma_start3A_39 : memref<624x64xf32, #tpu.memory_space<hbm>>) target_semaphore(%run_scoped3A_37 : memref<!tpu.dma_semaphore, #tpu.memory_space<semaphore_mem>>)
      %dma_wait3A_42 = arith.constant 0 : i32
      %dma_wait3A_43 = tpu.memref_slice %arg6[%multiple_of3A_31, %dma_wait3A_42] : memref<20000x64xf32, #tpu.memory_space<hbm>> -> memref<624x64xf32, #tpu.memory_space<hbm>>
      %dma_wait3A_44 = arith.constant 0 : i32
      %dma_wait3A_45 = tpu.memref_slice %arg7[%multiple_of3A_25, %dma_wait3A_44] : memref<10000x64xf32, #tpu.memory_space<vmem_shared>> -> memref<624x64xf32, #tpu.memory_space<vmem_shared>>
      tpu.wait_dma2 semaphore(%run_scoped3A_37 : memref<!tpu.dma_semaphore, #tpu.memory_space<semaphore_mem>>) src(%dma_wait3A_45 : memref<624x64xf32, #tpu.memory_space<vmem_shared>>) dst(%dma_wait3A_43 : memref<624x64xf32, #tpu.memory_space<hbm>>)
      tpu.yield
    }) : () -> ()
    %eq3A_32 = arith.constant 15 : i32
    %eq3A_33 = arith.cmpi eq, %arg1, %eq3A_32 : i32
    %convert_element_type3A_34 = arith.extui %eq3A_33 : i1 to i32
    %cond3A_35 = arith.constant 0 : i32
    %cond3A_36 = arith.cmpi ne, %convert_element_type3A_34, %cond3A_35 : i32
    scf.if %cond3A_36 {
      %mul3A_37 = arith.constant 10000 : i32
      %mul3A_38 = arith.muli %arg0, %mul3A_37 : i32
      %add3A_39 = arith.constant 9984 : i32
      %add3A_40 = arith.addi %mul3A_38, %add3A_39 : i32
      "tpu.region"() ({
        %run_scoped3A_41 = tpu.sem_alloc : memref<!tpu.dma_semaphore, #tpu.memory_space<semaphore_mem>>
        %dma_start3A_42 = arith.constant 0 : i32
        %dma_start3A_43 = tpu.memref_slice %arg6[%add3A_40, %dma_start3A_42] : memref<20000x64xf32, #tpu.memory_space<hbm>> -> memref<16x64xf32, #tpu.memory_space<hbm>>
        %dma_start3A_44 = arith.constant 9984 : i32
        %dma_start3A_45 = arith.constant 0 : i32
        %dma_start3A_46 = tpu.memref_slice %arg7[%dma_start3A_44, %dma_start3A_45] : memref<10000x64xf32, #tpu.memory_space<vmem_shared>> -> memref<16x64xf32, #tpu.memory_space<vmem_shared>>
        tpu.enqueue_dma source(%dma_start3A_46 : memref<16x64xf32, #tpu.memory_space<vmem_shared>>) target(%dma_start3A_43 : memref<16x64xf32, #tpu.memory_space<hbm>>) target_semaphore(%run_scoped3A_41 : memref<!tpu.dma_semaphore, #tpu.memory_space<semaphore_mem>>)
        %dma_wait3A_47 = arith.constant 0 : i32
        %dma_wait3A_48 = tpu.memref_slice %arg6[%add3A_40, %dma_wait3A_47] : memref<20000x64xf32, #tpu.memory_space<hbm>> -> memref<16x64xf32, #tpu.memory_space<hbm>>
        %dma_wait3A_49 = arith.constant 9984 : i32
        %dma_wait3A_50 = arith.constant 0 : i32
        %dma_wait3A_51 = tpu.memref_slice %arg7[%dma_wait3A_49, %dma_wait3A_50] : memref<10000x64xf32, #tpu.memory_space<vmem_shared>> -> memref<16x64xf32, #tpu.memory_space<vmem_shared>>
        tpu.wait_dma2 semaphore(%run_scoped3A_41 : memref<!tpu.dma_semaphore, #tpu.memory_space<semaphore_mem>>) src(%dma_wait3A_51 : memref<16x64xf32, #tpu.memory_space<vmem_shared>>) dst(%dma_wait3A_48 : memref<16x64xf32, #tpu.memory_space<hbm>>)
        tpu.yield
      }) : () -> ()
    } else {
    }
    return
  }
}

#map = affine_map<(d0, d1) -> (0, 0)>
#map1 = affine_map<(d0, d1) -> (0, 0, 0)>
module attributes {stable_mosaic.version = 14 : i64} {
  func.func @_sc_gather2(%arg0: i32, %arg1: i32, %arg2: memref<10000x64xf32, #tpu.memory_space<hbm>>, %arg3: memref<10000x64xf32, #tpu.memory_space<hbm>>, %arg4: memref<32x125x80xi32, #tpu.memory_space<hbm>>, %arg5: memref<32x125x80xi32, #tpu.memory_space<hbm>>, %arg6: memref<320000x128xf32, #tpu.memory_space<hbm>>, %arg7: memref<125x80xi32, #tpu.memory_space<vmem>>, %arg8: memref<125x80xi32, #tpu.memory_space<vmem>>, %arg9: memref<80x64xf32, #tpu.memory_space<vmem>>, %arg10: memref<80x64xf32, #tpu.memory_space<vmem>>, %arg11: memref<80x64xf32, #tpu.memory_space<vmem>>, %arg12: memref<80x64xf32, #tpu.memory_space<vmem>>, %arg13: memref<!tpu.dma_semaphore, #tpu.memory_space<semaphore_mem>>, %arg14: memref<!tpu.dma_semaphore, #tpu.memory_space<semaphore_mem>>, %arg15: memref<!tpu.dma_semaphore, #tpu.memory_space<semaphore_mem>>, %arg16: memref<!tpu.dma_semaphore, #tpu.memory_space<semaphore_mem>>, %arg17: memref<!tpu.dma_semaphore, #tpu.memory_space<semaphore_mem>>, %arg18: memref<!tpu.dma_semaphore, #tpu.memory_space<semaphore_mem>>, %arg19: memref<!tpu.dma_semaphore, #tpu.memory_space<semaphore_mem>>, %arg20: memref<!tpu.dma_semaphore, #tpu.memory_space<semaphore_mem>>) attributes {dimension_semantics = [#tpu.dimension_semantics<core_parallel>, #tpu.dimension_semantics<subcore_parallel>], iteration_bounds = array<i64: 2, 16>, scalar_prefetch = 0 : i64, scratch_operands = 14 : i64, tpu.core_type = #tpu.core_type<sc_vector_subcore>, window_params = [{transform_indices = #map}, {transform_indices = #map}, {transform_indices = #map1}, {transform_indices = #map1}, {transform_indices = #map}]} {
    %mul3A = arith.constant 2 : i32
    %mul3A_0 = arith.muli %arg1, %mul3A : i32
    %add3A = arith.addi %mul3A_0, %arg0 : i32
    %mul3A_1 = arith.constant 10000 : i32
    %mul3A_2 = arith.muli %add3A, %mul3A_1 : i32
    "tpu.region"() ({
      %run_scoped3A = tpu.sem_alloc : memref<!tpu.dma_semaphore, #tpu.memory_space<semaphore_mem>>
      %dma_start3A_59 = arith.constant 0 : i32
      %dma_start3A_60 = arith.constant 0 : i32
      %dma_start3A_61 = tpu.memref_slice %arg4[%add3A, %dma_start3A_59, %dma_start3A_60] : memref<32x125x80xi32, #tpu.memory_space<hbm>> -> memref<1x125x80xi32, #tpu.memory_space<hbm>>
      %dma_start3A_62 = tpu.memref_squeeze %dma_start3A_61 : memref<1x125x80xi32, #tpu.memory_space<hbm>> -> memref<125x80xi32, #tpu.memory_space<hbm>>
      %dma_start3A_63 = arith.constant 0 : i32
      %dma_start3A_64 = arith.constant 0 : i32
      %dma_start3A_65 = tpu.memref_slice %arg4[%add3A, %dma_start3A_63, %dma_start3A_64] : memref<32x125x80xi32, #tpu.memory_space<hbm>> -> memref<1x125x80xi32, #tpu.memory_space<hbm>>
      %dma_start3A_66 = tpu.memref_squeeze %dma_start3A_65 : memref<1x125x80xi32, #tpu.memory_space<hbm>> -> memref<125x80xi32, #tpu.memory_space<hbm>>
      tpu.enqueue_dma source(%dma_start3A_66 : memref<125x80xi32, #tpu.memory_space<hbm>>) target(%arg7 : memref<125x80xi32, #tpu.memory_space<vmem>>) target_semaphore(%run_scoped3A : memref<!tpu.dma_semaphore, #tpu.memory_space<semaphore_mem>>)
      %dma_wait3A_67 = arith.constant 0 : i32
      %dma_wait3A_68 = arith.constant 0 : i32
      %dma_wait3A_69 = tpu.memref_slice %arg4[%add3A, %dma_wait3A_67, %dma_wait3A_68] : memref<32x125x80xi32, #tpu.memory_space<hbm>> -> memref<1x125x80xi32, #tpu.memory_space<hbm>>
      %dma_wait3A_70 = tpu.memref_squeeze %dma_wait3A_69 : memref<1x125x80xi32, #tpu.memory_space<hbm>> -> memref<125x80xi32, #tpu.memory_space<hbm>>
      %dma_wait3A_71 = arith.constant 0 : i32
      %dma_wait3A_72 = arith.constant 0 : i32
      %dma_wait3A_73 = tpu.memref_slice %arg4[%add3A, %dma_wait3A_71, %dma_wait3A_72] : memref<32x125x80xi32, #tpu.memory_space<hbm>> -> memref<1x125x80xi32, #tpu.memory_space<hbm>>
      %dma_wait3A_74 = tpu.memref_squeeze %dma_wait3A_73 : memref<1x125x80xi32, #tpu.memory_space<hbm>> -> memref<125x80xi32, #tpu.memory_space<hbm>>
      tpu.wait_dma2 semaphore(%run_scoped3A : memref<!tpu.dma_semaphore, #tpu.memory_space<semaphore_mem>>) src(%dma_wait3A_74 : memref<125x80xi32, #tpu.memory_space<hbm>>) dst(%arg7 : memref<125x80xi32, #tpu.memory_space<vmem>>)
      tpu.yield
    }) : () -> ()
    "tpu.region"() ({
      %run_scoped3A = tpu.sem_alloc : memref<!tpu.dma_semaphore, #tpu.memory_space<semaphore_mem>>
      %dma_start3A_59 = arith.constant 0 : i32
      %dma_start3A_60 = arith.constant 0 : i32
      %dma_start3A_61 = tpu.memref_slice %arg5[%add3A, %dma_start3A_59, %dma_start3A_60] : memref<32x125x80xi32, #tpu.memory_space<hbm>> -> memref<1x125x80xi32, #tpu.memory_space<hbm>>
      %dma_start3A_62 = tpu.memref_squeeze %dma_start3A_61 : memref<1x125x80xi32, #tpu.memory_space<hbm>> -> memref<125x80xi32, #tpu.memory_space<hbm>>
      %dma_start3A_63 = arith.constant 0 : i32
      %dma_start3A_64 = arith.constant 0 : i32
      %dma_start3A_65 = tpu.memref_slice %arg5[%add3A, %dma_start3A_63, %dma_start3A_64] : memref<32x125x80xi32, #tpu.memory_space<hbm>> -> memref<1x125x80xi32, #tpu.memory_space<hbm>>
      %dma_start3A_66 = tpu.memref_squeeze %dma_start3A_65 : memref<1x125x80xi32, #tpu.memory_space<hbm>> -> memref<125x80xi32, #tpu.memory_space<hbm>>
      tpu.enqueue_dma source(%dma_start3A_66 : memref<125x80xi32, #tpu.memory_space<hbm>>) target(%arg8 : memref<125x80xi32, #tpu.memory_space<vmem>>) target_semaphore(%run_scoped3A : memref<!tpu.dma_semaphore, #tpu.memory_space<semaphore_mem>>)
      %dma_wait3A_67 = arith.constant 0 : i32
      %dma_wait3A_68 = arith.constant 0 : i32
      %dma_wait3A_69 = tpu.memref_slice %arg5[%add3A, %dma_wait3A_67, %dma_wait3A_68] : memref<32x125x80xi32, #tpu.memory_space<hbm>> -> memref<1x125x80xi32, #tpu.memory_space<hbm>>
      %dma_wait3A_70 = tpu.memref_squeeze %dma_wait3A_69 : memref<1x125x80xi32, #tpu.memory_space<hbm>> -> memref<125x80xi32, #tpu.memory_space<hbm>>
      %dma_wait3A_71 = arith.constant 0 : i32
      %dma_wait3A_72 = arith.constant 0 : i32
      %dma_wait3A_73 = tpu.memref_slice %arg5[%add3A, %dma_wait3A_71, %dma_wait3A_72] : memref<32x125x80xi32, #tpu.memory_space<hbm>> -> memref<1x125x80xi32, #tpu.memory_space<hbm>>
      %dma_wait3A_74 = tpu.memref_squeeze %dma_wait3A_73 : memref<1x125x80xi32, #tpu.memory_space<hbm>> -> memref<125x80xi32, #tpu.memory_space<hbm>>
      tpu.wait_dma2 semaphore(%run_scoped3A : memref<!tpu.dma_semaphore, #tpu.memory_space<semaphore_mem>>) src(%dma_wait3A_74 : memref<125x80xi32, #tpu.memory_space<hbm>>) dst(%arg8 : memref<125x80xi32, #tpu.memory_space<vmem>>)
      tpu.yield
    }) : () -> ()
    %dma_start3A = arith.constant 0 : i32
    %dma_start3A_3 = arith.constant 0 : i32
    %dma_start3A_4 = tpu.memref_slice %arg7[%dma_start3A, %dma_start3A_3] : memref<125x80xi32, #tpu.memory_space<vmem>> -> memref<1x80xi32, #tpu.memory_space<vmem>>
    %dma_start3A_5 = tpu.memref_squeeze %dma_start3A_4 : memref<1x80xi32, #tpu.memory_space<vmem>> -> memref<80xi32, #tpu.memory_space<vmem>>
    %dma_start3A_6 = arith.constant 0 : i32
    %dma_start3A_7 = arith.constant 0 : i32
    %dma_start3A_8 = tpu.memref_slice %arg2[%dma_start3A_6, %dma_start3A_7] : memref<10000x64xf32, #tpu.memory_space<hbm>> -> memref<10000x64xf32, #tpu.memory_space<hbm>>
    tpu.enqueue_indirect_dma source(%dma_start3A_8 : memref<10000x64xf32, #tpu.memory_space<hbm>>) target(%arg9 : memref<80x64xf32, #tpu.memory_space<vmem>>) offsets(%dma_start3A_5 : memref<80xi32, #tpu.memory_space<vmem>>) semaphore(%arg13 : memref<!tpu.dma_semaphore, #tpu.memory_space<semaphore_mem>>)
    %dma_start3A_9 = arith.constant 0 : i32
    %dma_start3A_10 = arith.constant 0 : i32
    %dma_start3A_11 = tpu.memref_slice %arg8[%dma_start3A_9, %dma_start3A_10] : memref<125x80xi32, #tpu.memory_space<vmem>> -> memref<1x80xi32, #tpu.memory_space<vmem>>
    %dma_start3A_12 = tpu.memref_squeeze %dma_start3A_11 : memref<1x80xi32, #tpu.memory_space<vmem>> -> memref<80xi32, #tpu.memory_space<vmem>>
    %dma_start3A_13 = arith.constant 0 : i32
    %dma_start3A_14 = arith.constant 0 : i32
    %dma_start3A_15 = tpu.memref_slice %arg3[%dma_start3A_13, %dma_start3A_14] : memref<10000x64xf32, #tpu.memory_space<hbm>> -> memref<10000x64xf32, #tpu.memory_space<hbm>>
    tpu.enqueue_indirect_dma source(%dma_start3A_15 : memref<10000x64xf32, #tpu.memory_space<hbm>>) target(%arg10 : memref<80x64xf32, #tpu.memory_space<vmem>>) offsets(%dma_start3A_12 : memref<80xi32, #tpu.memory_space<vmem>>) semaphore(%arg14 : memref<!tpu.dma_semaphore, #tpu.memory_space<semaphore_mem>>)
    %scan3A = arith.constant 0 : i32
    %scan3A_16 = arith.constant 0 : i32
    %scan3A_17 = arith.constant 62 : i32
    %scan3A_18 = arith.addi %scan3A_16, %scan3A_17 : i32
    %scan3A_19 = arith.constant 1 : i32
    scf.for %scan3A_59 = %scan3A_16 to %scan3A_18 step %scan3A_19  : i32 {
      %mul3A_60 = arith.constant 2 : i32
      %mul3A_61 = arith.muli %mul3A_60, %scan3A_59 : i32
      %add3A_62 = arith.constant 1 : i32
      %add3A_63 = arith.addi %mul3A_61, %add3A_62 : i32
      %dma_start3A_64 = arith.constant 0 : i32
      %dma_start3A_65 = tpu.memref_slice %arg7[%add3A_63, %dma_start3A_64] : memref<125x80xi32, #tpu.memory_space<vmem>> -> memref<1x80xi32, #tpu.memory_space<vmem>>
      %dma_start3A_66 = tpu.memref_squeeze %dma_start3A_65 : memref<1x80xi32, #tpu.memory_space<vmem>> -> memref<80xi32, #tpu.memory_space<vmem>>
      %dma_start3A_67 = arith.constant 0 : i32
      %dma_start3A_68 = arith.constant 0 : i32
      %dma_start3A_69 = tpu.memref_slice %arg2[%dma_start3A_67, %dma_start3A_68] : memref<10000x64xf32, #tpu.memory_space<hbm>> -> memref<10000x64xf32, #tpu.memory_space<hbm>>
      tpu.enqueue_indirect_dma source(%dma_start3A_69 : memref<10000x64xf32, #tpu.memory_space<hbm>>) target(%arg11 : memref<80x64xf32, #tpu.memory_space<vmem>>) offsets(%dma_start3A_66 : memref<80xi32, #tpu.memory_space<vmem>>) semaphore(%arg15 : memref<!tpu.dma_semaphore, #tpu.memory_space<semaphore_mem>>)
      %add3A_70 = arith.constant 1 : i32
      %add3A_71 = arith.addi %mul3A_61, %add3A_70 : i32
      %dma_start3A_72 = arith.constant 0 : i32
      %dma_start3A_73 = tpu.memref_slice %arg8[%add3A_71, %dma_start3A_72] : memref<125x80xi32, #tpu.memory_space<vmem>> -> memref<1x80xi32, #tpu.memory_space<vmem>>
      %dma_start3A_74 = tpu.memref_squeeze %dma_start3A_73 : memref<1x80xi32, #tpu.memory_space<vmem>> -> memref<80xi32, #tpu.memory_space<vmem>>
      %dma_start3A_75 = arith.constant 0 : i32
      %dma_start3A_76 = arith.constant 0 : i32
      %dma_start3A_77 = tpu.memref_slice %arg3[%dma_start3A_75, %dma_start3A_76] : memref<10000x64xf32, #tpu.memory_space<hbm>> -> memref<10000x64xf32, #tpu.memory_space<hbm>>
      tpu.enqueue_indirect_dma source(%dma_start3A_77 : memref<10000x64xf32, #tpu.memory_space<hbm>>) target(%arg12 : memref<80x64xf32, #tpu.memory_space<vmem>>) offsets(%dma_start3A_74 : memref<80xi32, #tpu.memory_space<vmem>>) semaphore(%arg16 : memref<!tpu.dma_semaphore, #tpu.memory_space<semaphore_mem>>)
      %dma_wait3A_78 = arith.constant 0 : i32
      %dma_wait3A_79 = arith.constant 0 : i32
      %dma_wait3A_80 = tpu.memref_slice %arg7[%dma_wait3A_78, %dma_wait3A_79] : memref<125x80xi32, #tpu.memory_space<vmem>> -> memref<1x80xi32, #tpu.memory_space<vmem>>
      %dma_wait3A_81 = tpu.memref_squeeze %dma_wait3A_80 : memref<1x80xi32, #tpu.memory_space<vmem>> -> memref<80xi32, #tpu.memory_space<vmem>>
      %dma_wait3A_82 = arith.constant 0 : i32
      %dma_wait3A_83 = arith.constant 0 : i32
      %dma_wait3A_84 = tpu.memref_slice %arg2[%dma_wait3A_82, %dma_wait3A_83] : memref<10000x64xf32, #tpu.memory_space<hbm>> -> memref<10000x64xf32, #tpu.memory_space<hbm>>
      tpu.wait_indirect_dma semaphore(%arg13 : memref<!tpu.dma_semaphore, #tpu.memory_space<semaphore_mem>>) src(%dma_wait3A_84 : memref<10000x64xf32, #tpu.memory_space<hbm>>) dst(%arg9 : memref<80x64xf32, #tpu.memory_space<vmem>>)
      %mul3A_85 = arith.constant 80 : i32
      %mul3A_86 = arith.muli %mul3A_61, %mul3A_85 : i32
      %add3A_87 = arith.addi %mul3A_2, %mul3A_86 : i32
      %multiple_of3A_88 = tpu.assume_multiple %add3A_87, 8 : i32
      %dma_start3A_89 = arith.constant 0 : i32
      %dma_start3A_90 = tpu.memref_slice %arg6[%multiple_of3A_88, %dma_start3A_89] : memref<320000x128xf32, #tpu.memory_space<hbm>> -> memref<80x64xf32, #tpu.memory_space<hbm>>
      %dma_start3A_91 = arith.constant 0 : i32
      %dma_start3A_92 = tpu.memref_slice %arg6[%multiple_of3A_88, %dma_start3A_91] : memref<320000x128xf32, #tpu.memory_space<hbm>> -> memref<80x64xf32, #tpu.memory_space<hbm>>
      tpu.enqueue_dma source(%arg9 : memref<80x64xf32, #tpu.memory_space<vmem>>) target(%dma_start3A_92 : memref<80x64xf32, #tpu.memory_space<hbm>>) target_semaphore(%arg17 : memref<!tpu.dma_semaphore, #tpu.memory_space<semaphore_mem>>)
      %dma_wait3A_93 = arith.constant 0 : i32
      %dma_wait3A_94 = arith.constant 0 : i32
      %dma_wait3A_95 = tpu.memref_slice %arg7[%dma_wait3A_93, %dma_wait3A_94] : memref<125x80xi32, #tpu.memory_space<vmem>> -> memref<1x80xi32, #tpu.memory_space<vmem>>
      %dma_wait3A_96 = tpu.memref_squeeze %dma_wait3A_95 : memref<1x80xi32, #tpu.memory_space<vmem>> -> memref<80xi32, #tpu.memory_space<vmem>>
      %dma_wait3A_97 = arith.constant 0 : i32
      %dma_wait3A_98 = arith.constant 0 : i32
      %dma_wait3A_99 = tpu.memref_slice %arg2[%dma_wait3A_97, %dma_wait3A_98] : memref<10000x64xf32, #tpu.memory_space<hbm>> -> memref<10000x64xf32, #tpu.memory_space<hbm>>
      tpu.wait_indirect_dma semaphore(%arg14 : memref<!tpu.dma_semaphore, #tpu.memory_space<semaphore_mem>>) src(%dma_wait3A_99 : memref<10000x64xf32, #tpu.memory_space<hbm>>) dst(%arg10 : memref<80x64xf32, #tpu.memory_space<vmem>>)
      %mul3A_100 = arith.constant 80 : i32
      %mul3A_101 = arith.muli %mul3A_61, %mul3A_100 : i32
      %add3A_102 = arith.addi %mul3A_2, %mul3A_101 : i32
      %multiple_of3A_103 = tpu.assume_multiple %add3A_102, 8 : i32
      %dma_start3A_104 = arith.constant 64 : i32
      %dma_start3A_105 = tpu.memref_slice %arg6[%multiple_of3A_103, %dma_start3A_104] : memref<320000x128xf32, #tpu.memory_space<hbm>> -> memref<80x64xf32, #tpu.memory_space<hbm>>
      %dma_start3A_106 = arith.constant 64 : i32
      %dma_start3A_107 = tpu.memref_slice %arg6[%multiple_of3A_103, %dma_start3A_106] : memref<320000x128xf32, #tpu.memory_space<hbm>> -> memref<80x64xf32, #tpu.memory_space<hbm>>
      tpu.enqueue_dma source(%arg10 : memref<80x64xf32, #tpu.memory_space<vmem>>) target(%dma_start3A_107 : memref<80x64xf32, #tpu.memory_space<hbm>>) target_semaphore(%arg18 : memref<!tpu.dma_semaphore, #tpu.memory_space<semaphore_mem>>)
      %dma_wait3A_108 = arith.constant 0 : i32
      %dma_wait3A_109 = arith.constant 0 : i32
      %dma_wait3A_110 = tpu.memref_slice %arg6[%dma_wait3A_108, %dma_wait3A_109] : memref<320000x128xf32, #tpu.memory_space<hbm>> -> memref<80x64xf32, #tpu.memory_space<hbm>>
      %dma_wait3A_111 = arith.constant 0 : i32
      %dma_wait3A_112 = arith.constant 0 : i32
      %dma_wait3A_113 = tpu.memref_slice %arg6[%dma_wait3A_111, %dma_wait3A_112] : memref<320000x128xf32, #tpu.memory_space<hbm>> -> memref<80x64xf32, #tpu.memory_space<hbm>>
      tpu.wait_dma2 semaphore(%arg17 : memref<!tpu.dma_semaphore, #tpu.memory_space<semaphore_mem>>) src(%arg9 : memref<80x64xf32, #tpu.memory_space<vmem>>) dst(%dma_wait3A_113 : memref<80x64xf32, #tpu.memory_space<hbm>>)
      %dma_wait3A_114 = arith.constant 0 : i32
      %dma_wait3A_115 = arith.constant 64 : i32
      %dma_wait3A_116 = tpu.memref_slice %arg6[%dma_wait3A_114, %dma_wait3A_115] : memref<320000x128xf32, #tpu.memory_space<hbm>> -> memref<80x64xf32, #tpu.memory_space<hbm>>
      %dma_wait3A_117 = arith.constant 0 : i32
      %dma_wait3A_118 = arith.constant 64 : i32
      %dma_wait3A_119 = tpu.memref_slice %arg6[%dma_wait3A_117, %dma_wait3A_118] : memref<320000x128xf32, #tpu.memory_space<hbm>> -> memref<80x64xf32, #tpu.memory_space<hbm>>
      tpu.wait_dma2 semaphore(%arg18 : memref<!tpu.dma_semaphore, #tpu.memory_space<semaphore_mem>>) src(%arg10 : memref<80x64xf32, #tpu.memory_space<vmem>>) dst(%dma_wait3A_119 : memref<80x64xf32, #tpu.memory_space<hbm>>)
      %add3A_120 = arith.constant 2 : i32
      %add3A_121 = arith.addi %mul3A_61, %add3A_120 : i32
      %dma_start3A_122 = arith.constant 0 : i32
      %dma_start3A_123 = tpu.memref_slice %arg7[%add3A_121, %dma_start3A_122] : memref<125x80xi32, #tpu.memory_space<vmem>> -> memref<1x80xi32, #tpu.memory_space<vmem>>
      %dma_start3A_124 = tpu.memref_squeeze %dma_start3A_123 : memref<1x80xi32, #tpu.memory_space<vmem>> -> memref<80xi32, #tpu.memory_space<vmem>>
      %dma_start3A_125 = arith.constant 0 : i32
      %dma_start3A_126 = arith.constant 0 : i32
      %dma_start3A_127 = tpu.memref_slice %arg2[%dma_start3A_125, %dma_start3A_126] : memref<10000x64xf32, #tpu.memory_space<hbm>> -> memref<10000x64xf32, #tpu.memory_space<hbm>>
      tpu.enqueue_indirect_dma source(%dma_start3A_127 : memref<10000x64xf32, #tpu.memory_space<hbm>>) target(%arg9 : memref<80x64xf32, #tpu.memory_space<vmem>>) offsets(%dma_start3A_124 : memref<80xi32, #tpu.memory_space<vmem>>) semaphore(%arg13 : memref<!tpu.dma_semaphore, #tpu.memory_space<semaphore_mem>>)
      %add3A_128 = arith.constant 2 : i32
      %add3A_129 = arith.addi %mul3A_61, %add3A_128 : i32
      %dma_start3A_130 = arith.constant 0 : i32
      %dma_start3A_131 = tpu.memref_slice %arg8[%add3A_129, %dma_start3A_130] : memref<125x80xi32, #tpu.memory_space<vmem>> -> memref<1x80xi32, #tpu.memory_space<vmem>>
      %dma_start3A_132 = tpu.memref_squeeze %dma_start3A_131 : memref<1x80xi32, #tpu.memory_space<vmem>> -> memref<80xi32, #tpu.memory_space<vmem>>
      %dma_start3A_133 = arith.constant 0 : i32
      %dma_start3A_134 = arith.constant 0 : i32
      %dma_start3A_135 = tpu.memref_slice %arg3[%dma_start3A_133, %dma_start3A_134] : memref<10000x64xf32, #tpu.memory_space<hbm>> -> memref<10000x64xf32, #tpu.memory_space<hbm>>
      tpu.enqueue_indirect_dma source(%dma_start3A_135 : memref<10000x64xf32, #tpu.memory_space<hbm>>) target(%arg10 : memref<80x64xf32, #tpu.memory_space<vmem>>) offsets(%dma_start3A_132 : memref<80xi32, #tpu.memory_space<vmem>>) semaphore(%arg14 : memref<!tpu.dma_semaphore, #tpu.memory_space<semaphore_mem>>)
      %dma_wait3A_136 = arith.constant 0 : i32
      %dma_wait3A_137 = arith.constant 0 : i32
      %dma_wait3A_138 = tpu.memref_slice %arg7[%dma_wait3A_136, %dma_wait3A_137] : memref<125x80xi32, #tpu.memory_space<vmem>> -> memref<1x80xi32, #tpu.memory_space<vmem>>
      %dma_wait3A_139 = tpu.memref_squeeze %dma_wait3A_138 : memref<1x80xi32, #tpu.memory_space<vmem>> -> memref<80xi32, #tpu.memory_space<vmem>>
      %dma_wait3A_140 = arith.constant 0 : i32
      %dma_wait3A_141 = arith.constant 0 : i32
      %dma_wait3A_142 = tpu.memref_slice %arg2[%dma_wait3A_140, %dma_wait3A_141] : memref<10000x64xf32, #tpu.memory_space<hbm>> -> memref<10000x64xf32, #tpu.memory_space<hbm>>
      tpu.wait_indirect_dma semaphore(%arg15 : memref<!tpu.dma_semaphore, #tpu.memory_space<semaphore_mem>>) src(%dma_wait3A_142 : memref<10000x64xf32, #tpu.memory_space<hbm>>) dst(%arg11 : memref<80x64xf32, #tpu.memory_space<vmem>>)
      %add3A_143 = arith.constant 1 : i32
      %add3A_144 = arith.addi %mul3A_61, %add3A_143 : i32
      %mul3A_145 = arith.constant 80 : i32
      %mul3A_146 = arith.muli %add3A_144, %mul3A_145 : i32
      %add3A_147 = arith.addi %mul3A_2, %mul3A_146 : i32
      %multiple_of3A_148 = tpu.assume_multiple %add3A_147, 8 : i32
      %dma_start3A_149 = arith.constant 0 : i32
      %dma_start3A_150 = tpu.memref_slice %arg6[%multiple_of3A_148, %dma_start3A_149] : memref<320000x128xf32, #tpu.memory_space<hbm>> -> memref<80x64xf32, #tpu.memory_space<hbm>>
      %dma_start3A_151 = arith.constant 0 : i32
      %dma_start3A_152 = tpu.memref_slice %arg6[%multiple_of3A_148, %dma_start3A_151] : memref<320000x128xf32, #tpu.memory_space<hbm>> -> memref<80x64xf32, #tpu.memory_space<hbm>>
      tpu.enqueue_dma source(%arg11 : memref<80x64xf32, #tpu.memory_space<vmem>>) target(%dma_start3A_152 : memref<80x64xf32, #tpu.memory_space<hbm>>) target_semaphore(%arg19 : memref<!tpu.dma_semaphore, #tpu.memory_space<semaphore_mem>>)
      %dma_wait3A_153 = arith.constant 0 : i32
      %dma_wait3A_154 = arith.constant 0 : i32
      %dma_wait3A_155 = tpu.memref_slice %arg7[%dma_wait3A_153, %dma_wait3A_154] : memref<125x80xi32, #tpu.memory_space<vmem>> -> memref<1x80xi32, #tpu.memory_space<vmem>>
      %dma_wait3A_156 = tpu.memref_squeeze %dma_wait3A_155 : memref<1x80xi32, #tpu.memory_space<vmem>> -> memref<80xi32, #tpu.memory_space<vmem>>
      %dma_wait3A_157 = arith.constant 0 : i32
      %dma_wait3A_158 = arith.constant 0 : i32
      %dma_wait3A_159 = tpu.memref_slice %arg2[%dma_wait3A_157, %dma_wait3A_158] : memref<10000x64xf32, #tpu.memory_space<hbm>> -> memref<10000x64xf32, #tpu.memory_space<hbm>>
      tpu.wait_indirect_dma semaphore(%arg16 : memref<!tpu.dma_semaphore, #tpu.memory_space<semaphore_mem>>) src(%dma_wait3A_159 : memref<10000x64xf32, #tpu.memory_space<hbm>>) dst(%arg12 : memref<80x64xf32, #tpu.memory_space<vmem>>)
      %add3A_160 = arith.constant 1 : i32
      %add3A_161 = arith.addi %mul3A_61, %add3A_160 : i32
      %mul3A_162 = arith.constant 80 : i32
      %mul3A_163 = arith.muli %add3A_161, %mul3A_162 : i32
      %add3A_164 = arith.addi %mul3A_2, %mul3A_163 : i32
      %multiple_of3A_165 = tpu.assume_multiple %add3A_164, 8 : i32
      %dma_start3A_166 = arith.constant 64 : i32
      %dma_start3A_167 = tpu.memref_slice %arg6[%multiple_of3A_165, %dma_start3A_166] : memref<320000x128xf32, #tpu.memory_space<hbm>> -> memref<80x64xf32, #tpu.memory_space<hbm>>
      %dma_start3A_168 = arith.constant 64 : i32
      %dma_start3A_169 = tpu.memref_slice %arg6[%multiple_of3A_165, %dma_start3A_168] : memref<320000x128xf32, #tpu.memory_space<hbm>> -> memref<80x64xf32, #tpu.memory_space<hbm>>
      tpu.enqueue_dma source(%arg12 : memref<80x64xf32, #tpu.memory_space<vmem>>) target(%dma_start3A_169 : memref<80x64xf32, #tpu.memory_space<hbm>>) target_semaphore(%arg20 : memref<!tpu.dma_semaphore, #tpu.memory_space<semaphore_mem>>)
      %dma_wait3A_170 = arith.constant 0 : i32
      %dma_wait3A_171 = arith.constant 0 : i32
      %dma_wait3A_172 = tpu.memref_slice %arg6[%dma_wait3A_170, %dma_wait3A_171] : memref<320000x128xf32, #tpu.memory_space<hbm>> -> memref<80x64xf32, #tpu.memory_space<hbm>>
      %dma_wait3A_173 = arith.constant 0 : i32
      %dma_wait3A_174 = arith.constant 0 : i32
      %dma_wait3A_175 = tpu.memref_slice %arg6[%dma_wait3A_173, %dma_wait3A_174] : memref<320000x128xf32, #tpu.memory_space<hbm>> -> memref<80x64xf32, #tpu.memory_space<hbm>>
      tpu.wait_dma2 semaphore(%arg19 : memref<!tpu.dma_semaphore, #tpu.memory_space<semaphore_mem>>) src(%arg11 : memref<80x64xf32, #tpu.memory_space<vmem>>) dst(%dma_wait3A_175 : memref<80x64xf32, #tpu.memory_space<hbm>>)
      %dma_wait3A_176 = arith.constant 0 : i32
      %dma_wait3A_177 = arith.constant 64 : i32
      %dma_wait3A_178 = tpu.memref_slice %arg6[%dma_wait3A_176, %dma_wait3A_177] : memref<320000x128xf32, #tpu.memory_space<hbm>> -> memref<80x64xf32, #tpu.memory_space<hbm>>
      %dma_wait3A_179 = arith.constant 0 : i32
      %dma_wait3A_180 = arith.constant 64 : i32
      %dma_wait3A_181 = tpu.memref_slice %arg6[%dma_wait3A_179, %dma_wait3A_180] : memref<320000x128xf32, #tpu.memory_space<hbm>> -> memref<80x64xf32, #tpu.memory_space<hbm>>
      tpu.wait_dma2 semaphore(%arg20 : memref<!tpu.dma_semaphore, #tpu.memory_space<semaphore_mem>>) src(%arg12 : memref<80x64xf32, #tpu.memory_space<vmem>>) dst(%dma_wait3A_181 : memref<80x64xf32, #tpu.memory_space<hbm>>)
    }
    %scan3A_20 = arith.constant 62 : i32
    %dma_wait3A = arith.constant 0 : i32
    %dma_wait3A_21 = arith.constant 0 : i32
    %dma_wait3A_22 = tpu.memref_slice %arg7[%dma_wait3A, %dma_wait3A_21] : memref<125x80xi32, #tpu.memory_space<vmem>> -> memref<1x80xi32, #tpu.memory_space<vmem>>
    %dma_wait3A_23 = tpu.memref_squeeze %dma_wait3A_22 : memref<1x80xi32, #tpu.memory_space<vmem>> -> memref<80xi32, #tpu.memory_space<vmem>>
    %dma_wait3A_24 = arith.constant 0 : i32
    %dma_wait3A_25 = arith.constant 0 : i32
    %dma_wait3A_26 = tpu.memref_slice %arg2[%dma_wait3A_24, %dma_wait3A_25] : memref<10000x64xf32, #tpu.memory_space<hbm>> -> memref<10000x64xf32, #tpu.memory_space<hbm>>
    tpu.wait_indirect_dma semaphore(%arg13 : memref<!tpu.dma_semaphore, #tpu.memory_space<semaphore_mem>>) src(%dma_wait3A_26 : memref<10000x64xf32, #tpu.memory_space<hbm>>) dst(%arg9 : memref<80x64xf32, #tpu.memory_space<vmem>>)
    %add3A_27 = arith.constant 9920 : i32
    %add3A_28 = arith.addi %mul3A_2, %add3A_27 : i32
    %multiple_of3A = tpu.assume_multiple %add3A_28, 8 : i32
    %dma_start3A_29 = arith.constant 0 : i32
    %dma_start3A_30 = tpu.memref_slice %arg6[%multiple_of3A, %dma_start3A_29] : memref<320000x128xf32, #tpu.memory_space<hbm>> -> memref<80x64xf32, #tpu.memory_space<hbm>>
    %dma_start3A_31 = arith.constant 0 : i32
    %dma_start3A_32 = tpu.memref_slice %arg6[%multiple_of3A, %dma_start3A_31] : memref<320000x128xf32, #tpu.memory_space<hbm>> -> memref<80x64xf32, #tpu.memory_space<hbm>>
    tpu.enqueue_dma source(%arg9 : memref<80x64xf32, #tpu.memory_space<vmem>>) target(%dma_start3A_32 : memref<80x64xf32, #tpu.memory_space<hbm>>) target_semaphore(%arg17 : memref<!tpu.dma_semaphore, #tpu.memory_space<semaphore_mem>>)
    %dma_wait3A_33 = arith.constant 0 : i32
    %dma_wait3A_34 = arith.constant 0 : i32
    %dma_wait3A_35 = tpu.memref_slice %arg7[%dma_wait3A_33, %dma_wait3A_34] : memref<125x80xi32, #tpu.memory_space<vmem>> -> memref<1x80xi32, #tpu.memory_space<vmem>>
    %dma_wait3A_36 = tpu.memref_squeeze %dma_wait3A_35 : memref<1x80xi32, #tpu.memory_space<vmem>> -> memref<80xi32, #tpu.memory_space<vmem>>
    %dma_wait3A_37 = arith.constant 0 : i32
    %dma_wait3A_38 = arith.constant 0 : i32
    %dma_wait3A_39 = tpu.memref_slice %arg2[%dma_wait3A_37, %dma_wait3A_38] : memref<10000x64xf32, #tpu.memory_space<hbm>> -> memref<10000x64xf32, #tpu.memory_space<hbm>>
    tpu.wait_indirect_dma semaphore(%arg14 : memref<!tpu.dma_semaphore, #tpu.memory_space<semaphore_mem>>) src(%dma_wait3A_39 : memref<10000x64xf32, #tpu.memory_space<hbm>>) dst(%arg10 : memref<80x64xf32, #tpu.memory_space<vmem>>)
    %add3A_40 = arith.constant 9920 : i32
    %add3A_41 = arith.addi %mul3A_2, %add3A_40 : i32
    %multiple_of3A_42 = tpu.assume_multiple %add3A_41, 8 : i32
    %dma_start3A_43 = arith.constant 64 : i32
    %dma_start3A_44 = tpu.memref_slice %arg6[%multiple_of3A_42, %dma_start3A_43] : memref<320000x128xf32, #tpu.memory_space<hbm>> -> memref<80x64xf32, #tpu.memory_space<hbm>>
    %dma_start3A_45 = arith.constant 64 : i32
    %dma_start3A_46 = tpu.memref_slice %arg6[%multiple_of3A_42, %dma_start3A_45] : memref<320000x128xf32, #tpu.memory_space<hbm>> -> memref<80x64xf32, #tpu.memory_space<hbm>>
    tpu.enqueue_dma source(%arg10 : memref<80x64xf32, #tpu.memory_space<vmem>>) target(%dma_start3A_46 : memref<80x64xf32, #tpu.memory_space<hbm>>) target_semaphore(%arg18 : memref<!tpu.dma_semaphore, #tpu.memory_space<semaphore_mem>>)
    %dma_wait3A_47 = arith.constant 0 : i32
    %dma_wait3A_48 = arith.constant 0 : i32
    %dma_wait3A_49 = tpu.memref_slice %arg6[%dma_wait3A_47, %dma_wait3A_48] : memref<320000x128xf32, #tpu.memory_space<hbm>> -> memref<80x64xf32, #tpu.memory_space<hbm>>
    %dma_wait3A_50 = arith.constant 0 : i32
    %dma_wait3A_51 = arith.constant 0 : i32
    %dma_wait3A_52 = tpu.memref_slice %arg6[%dma_wait3A_50, %dma_wait3A_51] : memref<320000x128xf32, #tpu.memory_space<hbm>> -> memref<80x64xf32, #tpu.memory_space<hbm>>
    tpu.wait_dma2 semaphore(%arg17 : memref<!tpu.dma_semaphore, #tpu.memory_space<semaphore_mem>>) src(%arg9 : memref<80x64xf32, #tpu.memory_space<vmem>>) dst(%dma_wait3A_52 : memref<80x64xf32, #tpu.memory_space<hbm>>)
    %dma_wait3A_53 = arith.constant 0 : i32
    %dma_wait3A_54 = arith.constant 64 : i32
    %dma_wait3A_55 = tpu.memref_slice %arg6[%dma_wait3A_53, %dma_wait3A_54] : memref<320000x128xf32, #tpu.memory_space<hbm>> -> memref<80x64xf32, #tpu.memory_space<hbm>>
    %dma_wait3A_56 = arith.constant 0 : i32
    %dma_wait3A_57 = arith.constant 64 : i32
    %dma_wait3A_58 = tpu.memref_slice %arg6[%dma_wait3A_56, %dma_wait3A_57] : memref<320000x128xf32, #tpu.memory_space<hbm>> -> memref<80x64xf32, #tpu.memory_space<hbm>>
    tpu.wait_dma2 semaphore(%arg18 : memref<!tpu.dma_semaphore, #tpu.memory_space<semaphore_mem>>) src(%arg10 : memref<80x64xf32, #tpu.memory_space<vmem>>) dst(%dma_wait3A_58 : memref<80x64xf32, #tpu.memory_space<hbm>>)
    return
  }
}

module attributes {stable_mosaic.version = 14 : i64} {
  func.func @_tc_prep_body(%arg0: memref<20000x16xf32, #tpu.memory_space<vmem>>, %arg1: memref<10000x128xf32, #tpu.memory_space<vmem>>, %arg2: memref<128x64xf32, #tpu.memory_space<vmem>>, %arg3: memref<10000x64xf32, #tpu.memory_space<vmem>>, %arg4: memref<10000x1xf32, #tpu.memory_space<vmem>>) attributes {dimension_semantics = [], scalar_prefetch = 0 : i64, scratch_operands = 0 : i64, tpu.core_type = #tpu.core_type<tc>} {
    %get3A = arith.constant 0 : index
    %get3A_0 = arith.constant 0 : index
    %get3A_1 = vector.load %arg0[%get3A, %get3A_0] : memref<20000x16xf32, #tpu.memory_space<vmem>>, vector<10000x1xf32>
    %get3A_2 = arith.constant 10000 : index
    %get3A_3 = arith.constant 0 : index
    %get3A_4 = vector.load %arg0[%get3A_2, %get3A_3] : memref<20000x16xf32, #tpu.memory_space<vmem>>, vector<10000x1xf32>
    %add3A = arith.addf %get3A_1, %get3A_4 : vector<10000x1xf32>
    %add3A_5 = arith.constant 1.000000e+00 : f32
    %add3A_6 = vector.broadcast %add3A_5 : f32 to vector<10000x1xf32>
    %add3A_7 = arith.addf %add3A, %add3A_6 : vector<10000x1xf32>
    %rsqrt3A = math.rsqrt %add3A_7 : vector<10000x1xf32>
    %get3A_8 = arith.constant 0 : index
    %get3A_9 = arith.constant 0 : index
    %get3A_10 = vector.load %arg1[%get3A_8, %get3A_9] : memref<10000x128xf32, #tpu.memory_space<vmem>>, vector<10000x128xf32>
    %get3A_11 = arith.constant 0 : index
    %get3A_12 = arith.constant 0 : index
    %get3A_13 = vector.load %arg2[%get3A_11, %get3A_12] : memref<128x64xf32, #tpu.memory_space<vmem>>, vector<128x64xf32>
    %dot_general3A = arith.constant dense<0.000000e+00> : vector<10000x64xf32>
    %dot_general3A_14 = tpu.matmul %get3A_10, %get3A_13, %dot_general3A {dimension_numbers = #tpu.dot_dimension_numbers<[1], [0], [0], [1], [0, 0, 1, 1], [], []>, transpose_lhs_hint = false} : vector<10000x128xf32>, vector<128x64xf32>, vector<10000x64xf32> -> vector<10000x64xf32>
    %mul3A = vector.broadcast %rsqrt3A : vector<10000x1xf32> to vector<10000x64xf32>
    %mul3A_15 = arith.mulf %dot_general3A_14, %mul3A : vector<10000x64xf32>
    %swap3A = arith.constant 0 : index
    %swap3A_16 = arith.constant 0 : index
    %swap3A_17 = vector.load %arg3[%swap3A, %swap3A_16] : memref<10000x64xf32, #tpu.memory_space<vmem>>, vector<10000x64xf32>
    tpu.vector_store %arg3[%swap3A, %swap3A_16], %mul3A_15 {strides = array<i32>} : memref<10000x64xf32, #tpu.memory_space<vmem>>, vector<10000x64xf32>,
    %swap3A_18 = arith.constant 0 : index
    %swap3A_19 = arith.constant 0 : index
    %swap3A_20 = vector.load %arg4[%swap3A_18, %swap3A_19] : memref<10000x1xf32, #tpu.memory_space<vmem>>, vector<10000x1xf32>
    tpu.vector_store %arg4[%swap3A_18, %swap3A_19], %rsqrt3A {strides = array<i32>} : memref<10000x1xf32, #tpu.memory_space<vmem>>, vector<10000x1xf32>,
    return
  }
}

module attributes {stable_mosaic.version = 14 : i64} {
  func.func @_tc_glue_body(%arg0: memref<20000x64xf32, #tpu.memory_space<vmem>>, %arg1: memref<10000x64xf32, #tpu.memory_space<vmem>>, %arg2: memref<10000x1xf32, #tpu.memory_space<vmem>>, %arg3: memref<1x64xf32, #tpu.memory_space<vmem>>, %arg4: memref<64x64xf32, #tpu.memory_space<vmem>>, %arg5: memref<10000x64xf32, #tpu.memory_space<vmem>>) attributes {dimension_semantics = [], scalar_prefetch = 0 : i64, scratch_operands = 0 : i64, tpu.core_type = #tpu.core_type<tc>} {
    %get3A = arith.constant 0 : index
    %get3A_0 = arith.constant 0 : index
    %get3A_1 = vector.load %arg0[%get3A, %get3A_0] : memref<20000x64xf32, #tpu.memory_space<vmem>>, vector<10000x64xf32>
    %get3A_2 = arith.constant 10000 : index
    %get3A_3 = arith.constant 0 : index
    %get3A_4 = vector.load %arg0[%get3A_2, %get3A_3] : memref<20000x64xf32, #tpu.memory_space<vmem>>, vector<10000x64xf32>
    %add3A = arith.addf %get3A_1, %get3A_4 : vector<10000x64xf32>
    %get3A_5 = arith.constant 0 : index
    %get3A_6 = arith.constant 0 : index
    %get3A_7 = vector.load %arg2[%get3A_5, %get3A_6] : memref<10000x1xf32, #tpu.memory_space<vmem>>, vector<10000x1xf32>
    %get3A_8 = arith.constant 0 : index
    %get3A_9 = arith.constant 0 : index
    %get3A_10 = vector.load %arg1[%get3A_8, %get3A_9] : memref<10000x64xf32, #tpu.memory_space<vmem>>, vector<10000x64xf32>
    %add3A_11 = arith.addf %add3A, %get3A_10 : vector<10000x64xf32>
    %mul3A = vector.broadcast %get3A_7 : vector<10000x1xf32> to vector<10000x64xf32>
    %mul3A_12 = arith.mulf %mul3A, %add3A_11 : vector<10000x64xf32>
    %get3A_13 = arith.constant 0 : index
    %get3A_14 = arith.constant 0 : index
    %get3A_15 = vector.load %arg3[%get3A_13, %get3A_14] : memref<1x64xf32, #tpu.memory_space<vmem>>, vector<1x64xf32>
    %add3A_16 = vector.broadcast %get3A_15 : vector<1x64xf32> to vector<10000x64xf32>
    %add3A_17 = arith.addf %mul3A_12, %add3A_16 : vector<10000x64xf32>
    %max3A = arith.constant 0.000000e+00 : f32
    %max3A_18 = vector.broadcast %max3A : f32 to vector<10000x64xf32>
    %max3A_19 = arith.maximumf %add3A_17, %max3A_18 : vector<10000x64xf32>
    %get3A_20 = arith.constant 0 : index
    %get3A_21 = arith.constant 0 : index
    %get3A_22 = vector.load %arg4[%get3A_20, %get3A_21] : memref<64x64xf32, #tpu.memory_space<vmem>>, vector<64x64xf32>
    %dot_general3A = arith.constant dense<0.000000e+00> : vector<10000x64xf32>
    %dot_general3A_23 = tpu.matmul %max3A_19, %get3A_22, %dot_general3A {dimension_numbers = #tpu.dot_dimension_numbers<[1], [0], [0], [1], [0, 0, 1, 1], [], []>, transpose_lhs_hint = false} : vector<10000x64xf32>, vector<64x64xf32>, vector<10000x64xf32> -> vector<10000x64xf32>
    %get3A_24 = arith.constant 0 : index
    %get3A_25 = arith.constant 0 : index
    %get3A_26 = vector.load %arg2[%get3A_24, %get3A_25] : memref<10000x1xf32, #tpu.memory_space<vmem>>, vector<10000x1xf32>
    %mul3A_27 = vector.broadcast %get3A_26 : vector<10000x1xf32> to vector<10000x64xf32>
    %mul3A_28 = arith.mulf %mul3A_27, %dot_general3A_23 : vector<10000x64xf32>
    %swap3A = arith.constant 0 : index
    %swap3A_29 = arith.constant 0 : index
    %swap3A_30 = vector.load %arg5[%swap3A, %swap3A_29] : memref<10000x64xf32, #tpu.memory_space<vmem>>, vector<10000x64xf32>
    tpu.vector_store %arg5[%swap3A, %swap3A_29], %mul3A_28 {strides = array<i32>} : memref<10000x64xf32, #tpu.memory_space<vmem>>, vector<10000x64xf32>,
    return
  }
}

module attributes {stable_mosaic.version = 14 : i64} {
  func.func @_tc_fin_body(%arg0: memref<20000x64xf32, #tpu.memory_space<vmem>>, %arg1: memref<10000x64xf32, #tpu.memory_space<vmem>>, %arg2: memref<10000x1xf32, #tpu.memory_space<vmem>>, %arg3: memref<1x64xf32, #tpu.memory_space<vmem>>, %arg4: memref<64x64xf32, #tpu.memory_space<vmem>>, %arg5: memref<64x64xf32, #tpu.memory_space<vmem>>, %arg6: memref<10000x64xf32, #tpu.memory_space<vmem>>, %arg7: memref<10000x64xf32, #tpu.memory_space<vmem>>) attributes {dimension_semantics = [], scalar_prefetch = 0 : i64, scratch_operands = 0 : i64, tpu.core_type = #tpu.core_type<tc>} {
    %get3A = arith.constant 0 : index
    %get3A_0 = arith.constant 0 : index
    %get3A_1 = vector.load %arg0[%get3A, %get3A_0] : memref<20000x64xf32, #tpu.memory_space<vmem>>, vector<10000x64xf32>
    %get3A_2 = arith.constant 10000 : index
    %get3A_3 = arith.constant 0 : index
    %get3A_4 = vector.load %arg0[%get3A_2, %get3A_3] : memref<20000x64xf32, #tpu.memory_space<vmem>>, vector<10000x64xf32>
    %add3A = arith.addf %get3A_1, %get3A_4 : vector<10000x64xf32>
    %get3A_5 = arith.constant 0 : index
    %get3A_6 = arith.constant 0 : index
    %get3A_7 = vector.load %arg2[%get3A_5, %get3A_6] : memref<10000x1xf32, #tpu.memory_space<vmem>>, vector<10000x1xf32>
    %get3A_8 = arith.constant 0 : index
    %get3A_9 = arith.constant 0 : index
    %get3A_10 = vector.load %arg1[%get3A_8, %get3A_9] : memref<10000x64xf32, #tpu.memory_space<vmem>>, vector<10000x64xf32>
    %add3A_11 = arith.addf %add3A, %get3A_10 : vector<10000x64xf32>
    %mul3A = vector.broadcast %get3A_7 : vector<10000x1xf32> to vector<10000x64xf32>
    %mul3A_12 = arith.mulf %mul3A, %add3A_11 : vector<10000x64xf32>
    %get3A_13 = arith.constant 0 : index
    %get3A_14 = arith.constant 0 : index
    %get3A_15 = vector.load %arg3[%get3A_13, %get3A_14] : memref<1x64xf32, #tpu.memory_space<vmem>>, vector<1x64xf32>
    %add3A_16 = vector.broadcast %get3A_15 : vector<1x64xf32> to vector<10000x64xf32>
    %add3A_17 = arith.addf %mul3A_12, %add3A_16 : vector<10000x64xf32>
    %max3A = arith.constant 0.000000e+00 : f32
    %max3A_18 = vector.broadcast %max3A : f32 to vector<10000x64xf32>
    %max3A_19 = arith.maximumf %add3A_17, %max3A_18 : vector<10000x64xf32>
    %get3A_20 = arith.constant 0 : index
    %get3A_21 = arith.constant 0 : index
    %get3A_22 = vector.load %arg4[%get3A_20, %get3A_21] : memref<64x64xf32, #tpu.memory_space<vmem>>, vector<64x64xf32>
    %dot_general3A = arith.constant dense<0.000000e+00> : vector<10000x64xf32>
    %dot_general3A_23 = tpu.matmul %max3A_19, %get3A_22, %dot_general3A {dimension_numbers = #tpu.dot_dimension_numbers<[1], [0], [0], [1], [0, 0, 1, 1], [], []>, transpose_lhs_hint = false} : vector<10000x64xf32>, vector<64x64xf32>, vector<10000x64xf32> -> vector<10000x64xf32>
    %swap3A = arith.constant 0 : index
    %swap3A_24 = arith.constant 0 : index
    %swap3A_25 = vector.load %arg6[%swap3A, %swap3A_24] : memref<10000x64xf32, #tpu.memory_space<vmem>>, vector<10000x64xf32>
    tpu.vector_store %arg6[%swap3A, %swap3A_24], %dot_general3A_23 {strides = array<i32>} : memref<10000x64xf32, #tpu.memory_space<vmem>>, vector<10000x64xf32>,
    %get3A_26 = arith.constant 0 : index
    %get3A_27 = arith.constant 0 : index
    %get3A_28 = vector.load %arg5[%get3A_26, %get3A_27] : memref<64x64xf32, #tpu.memory_space<vmem>>, vector<64x64xf32>
    %dot_general3A_29 = arith.constant dense<0.000000e+00> : vector<10000x64xf32>
    %dot_general3A_30 = tpu.matmul %max3A_19, %get3A_28, %dot_general3A_29 {dimension_numbers = #tpu.dot_dimension_numbers<[1], [0], [0], [1], [0, 0, 1, 1], [], []>, transpose_lhs_hint = false} : vector<10000x64xf32>, vector<64x64xf32>, vector<10000x64xf32> -> vector<10000x64xf32>
    %swap3A_31 = arith.constant 0 : index
    %swap3A_32 = arith.constant 0 : index
    %swap3A_33 = vector.load %arg7[%swap3A_31, %swap3A_32] : memref<10000x64xf32, #tpu.memory_space<vmem>>, vector<10000x64xf32>
    tpu.vector_store %arg7[%swap3A_31, %swap3A_32], %dot_general3A_30 {strides = array<i32>} : memref<10000x64xf32, #tpu.memory_space<vmem>>, vector<10000x64xf32>,
    return
  }
}

module attributes {stable_mosaic.version = 14 : i64} {
  func.func @_tc_edge_body(%arg0: i32, %arg1: memref<12800x128xf32, #tpu.memory_space<vmem>>, %arg2: memref<12800x16xf32, #tpu.memory_space<vmem>>, %arg3: memref<16x64xf32, #tpu.memory_space<vmem>>, %arg4: memref<1x64xf32, #tpu.memory_space<vmem>>, %arg5: memref<64x32xf32, #tpu.memory_space<vmem>>, %arg6: memref<1x32xf32, #tpu.memory_space<vmem>>, %arg7: memref<2x32xf32, #tpu.memory_space<vmem>>, %arg8: memref<2x1xf32, #tpu.memory_space<vmem>>, %arg9: memref<2x12800xf32, #tpu.memory_space<vmem>>) attributes {dimension_semantics = [#tpu.dimension_semantics<arbitrary>], iteration_bounds = array<i64: 25>, scalar_prefetch = 0 : i64, scratch_operands = 0 : i64, tpu.core_type = #tpu.core_type<tc>, window_params = [{transform_indices = @transform_0, window_bounds = array<i64: 12800, 128>}, {transform_indices = @transform_1, window_bounds = array<i64: 12800, 16>}, {pipeline_mode = #tpu.pipeline_mode<synchronous>, transform_indices = @transform_2, window_bounds = array<i64: 16, 64>}, {pipeline_mode = #tpu.pipeline_mode<synchronous>, transform_indices = @transform_3, window_bounds = array<i64: 1, 64>}, {pipeline_mode = #tpu.pipeline_mode<synchronous>, transform_indices = @transform_4, window_bounds = array<i64: 64, 32>}, {pipeline_mode = #tpu.pipeline_mode<synchronous>, transform_indices = @transform_5, window_bounds = array<i64: 1, 32>}, {pipeline_mode = #tpu.pipeline_mode<synchronous>, transform_indices = @transform_6, window_bounds = array<i64: 2, 32>}, {pipeline_mode = #tpu.pipeline_mode<synchronous>, transform_indices = @transform_7, window_bounds = array<i64: 2, 1>}, {transform_indices = @transform_8, window_bounds = array<i64: 2, 12800>}]} {
    %get3A = arith.constant 0 : index
    %get3A_0 = arith.constant 0 : index
    %get3A_1 = vector.load %arg1[%get3A, %get3A_0] : memref<12800x128xf32, #tpu.memory_space<vmem>>, vector<12800x128xf32>
    %slice3A = vector.extract_strided_slice %get3A_1 {offsets = [0, 0], sizes = [12800, 64], strides = [1, 1]} : vector<12800x128xf32> to vector<12800x64xf32>
    %slice3A_2 = vector.extract_strided_slice %get3A_1 {offsets = [0, 64], sizes = [12800, 64], strides = [1, 1]} : vector<12800x128xf32> to vector<12800x64xf32>
    %add3A = arith.addf %slice3A, %slice3A_2 : vector<12800x64xf32>
    %get3A_3 = arith.constant 0 : index
    %get3A_4 = arith.constant 0 : index
    %get3A_5 = vector.load %arg2[%get3A_3, %get3A_4] : memref<12800x16xf32, #tpu.memory_space<vmem>>, vector<12800x16xf32>
    %get3A_6 = arith.constant 0 : index
    %get3A_7 = arith.constant 0 : index
    %get3A_8 = vector.load %arg3[%get3A_6, %get3A_7] : memref<16x64xf32, #tpu.memory_space<vmem>>, vector<16x64xf32>
    %dot_general3A = arith.constant dense<0.000000e+00> : vector<12800x64xf32>
    %dot_general3A_9 = tpu.matmul %get3A_5, %get3A_8, %dot_general3A {dimension_numbers = #tpu.dot_dimension_numbers<[1], [0], [0], [1], [0, 0, 1, 1], [], []>, transpose_lhs_hint = false} : vector<12800x16xf32>, vector<16x64xf32>, vector<12800x64xf32> -> vector<12800x64xf32>
    %add3A_10 = arith.addf %add3A, %dot_general3A_9 : vector<12800x64xf32>
    %get3A_11 = arith.constant 0 : index
    %get3A_12 = arith.constant 0 : index
    %get3A_13 = vector.load %arg4[%get3A_11, %get3A_12] : memref<1x64xf32, #tpu.memory_space<vmem>>, vector<1x64xf32>
    %add3A_14 = vector.broadcast %get3A_13 : vector<1x64xf32> to vector<12800x64xf32>
    %add3A_15 = arith.addf %add3A_10, %add3A_14 : vector<12800x64xf32>
    %max3A = arith.constant 0.000000e+00 : f32
    %max3A_16 = vector.broadcast %max3A : f32 to vector<12800x64xf32>
    %max3A_17 = arith.maximumf %add3A_15, %max3A_16 : vector<12800x64xf32>
    %get3A_18 = arith.constant 0 : index
    %get3A_19 = arith.constant 0 : index
    %get3A_20 = vector.load %arg5[%get3A_18, %get3A_19] : memref<64x32xf32, #tpu.memory_space<vmem>>, vector<64x32xf32>
    %dot_general3A_21 = arith.constant dense<0.000000e+00> : vector<12800x32xf32>
    %dot_general3A_22 = tpu.matmul %max3A_17, %get3A_20, %dot_general3A_21 {dimension_numbers = #tpu.dot_dimension_numbers<[1], [0], [0], [1], [0, 0, 1, 1], [], []>, transpose_lhs_hint = false} : vector<12800x64xf32>, vector<64x32xf32>, vector<12800x32xf32> -> vector<12800x32xf32>
    %get3A_23 = arith.constant 0 : index
    %get3A_24 = arith.constant 0 : index
    %get3A_25 = vector.load %arg6[%get3A_23, %get3A_24] : memref<1x32xf32, #tpu.memory_space<vmem>>, vector<1x32xf32>
    %add3A_26 = vector.broadcast %get3A_25 : vector<1x32xf32> to vector<12800x32xf32>
    %add3A_27 = arith.addf %dot_general3A_22, %add3A_26 : vector<12800x32xf32>
    %max3A_28 = arith.constant 0.000000e+00 : f32
    %max3A_29 = vector.broadcast %max3A_28 : f32 to vector<12800x32xf32>
    %max3A_30 = arith.maximumf %add3A_27, %max3A_29 : vector<12800x32xf32>
    %get3A_31 = arith.constant 0 : index
    %get3A_32 = arith.constant 0 : index
    %get3A_33 = vector.load %arg7[%get3A_31, %get3A_32] : memref<2x32xf32, #tpu.memory_space<vmem>>, vector<2x32xf32>
    %dot_general3A_34 = arith.constant dense<0.000000e+00> : vector<2x12800xf32>
    %dot_general3A_35 = tpu.matmul %get3A_33, %max3A_30, %dot_general3A_34 {dimension_numbers = #tpu.dot_dimension_numbers<[1], [1], [0], [0], [0, 0, 1, 0], [], []>, transpose_lhs_hint = false} : vector<2x32xf32>, vector<12800x32xf32>, vector<2x12800xf32> -> vector<2x12800xf32>
    %get3A_36 = arith.constant 0 : index
    %get3A_37 = arith.constant 0 : index
    %get3A_38 = vector.load %arg8[%get3A_36, %get3A_37] : memref<2x1xf32, #tpu.memory_space<vmem>>, vector<2x1xf32>
    %add3A_39 = vector.broadcast %get3A_38 : vector<2x1xf32> to vector<2x12800xf32>
    %add3A_40 = arith.addf %dot_general3A_35, %add3A_39 : vector<2x12800xf32>
    %swap3A = arith.constant 0 : index
    %swap3A_41 = arith.constant 0 : index
    %swap3A_42 = vector.load %arg9[%swap3A, %swap3A_41] : memref<2x12800xf32, #tpu.memory_space<vmem>>, vector<2x12800xf32>
    tpu.vector_store %arg9[%swap3A, %swap3A_41], %add3A_40 {strides = array<i32>} : memref<2x12800xf32, #tpu.memory_space<vmem>>, vector<2x12800xf32>,
    return
  }
  func.func @transform_0(%arg0: i32) -> (i32, i32) {
    %c0_i32 = arith.constant 0 : i32
    %c0_i32_0 = arith.constant 0 : i32
    return %arg0, %c0_i32 : i32, i32
  }
  func.func @transform_1(%arg0: i32) -> (i32, i32) {
    %c0_i32 = arith.constant 0 : i32
    %c0_i32_0 = arith.constant 0 : i32
    return %arg0, %c0_i32 : i32, i32
  }
  func.func @transform_2(%arg0: i32) -> (i32, i32) {
    %c0_i32 = arith.constant 0 : i32
    %c0_i32_0 = arith.constant 0 : i32
    %c0_i32_1 = arith.constant 0 : i32
    return %c0_i32, %c0_i32_0 : i32, i32
  }
  func.func @transform_3(%arg0: i32) -> (i32, i32) {
    %c0_i32 = arith.constant 0 : i32
    %c0_i32_0 = arith.constant 0 : i32
    %c0_i32_1 = arith.constant 0 : i32
    return %c0_i32, %c0_i32_0 : i32, i32
  }
  func.func @transform_4(%arg0: i32) -> (i32, i32) {
    %c0_i32 = arith.constant 0 : i32
    %c0_i32_0 = arith.constant 0 : i32
    %c0_i32_1 = arith.constant 0 : i32
    return %c0_i32, %c0_i32_0 : i32, i32
  }
  func.func @transform_5(%arg0: i32) -> (i32, i32) {
    %c0_i32 = arith.constant 0 : i32
    %c0_i32_0 = arith.constant 0 : i32
    %c0_i32_1 = arith.constant 0 : i32
    return %c0_i32, %c0_i32_0 : i32, i32
  }
  func.func @transform_6(%arg0: i32) -> (i32, i32) {
    %c0_i32 = arith.constant 0 : i32
    %c0_i32_0 = arith.constant 0 : i32
    %c0_i32_1 = arith.constant 0 : i32
    return %c0_i32, %c0_i32_0 : i32, i32
  }
  func.func @transform_7(%arg0: i32) -> (i32, i32) {
    %c0_i32 = arith.constant 0 : i32
    %c0_i32_0 = arith.constant 0 : i32
    %c0_i32_1 = arith.constant 0 : i32
    return %c0_i32, %c0_i32_0 : i32, i32
  }
  func.func @transform_8(%arg0: i32) -> (i32, i32) {
    %c0_i32 = arith.constant 0 : i32
    %c0_i32_0 = arith.constant 0 : i32
    return %c0_i32, %arg0 : i32, i32
  }
}

</mosaic_0001>

<sc_bundles>
// kernel: kernel.12.cloned.1.call-start
scs
__scs_entry_jumppad:
0x0: {  	(pc) =	sbr.rel $0x88, $3  }
0x1: {  	(tag) =	ssettag $0x0;
	lr =	simm.s32 $0x1  }
0x2: {  	[smem:$0x3F92] =	sst lr;
	_ =	strace $0xD0000000  }
0x3: {  	_ = 	snop  }
0x4: {  	_ = 	snop  }
0x5: {  	_ = 	snop  }
0x6: {  	_ = 	snop  }
0x7: {  	_ = 	snop  }
__scs_overlays_trampoline_lowered:
0x8: {  	[smem:$0x3FA1] =	sst s0  }
0x9: {  	[smem:$0x3FA2] =	sst s1  }
0xa: {  	[smem:$0x3FA3] =	sst s2  }
0xb: {  	[smem:$0x3FA4] =	sst s3  }
0xc: {  	[smem:$0x3FA5] =	sst s4  }
0xd: {  	[smem:$0x3FA6] =	sst s5  }
0xe: {  	[smem:$0x3FA7] =	sst s6  }
0xf: {  	[smem:$0x3FA8] =	sst s7  }
0x10: {  	[smem:$0x3FA9] =	sst s8  }
0x11: {  	[smem:$0x3FAA] =	sst s9;
	s0 =	simm.s32 @!p0 $0x0  }
0x12: {  	s1 =	sld [smem:$0x3F90];
	s0 =	simm.s32 @p0 $0x1  }
0x13: {  	[smem:$0x3FAB] =	sst s0;
	s0 =	simm.s32 @!p1 $0x0  }
0x14: {  	s2 =	sld [smem:$0x3F8F];
	s0 =	simm.s32 @p1 $0x1  }
0x15: {  	[smem:$0x3FAC] =	sst s0;
	s0 =	simm.s32 @!p2 $0x0  }
0x16: {  	s3 =	sld [smem:$0x3FDB];
	s0 =	simm.s32 @p2 $0x1  }
0x17: {  	s4 =	simm.s32 $0x1BF5;
	[smem:$0x3FAE] =	sst s0  }
0x18: {  	s0 =	sld [smem:$0x3F91];
	_ =	swait.ge [sflag:s4], $0x0  }
0x19: {  	s7 =	sld [smem:$0x3F92]  }
0x1a: {  	s8 =	sadd.s32 $0xFFFFE003, lr  }
0x1b: {  	s9 =	sadd.s32 $0xFFFFFEF7, lr;
	s5 =	simm.s32 $0xFFFFFFFF;
	p2 =	slt.u32 s8, $0xFFFFF086  }
0x1c: {  	p1 =	slt.u32 s9, $0xF7A;
	s5 =	simm.s32 @!p2 $0x0  }
0x1d: {  	s5 =	simm.s32 @p1 $0x1;
	p0 =	seq.s32 s7, s2  }
0x1e: {  	s7 =	smul.u32 @!p0 $0xF7A, s2;
	p2 =	seq.s32 @!p0 s5, $0x0  }
0x1f: {  	s9 =	smul.u32 $0xF7A, s1;
	s8 =	simm.s32 @!p0 $0x1BF5;
	p2 =	por !p2, p0  }
0x20: {  	[sflag:s8] =	ssyncset.s32 @!p0 $0xFFFFF086;
	s6 =	sadd.s32 @!p0 s3, s7;
	s7 =	simm.s32 @!p0 $0x108  }
0x21: {  	s3 =	sadd.s32 s3, s9;
	s6 =	sadd.s32 @!p0 $0x88, s6;
	s7 =	simm.s32 @p2 $0x1082  }
0x22: {  	[simem:s7], [sflag:s8] =	dma.local @!p0 [hbm:s6], $0xF7A  }
0x23: {  	s9 =	sor.u32 $0xD0000000, s2;
	s6 =	simm.s32 $0x108;
	_ =	swait.ge @!p0 [sflag:s8], $0x0  }
0x24: {  	s3 =	sadd.s32 $0x88, s3;
	s6 =	simm.s32 @!p1 $0x1082;
	[sflag:s4] =	ssyncset.s32 $0xFFFFF086  }
0x25: {  	[simem:s6], [sflag:s4] =	dma.local [hbm:s3], $0xF7A  }
0x26: {  	[smem:$0x3F92] =	sst s1;
	(tag) =	ssettag s2;
	_ =	strace s9  }
0x27: {  	s1 =	sld [smem:$0x3FA2]  }
0x28: {  	s2 =	sld [smem:$0x3FA3]  }
0x29: {  	s4 =	sld [smem:$0x3FA5]  }
0x2a: {  	p0 =	seq.s32 s5, $0x0;
	s5 =	sld [smem:$0x3FA6]  }
0x2b: {  	s6 =	sld [smem:$0x3FA7]  }
0x2c: {  	s7 =	sld [smem:$0x3FA8]  }
0x2d: {  	s3 =	simm.s32 $0x108;
	s8 =	sld [smem:$0x3FA9]  }
0x2e: {  	s3 =	simm.s32 @!p0 $0x1082;
	s9 =	sld [smem:$0x3FAA]  }
0x2f: {  	lr =	sadd.s32 s0, s3;
	s0 =	sld [smem:$0x3FA1]  }
0x30: {  	s3 =	sld [smem:$0x3FA4]  }
0x31: {  	[smem:$0x3FAD] =	sst s10  }
0x32: {  	s10 =	sld [smem:$0x3FAB];
	_ =	sdelay $0x3  }
0x33: {  	p0 =	seq.s32 s10, $0x1;
	s10 =	sld [smem:$0x3FAD];
	_ =	sdelay $0x3  }
0x34: {  	[smem:$0x3FAD] =	sst s10  }
0x35: {  	s10 =	sld [smem:$0x3FAC];
	_ =	sdelay $0x3  }
0x36: {  	p1 =	seq.s32 s10, $0x1;
	s10 =	sld [smem:$0x3FAD];
	_ =	sdelay $0x3  }
0x37: {  	[smem:$0x3FAD] =	sst s10  }
0x38: {  	s10 =	sld [smem:$0x3FAE]  }
0x39: {  	_ = 	snop;
	(pc) =	sbr.ind lr, $3  }
0x3a: {  	_ = 	snop  }
0x3b: {  	_ = 	snop  }
0x3c: {  	p2 =	seq.s32 s10, $0x1;
	s10 =	sld [smem:$0x3FAD]  }
0x3d: {  	_ =	shalt  }
0x3e: {  	_ =	shalt  }
0x3f: {  	_ =	shalt  }
0x40: {  	_ =	shalt  }
0x41: {  	_ =	shalt  }
0x42: {  	_ =	shalt  }
0x43: {  	_ =	shalt  }
0x44: {  	_ =	shalt  }
0x45: {  	_ =	shalt  }
0x46: {  	_ =	shalt  }
0x47: {  	_ =	shalt  }
0x48: {  	_ =	shalt  }
0x49: {  	_ =	shalt  }
0x4a: {  	_ =	shalt  }
0x4b: {  	_ =	shalt  }
0x4c: {  	_ =	shalt  }
0x4d: {  	_ =	shalt  }
0x4e: {  	_ =	shalt  }
0x4f: {  	_ =	shalt  }
0x50: {  	_ =	shalt  }
0x51: {  	_ =	shalt  }
0x52: {  	_ =	shalt  }
0x53: {  	_ =	shalt  }
0x54: {  	_ =	shalt  }
0x55: {  	_ =	shalt  }
0x56: {  	_ =	shalt  }
0x57: {  	_ =	shalt  }
0x58: {  	_ =	shalt  }
0x59: {  	_ =	shalt  }
0x5a: {  	_ =	shalt  }
0x5b: {  	_ =	shalt  }
0x5c: {  	_ =	shalt  }
0x5d: {  	_ =	shalt  }
0x5e: {  	_ =	shalt  }
0x5f: {  	_ =	shalt  }
0x60: {  	_ =	shalt  }
0x61: {  	_ =	shalt  }
0x62: {  	_ =	shalt  }
0x63: {  	_ =	shalt  }
0x64: {  	_ =	shalt  }
0x65: {  	_ =	shalt  }
0x66: {  	_ =	shalt  }
0x67: {  	_ =	shalt  }
0x68: {  	_ =	shalt  }
0x69: {  	_ =	shalt  }
0x6a: {  	_ =	shalt  }
0x6b: {  	_ =	shalt  }
0x6c: {  	_ =	shalt  }
0x6d: {  	_ =	shalt  }
0x6e: {  	_ =	shalt  }
0x6f: {  	_ =	shalt  }
0x70: {  	_ =	shalt  }
0x71: {  	_ =	shalt  }
0x72: {  	_ =	shalt  }
0x73: {  	_ =	shalt  }
0x74: {  	_ =	shalt  }
0x75: {  	_ =	shalt  }
0x76: {  	_ =	shalt  }
0x77: {  	_ =	shalt  }
0x78: {  	_ =	shalt  }
0x79: {  	_ =	shalt  }
0x7a: {  	_ =	shalt  }
0x7b: {  	_ =	shalt  }
0x7c: {  	_ =	shalt  }
0x7d: {  	_ =	shalt  }
0x7e: {  	_ =	shalt  }
0x7f: {  	_ =	shalt  }
0x80: {  	_ =	shalt  }
0x81: {  	_ =	shalt  }
0x82: {  	_ =	shalt  }
0x83: {  	_ =	shalt  }
0x84: {  	_ =	shalt  }
0x85: {  	_ =	shalt  }
0x86: {  	_ =	shalt  }
0x87: {  	_ =	shalt  }
.Lfunc_end0:
.L_simem_size_0:
called_computation_lowered:
.L_overlay_start_0:
0x88: {  	s2 =	sld [smem:$0x3FD9]  }
0x89: {  	s3 =	sld [smem:$0x3FFE];
	_ =	sdelay $0x1  }
0x8a: {  	s1 =	srdreg.scid  }
0x8b: {  	s0 =	sand.u32 $0x1, s1  }
0x8c: {  	s17 =	sshll.u32 s0, $0xA;
	s2 =	sadd.s32 s3, s2  }
0x8d: {  	s2 =	sadd.s32 s2, s17  }
0x8e: {  	[smem:$0x3FB9] =	sst s2  }
0x8f: {  	_ = 	snop  }
0x90: {  	s2 =	sld [smem:$0x3FD0];
	(tm) =	ssettm $0x1  }
0x91: {  	s18 =	sld [smem:$0x3FFB];
	_ =	sdelay $0x3  }
0x92: {  	_ =	strace s18  }
0x93: {  	s3 =	sld [smem:$0x3FFC];
	_ =	sdelay $0x3  }
0x94: {  	_ =	strace s3  }
0x95: {  	s3 =	sld [smem:$0x3FFD];
	_ =	sdelay $0x3  }
0x96: {  	_ =	strace s3  }
0x97: {  	_ =	strace $0x8FFFFFFF  }
0x98: {  	s19 =	sld [smem:$0x3FDB];
	_ =	sdelay $0x1  }
0x99: {  	s4 =	simm.s32 $_scs_section_size  }
0x9a: {  	s5 =	simm.s32 $_size__tile_overlayer_lowered;
	s6 =	simm.s32 $_tile_overlayer_lowered  }
0x9b: {  	s22 =	simm.s32 $0x1BFF;
	s21 =	sshll.u32 s6, $0x1;
	s3 =	sadd.s32 s4, s19  }
0x9c: {  	s7 =	simm.s32 $0x0;
	s20 =	sshll.u32 s5, $0x1;
	s5 =	sadd.s32 s21, s3  }
0x9d: {  	[timem:s7], [sflag:s22] =	dma.local [hbm:s5], s20  }
0x9e: {  	_ =	swait.ge [sflag:s22], s20  }
0x9f: {  	s4 =	ssub.s32 $0x0, s20;
	[sflag:s22] =	ssyncset.done $0x0  }
0xa0: {  	[sflag:s22] =	ssyncadd.s32 s4;
	_ =	sdelay $0x1  }
0xa1: {  	s23 =	simm.s32 $0x1B8B  }
0xa2: {  	_ =	swait.ge [sflag:s23], $0x1  }
0xa3: {  	[sflag:s23] =	ssyncset.done $0x0  }
0xa4: {  	s25 =	simm.s32 $0x1B8E;
	s24 =	sld [smem:$0x3FFE];
	[sflag:s23] =	ssyncadd.s32 $0xFFFFFFFF  }
0xa5: {  	s26 =	simm.s32 $execute0_lowered;
	[smem:$0x3FD2] =	sst s25  }
0xa6: {  	s5 =	sshll.u32 s26, $0x1;
	_ =	strace $0x80000046;
	[dreg:$0x1] =	wrdreg $0xFFFFFFFF  }
0xa7: {  	s28 =	simm.s32 $_size_execute0_lowered;
	s3 =	sadd.s32 s3, s5;
	[dreg:$0x0] =	wrdreg $0x0  }
0xa8: {  	s5 =	sshll.u32 s28, $0x1;
	[dreg:$0x2] =	wrdreg s3  }
0xa9: {  	[dreg:$0x3] =	wrdreg s5  }
0xaa: {  	[dreg:$0x4] =	wrdreg $0xC0  }
0xab: {  	_ =	task [dreg:s7], $0x5FFFF  }
0xac: {  	[dreg:$0x1] =	wrdreg $0xFFFFFFFF  }
0xad: {  	[dreg:$0x0] =	wrdreg $0x60  }
0xae: {  	[dreg:$0x2] =	wrdreg s24  }
0xaf: {  	[dreg:$0x3] =	wrdreg s2  }
0xb0: {  	[dreg:$0x4] =	wrdreg $0x0  }
0xb1: {  	[dreg:$0x5] =	wrdreg $0x9  }
0xb2: {  	_ =	task.clear_ibuf [dreg:s7], $0x6FFFF;
	_ =	strace $0x90000046  }
0xb3: {  	s29 =	simm.s32 $0x9;
	_ =	strace $0x80000048  }
0xb4: {  	_ =	swait.ge [sflag:s29], $0x1  }
0xb5: {  	[sflag:s29] =	ssyncadd.s32 $0xFFFFFFFF  }
0xb6: {  	_ =	strace $0x90000048  }
0xb7: {  	_ =	sfence  }
0xb8: {  	s30 =	sld [smem:$0x0];
	_ =	sdelay $0x2  }
0xb9: {  	s31 =	sshll.u32 s1, $0xD;
	s1 =	sshrl.u32 s1, $0x2  }
0xba: {  	s3 =	sand.u32 $0x4000, s31;
	s1 =	sadd.s32 s1, s30  }
0xbb: {  	s0 =	sor.u32 s3, s0;
	s1 =	sshll.u32 s1, $0x11  }
0xbc: {  	s0 =	sor.u32 s1, s0  }
0xbd: {  	s0 =	sadd.s32 $0x8F2B, s0  }
0xbe: {  	[sflag:s0] =	ssyncadd.remote.s32 $0x1  }
0xbf: {  	_ =	sfence.sel $0xFFFF  }
0xc0: {  	[dreg:$0x0] =	wrdreg $0xFFFFFFFF;
	(pc) =	sbr.abs _section_cstart, $3  }
0xc1: {  	[dreg:$0x1] =	wrdreg $0xFFFFFFFF  }
0xc2: {  	_ =	task.clear_ibuf [dreg:s7], $0x2FFFF;
	_ =	strace $0x9FFFFFFF  }
0xc3: {  	(tm) =	ssettm $0x7FFFFFFF  }
tec
execute0_lowered:
.L_overlay_start_1:
0x0: {  	(tag) =	ssettag $0x1  }
0x1: {  	s7 =	rddreg [dreg:$0x0]  }
0x2: {  	s1 =	srdreg.scid;
	s9 =	rddreg [dreg:$0x1]  }
0x3: {  	s0 =	stileid.u32;
	s2 =	rddreg [dreg:$0x2];
	s3 =	simm.s32 $0x0  }
0x4: {  	s17 =	simm.s32 $0x50;
	s18 =	simm.s32 $0x0;
	s6 =	sand.u32 $0x1, s1  }
0x5: {  	s28 =	sshll.u32 s0, $0x1;
	s1 =	rddreg [dreg:$0x3];
	s5 =	smul.u32 $0x2700, s0  }
0x6: {  	[smem:$0x7FF] =	sst s3;
	s13 =	smul.u32 $0x4E0, s0;
	s30 =	sshll.u32 s0, $0x6  }
0x7: {  	s16 =	sadd.s32 $0x27000, s2;
	p0 =	sne.s32 s0, $0xF;
	s14 =	smul.u32 $0x27100, s6  }
0x8: {  	s4 =	sor.u32 s6, s28;
	_ =	strace $0x80000047;
	s15 =	smul.u32 $0x4E20, s6  }
0x9: {  	s11 =	ssub.s32 $0x2, s6;
	s6 =	sor.u32 $0x1C01, s30;
	s4 =	smul.u32 $0x4E2, s4  }
0xa: {  	s10 =	sshrl.u32 s5, $0x3;
	s12 =	sshrl.u32 s11, $0x1;
	s29 =	sadd.s32 s5, s2  }
0xb: {  	s10 =	sadd.s32 s10, s7;
	s11 =	ssub.s32 s11, s12;
	s31 =	sshrl.u32 s14, $0x3  }
0xc: {  	s13 =	sadd.s32 s13, s15;
	s12 =	sshrl.u32 s29, $0x3;
	s14 =	sshrl.u32 @!p0 s16, $0x3  }
0xd: {  	s15 =	simm.s32 $0x2710;
	s16 =	simm.s32 $0x4E20;
	s8 =	sadd.s32 s4, s7  }
0xe: {  	s4 =	sadd.s32 $0x1C200, s7;
	s5 =	sadd.s32 $0x17200, s10;
	s7 =	sadd.s32 $0x1C000, s7  }
0xf: {  	s10 =	sadd.s32 s9, s31;
	s9 =	sadd.s32 s9, s13;
	s11 =	smax.u32 s11, $0x1  }
0x10: {  	s13 =	simm.s32 $0x1;
	s8 =	sadd.s32 $0xD400, s8;
	s10 =	sadd.s32 $0x4E00, s10  }
.LBB2_1:
0x11: {  	[spmem:s12], [sflag:s6] =	dma.local [hbm:s5], $0x4E0  }
0x12: {  	_ =	swait.ge [sflag:s13], $0x4E0  }
0x13: {  	[sflag:s13] =	ssyncset.done $0x0  }
0x14: {  	s19 =	simm.s32 @!p0 $0x1;
	[sflag:s13] =	ssyncadd.s32 $0xFFFFFB20  }
0x15: {  	[spmem:s14], [sflag:s6] =	dma.local @!p0 [hbm:s7], $0x20  }
0x16: {  	_ =	swait.ge @!p0 [sflag:s19], $0x20  }
0x17: {  	[sflag:s19] =	ssyncset.done @!p0 $0x0  }
0x18: {  	[sflag:s19] =	ssyncadd.s32 @!p0 $0xFFFFFFE0  }
0x19: {  	[tilespmem:s15], [sflag:$0x1] =	stream.linear.gather [hbm4b:s8+s3], $0x2710, $0x38;
	[tilespmem:$0x5320] =	vst v63  }
0x1a: {  	_ =	swait.ge [sflag:s13], $0x2710  }
0x1b: {  	[sflag:s13] =	ssyncset.done $0x0  }
0x1c: {  	[sflag:s13] =	ssyncadd.s32 $0xFFFFD8F0  }
0x1d: {  	[tilespmem:s16], [sflag:$0x1] =	stream.linear.gather [hbm4b:s4+s3], $0x500, $0x38;
	[tilespmem:$0x5320] =	vst v63  }
0x1e: {  	_ =	swait.ge [sflag:s13], $0x500  }
0x1f: {  	[sflag:s13] =	ssyncset.done $0x0  }
0x20: {  	[sflag:s13] =	ssyncadd.s32 $0xFFFFFB00  }
0x21: {  	s31 =	simm.s32 $0x2710;
	[bflag:$0x0] =	sbarrier.arrive $0xFFFF  }
0x22: {  	[spmem:s2] =	stream.indirect.scatter.add.f32 [tilespmem:s16], [sflag:$0x1], $0x10, s31, s17, $0xb8;
	[tilespmem:$0x5320] =	vst v63  }
0x23: {  	s19 =	simm.s32 $0x140;
	_ =	swait.ge [sflag:s13], $0x500  }
.LBB2_2:
0x24: {  	s20 =	sshra.s32 s19, $0x2;
	[sflag:s13] =	ssyncset.done $0x0;
	p1 =	sne.s32 s19, $0x9B00  }
.Ltmp0:
0x25: {  	s20 =	sadd.s32 $0x2710, s20;
	[sflag:s13] =	ssyncadd.s32 $0xFFFFFB00;
	(pc) =	sbr.rel @p1 .LBB2_2-.Ltmp0, $3  }
0x26: {  	[spmem:s2] =	stream.indirect.scatter.add.f32 [tilespmem:s16], [sflag:$0x1], $0x10, s20, s17, $0xb8;
	[tilespmem:$0x5320] =	vst v63  }
0x27: {  	s19 =	sadd.s32 $0x140, s19;
	_ =	sdelay $0x1  }
0x28: {  	_ =	swait.ge [sflag:s13], $0x500  }
0x29: {  	[sflag:s13] =	ssyncset.done $0x0  }
0x2a: {  	[sflag:s13] =	ssyncadd.s32 $0xFFFFFB00  }
0x2b: {  	[bflag:$0x0] =	sbarrier.arrive $0xFFFF  }
0x2c: {  	[hbm:s9], [sflag:s6] =	dma.local [spmem:s12], $0x4E0  }
0x2d: {  	s18 =	sadd.s32 $0x1, s18;
	_ =	swait.ge [sflag:s13], $0x4E0  }
0x2e: {  	p1 =	sne.s32 s18, s11;
	[sflag:s13] =	ssyncset.done $0x0  }
.Ltmp1:
0x2f: {  	s19 =	simm.s32 @!p0 $0x1;
	[sflag:s13] =	ssyncadd.s32 $0xFFFFFB20;
	(pc) =	sbr.rel @p1 .LBB2_1-.Ltmp1, $4  }
0x30: {  	[hbm:s10], [sflag:s6] =	dma.local @!p0 [spmem:s14], $0x20  }
0x31: {  	_ =	swait.ge @!p0 [sflag:s19], $0x20  }
0x32: {  	[sflag:s19] =	ssyncset.done @!p0 $0x0  }
0x33: {  	[sflag:s19] =	ssyncadd.s32 @!p0 $0xFFFFFFE0  }
0x34: {  	_ =	sfence.sel $0x180000  }
0x35: {  	[bflag:$0x0] =	sbarrier.arrive $0xFFFF  }
0x36: {  	p0 =	sne.s32 s0, $0x0;
	_ =	strace $0x90000047  }
0x37: {  	s0 =	sadd.s32 @!p0 $0x100000, s1;
	[bflag:$0x2] =	sbarrier.arrive $0xFFFF  }
0x38: {  	[sflag:s0] =	ssyncadd.tile.s32 @!p0 $0x1;
	_ =	shalt  }
.Lfunc_end2:
_tile_overlayer_lowered:
.L_overlay_start_2:
0x39: {  	(tag) =	ssettag $0x2  }
0x3a: {  	s0 =	rddreg [dreg:$0x0];
	s2 =	stileid.u32  }
0x3b: {  	s1 =	rddreg [dreg:$0x1];
	p0 =	sne.s32 s2, $0x0  }
0x3c: {  	s3 =	rddreg [dreg:$0x2];
	[bflag:$0x3] =	sbarrier.arrive $0xFFFF;
	s2 =	simm.s32 @!p0 $0x1C01  }
0x3d: {  	[timem:s3], [sflag:s2] =	dma.local @!p0 [hbm:s0], s1  }
0x3e: {  	s0 =	simm.s32 @!p0 $0x1  }
0x3f: {  	_ =	swait.ge @!p0 [sflag:s0], s1  }
0x40: {  	s1 =	ssub.s32 @!p0 $0x0, s1;
	[sflag:s0] =	ssyncset.done @!p0 $0x0  }
0x41: {  	[sflag:s0] =	ssyncadd.s32 @!p0 s1  }
0x42: {  	[bflag:$0x3] =	sbarrier.arrive $0xFFFF  }
0x43: {  	_ =	shalt  }

// kernel: kernel.15.cloned.1.call-start
scs
__scs_entry_jumppad:
0x0: {  	(pc) =	sbr.rel $0x88, $3  }
0x1: {  	(tag) =	ssettag $0x0;
	lr =	simm.s32 $0x1  }
0x2: {  	[smem:$0x3F92] =	sst lr;
	_ =	strace $0xD0000000  }
0x3: {  	_ = 	snop  }
0x4: {  	_ = 	snop  }
0x5: {  	_ = 	snop  }
0x6: {  	_ = 	snop  }
0x7: {  	_ = 	snop  }
__scs_overlays_trampoline_lowered:
0x8: {  	[smem:$0x3FA1] =	sst s0  }
0x9: {  	[smem:$0x3FA2] =	sst s1  }
0xa: {  	[smem:$0x3FA3] =	sst s2  }
0xb: {  	[smem:$0x3FA4] =	sst s3  }
0xc: {  	[smem:$0x3FA5] =	sst s4  }
0xd: {  	[smem:$0x3FA6] =	sst s5  }
0xe: {  	[smem:$0x3FA7] =	sst s6  }
0xf: {  	[smem:$0x3FA8] =	sst s7  }
0x10: {  	[smem:$0x3FA9] =	sst s8  }
0x11: {  	[smem:$0x3FAA] =	sst s9;
	s0 =	simm.s32 @!p0 $0x0  }
0x12: {  	s1 =	sld [smem:$0x3F90];
	s0 =	simm.s32 @p0 $0x1  }
0x13: {  	[smem:$0x3FAB] =	sst s0;
	s0 =	simm.s32 @!p1 $0x0  }
0x14: {  	s2 =	sld [smem:$0x3F8F];
	s0 =	simm.s32 @p1 $0x1  }
0x15: {  	[smem:$0x3FAC] =	sst s0;
	s0 =	simm.s32 @!p2 $0x0  }
0x16: {  	s3 =	sld [smem:$0x3FDB];
	s0 =	simm.s32 @p2 $0x1  }
0x17: {  	s4 =	simm.s32 $0x1BF5;
	[smem:$0x3FAE] =	sst s0  }
0x18: {  	s0 =	sld [smem:$0x3F91];
	_ =	swait.ge [sflag:s4], $0x0  }
0x19: {  	s7 =	sld [smem:$0x3F92]  }
0x1a: {  	s8 =	sadd.s32 $0xFFFFE003, lr  }
0x1b: {  	s9 =	sadd.s32 $0xFFFFFEF7, lr;
	s5 =	simm.s32 $0xFFFFFFFF;
	p2 =	slt.u32 s8, $0xFFFFF086  }
0x1c: {  	p1 =	slt.u32 s9, $0xF7A;
	s5 =	simm.s32 @!p2 $0x0  }
0x1d: {  	s5 =	simm.s32 @p1 $0x1;
	p0 =	seq.s32 s7, s2  }
0x1e: {  	s7 =	smul.u32 @!p0 $0xF7A, s2;
	p2 =	seq.s32 @!p0 s5, $0x0  }
0x1f: {  	s9 =	smul.u32 $0xF7A, s1;
	s8 =	simm.s32 @!p0 $0x1BF5;
	p2 =	por !p2, p0  }
0x20: {  	[sflag:s8] =	ssyncset.s32 @!p0 $0xFFFFF086;
	s6 =	sadd.s32 @!p0 s3, s7;
	s7 =	simm.s32 @!p0 $0x108  }
0x21: {  	s3 =	sadd.s32 s3, s9;
	s6 =	sadd.s32 @!p0 $0x88, s6;
	s7 =	simm.s32 @p2 $0x1082  }
0x22: {  	[simem:s7], [sflag:s8] =	dma.local @!p0 [hbm:s6], $0xF7A  }
0x23: {  	s9 =	sor.u32 $0xD0000000, s2;
	s6 =	simm.s32 $0x108;
	_ =	swait.ge @!p0 [sflag:s8], $0x0  }
0x24: {  	s3 =	sadd.s32 $0x88, s3;
	s6 =	simm.s32 @!p1 $0x1082;
	[sflag:s4] =	ssyncset.s32 $0xFFFFF086  }
0x25: {  	[simem:s6], [sflag:s4] =	dma.local [hbm:s3], $0xF7A  }
0x26: {  	[smem:$0x3F92] =	sst s1;
	(tag) =	ssettag s2;
	_ =	strace s9  }
0x27: {  	s1 =	sld [smem:$0x3FA2]  }
0x28: {  	s2 =	sld [smem:$0x3FA3]  }
0x29: {  	s4 =	sld [smem:$0x3FA5]  }
0x2a: {  	p0 =	seq.s32 s5, $0x0;
	s5 =	sld [smem:$0x3FA6]  }
0x2b: {  	s6 =	sld [smem:$0x3FA7]  }
0x2c: {  	s7 =	sld [smem:$0x3FA8]  }
0x2d: {  	s3 =	simm.s32 $0x108;
	s8 =	sld [smem:$0x3FA9]  }
0x2e: {  	s3 =	simm.s32 @!p0 $0x1082;
	s9 =	sld [smem:$0x3FAA]  }
0x2f: {  	lr =	sadd.s32 s0, s3;
	s0 =	sld [smem:$0x3FA1]  }
0x30: {  	s3 =	sld [smem:$0x3FA4]  }
0x31: {  	[smem:$0x3FAD] =	sst s10  }
0x32: {  	s10 =	sld [smem:$0x3FAB];
	_ =	sdelay $0x3  }
0x33: {  	p0 =	seq.s32 s10, $0x1;
	s10 =	sld [smem:$0x3FAD];
	_ =	sdelay $0x3  }
0x34: {  	[smem:$0x3FAD] =	sst s10  }
0x35: {  	s10 =	sld [smem:$0x3FAC];
	_ =	sdelay $0x3  }
0x36: {  	p1 =	seq.s32 s10, $0x1;
	s10 =	sld [smem:$0x3FAD];
	_ =	sdelay $0x3  }
0x37: {  	[smem:$0x3FAD] =	sst s10  }
0x38: {  	s10 =	sld [smem:$0x3FAE]  }
0x39: {  	_ = 	snop;
	(pc) =	sbr.ind lr, $3  }
0x3a: {  	_ = 	snop  }
0x3b: {  	_ = 	snop  }
0x3c: {  	p2 =	seq.s32 s10, $0x1;
	s10 =	sld [smem:$0x3FAD]  }
0x3d: {  	_ =	shalt  }
0x3e: {  	_ =	shalt  }
0x3f: {  	_ =	shalt  }
0x40: {  	_ =	shalt  }
0x41: {  	_ =	shalt  }
0x42: {  	_ =	shalt  }
0x43: {  	_ =	shalt  }
0x44: {  	_ =	shalt  }
0x45: {  	_ =	shalt  }
0x46: {  	_ =	shalt  }
0x47: {  	_ =	shalt  }
0x48: {  	_ =	shalt  }
0x49: {  	_ =	shalt  }
0x4a: {  	_ =	shalt  }
0x4b: {  	_ =	shalt  }
0x4c: {  	_ =	shalt  }
0x4d: {  	_ =	shalt  }
0x4e: {  	_ =	shalt  }
0x4f: {  	_ =	shalt  }
0x50: {  	_ =	shalt  }
0x51: {  	_ =	shalt  }
0x52: {  	_ =	shalt  }
0x53: {  	_ =	shalt  }
0x54: {  	_ =	shalt  }
0x55: {  	_ =	shalt  }
0x56: {  	_ =	shalt  }
0x57: {  	_ =	shalt  }
0x58: {  	_ =	shalt  }
0x59: {  	_ =	shalt  }
0x5a: {  	_ =	shalt  }
0x5b: {  	_ =	shalt  }
0x5c: {  	_ =	shalt  }
0x5d: {  	_ =	shalt  }
0x5e: {  	_ =	shalt  }
0x5f: {  	_ =	shalt  }
0x60: {  	_ =	shalt  }
0x61: {  	_ =	shalt  }
0x62: {  	_ =	shalt  }
0x63: {  	_ =	shalt  }
0x64: {  	_ =	shalt  }
0x65: {  	_ =	shalt  }
0x66: {  	_ =	shalt  }
0x67: {  	_ =	shalt  }
0x68: {  	_ =	shalt  }
0x69: {  	_ =	shalt  }
0x6a: {  	_ =	shalt  }
0x6b: {  	_ =	shalt  }
0x6c: {  	_ =	shalt  }
0x6d: {  	_ =	shalt  }
0x6e: {  	_ =	shalt  }
0x6f: {  	_ =	shalt  }
0x70: {  	_ =	shalt  }
0x71: {  	_ =	shalt  }
0x72: {  	_ =	shalt  }
0x73: {  	_ =	shalt  }
0x74: {  	_ =	shalt  }
0x75: {  	_ =	shalt  }
0x76: {  	_ =	shalt  }
0x77: {  	_ =	shalt  }
0x78: {  	_ =	shalt  }
0x79: {  	_ =	shalt  }
0x7a: {  	_ =	shalt  }
0x7b: {  	_ =	shalt  }
0x7c: {  	_ =	shalt  }
0x7d: {  	_ =	shalt  }
0x7e: {  	_ =	shalt  }
0x7f: {  	_ =	shalt  }
0x80: {  	_ =	shalt  }
0x81: {  	_ =	shalt  }
0x82: {  	_ =	shalt  }
0x83: {  	_ =	shalt  }
0x84: {  	_ =	shalt  }
0x85: {  	_ =	shalt  }
0x86: {  	_ =	shalt  }
0x87: {  	_ =	shalt  }
.Lfunc_end0:
.L_simem_size_0:
called_computation.1_lowered:
.L_overlay_start_0:
0x88: {  	s2 =	sld [smem:$0x3FD9]  }
0x89: {  	s3 =	sld [smem:$0x3FFE];
	_ =	sdelay $0x1  }
0x8a: {  	s1 =	srdreg.scid  }
0x8b: {  	s0 =	sand.u32 $0x1, s1  }
0x8c: {  	s17 =	sshll.u32 s0, $0xA;
	s2 =	sadd.s32 s3, s2  }
0x8d: {  	s2 =	sadd.s32 s2, s17  }
0x8e: {  	[smem:$0x3FB9] =	sst s2  }
0x8f: {  	_ = 	snop  }
0x90: {  	s2 =	sld [smem:$0x3FD0];
	(tm) =	ssettm $0x1  }
0x91: {  	s18 =	sld [smem:$0x3FFB];
	_ =	sdelay $0x3  }
0x92: {  	_ =	strace s18  }
0x93: {  	s3 =	sld [smem:$0x3FFC];
	_ =	sdelay $0x3  }
0x94: {  	_ =	strace s3  }
0x95: {  	s3 =	sld [smem:$0x3FFD];
	_ =	sdelay $0x3  }
0x96: {  	_ =	strace s3  }
0x97: {  	_ =	strace $0x8FFFFFFF  }
0x98: {  	s19 =	sld [smem:$0x3FDB];
	_ =	sdelay $0x1  }
0x99: {  	s4 =	simm.s32 $_scs_section_size  }
0x9a: {  	s5 =	simm.s32 $_size__tile_overlayer_lowered;
	s6 =	simm.s32 $_tile_overlayer_lowered  }
0x9b: {  	s22 =	simm.s32 $0x1BFF;
	s21 =	sshll.u32 s6, $0x1;
	s3 =	sadd.s32 s4, s19  }
0x9c: {  	s7 =	simm.s32 $0x0;
	s20 =	sshll.u32 s5, $0x1;
	s5 =	sadd.s32 s21, s3  }
0x9d: {  	[timem:s7], [sflag:s22] =	dma.local [hbm:s5], s20  }
0x9e: {  	_ =	swait.ge [sflag:s22], s20  }
0x9f: {  	s4 =	ssub.s32 $0x0, s20;
	[sflag:s22] =	ssyncset.done $0x0  }
0xa0: {  	[sflag:s22] =	ssyncadd.s32 s4;
	_ =	sdelay $0x1  }
0xa1: {  	s23 =	simm.s32 $0x1B8B  }
0xa2: {  	_ =	swait.ge [sflag:s23], $0x1  }
0xa3: {  	[sflag:s23] =	ssyncset.done $0x0  }
0xa4: {  	s25 =	simm.s32 $0x1B8E;
	s24 =	sld [smem:$0x3FFE];
	[sflag:s23] =	ssyncadd.s32 $0xFFFFFFFF  }
0xa5: {  	s26 =	simm.s32 $execute0_lowered;
	[smem:$0x3FD2] =	sst s25  }
0xa6: {  	s5 =	sshll.u32 s26, $0x1;
	_ =	strace $0x80000049;
	[dreg:$0x1] =	wrdreg $0xFFFFFFFF  }
0xa7: {  	s28 =	simm.s32 $_size_execute0_lowered;
	s3 =	sadd.s32 s3, s5;
	[dreg:$0x0] =	wrdreg $0x0  }
0xa8: {  	s5 =	sshll.u32 s28, $0x1;
	[dreg:$0x2] =	wrdreg s3  }
0xa9: {  	[dreg:$0x3] =	wrdreg s5  }
0xaa: {  	[dreg:$0x4] =	wrdreg $0xC0  }
0xab: {  	_ =	task [dreg:s7], $0x5FFFF  }
0xac: {  	[dreg:$0x1] =	wrdreg $0xFFFFFFFF  }
0xad: {  	[dreg:$0x0] =	wrdreg $0x60  }
0xae: {  	[dreg:$0x2] =	wrdreg s2  }
0xaf: {  	[dreg:$0x3] =	wrdreg s24  }
0xb0: {  	[dreg:$0x4] =	wrdreg $0x0  }
0xb1: {  	[dreg:$0x5] =	wrdreg $0x9  }
0xb2: {  	_ =	task.clear_ibuf [dreg:s7], $0x6FFFF;
	_ =	strace $0x90000049  }
0xb3: {  	s29 =	simm.s32 $0x9;
	_ =	strace $0x8000004B  }
0xb4: {  	_ =	swait.ge [sflag:s29], $0x1  }
0xb5: {  	[sflag:s29] =	ssyncadd.s32 $0xFFFFFFFF  }
0xb6: {  	_ =	strace $0x9000004B  }
0xb7: {  	_ =	sfence  }
0xb8: {  	s30 =	sld [smem:$0x0];
	_ =	sdelay $0x2  }
0xb9: {  	s31 =	sshll.u32 s1, $0xD;
	s1 =	sshrl.u32 s1, $0x2  }
0xba: {  	s3 =	sand.u32 $0x4000, s31;
	s1 =	sadd.s32 s1, s30  }
0xbb: {  	s0 =	sor.u32 s3, s0;
	s1 =	sshll.u32 s1, $0x11  }
0xbc: {  	s0 =	sor.u32 s1, s0  }
0xbd: {  	s0 =	sadd.s32 $0x8F2B, s0  }
0xbe: {  	[sflag:s0] =	ssyncadd.remote.s32 $0x1  }
0xbf: {  	_ =	sfence.sel $0xFFFF  }
0xc0: {  	[dreg:$0x0] =	wrdreg $0xFFFFFFFF;
	(pc) =	sbr.abs _section_cstart, $3  }
0xc1: {  	[dreg:$0x1] =	wrdreg $0xFFFFFFFF  }
0xc2: {  	_ =	task.clear_ibuf [dreg:s7], $0x2FFFF;
	_ =	strace $0x9FFFFFFF  }
0xc3: {  	(tm) =	ssettm $0x7FFFFFFF  }
tec
execute0_lowered:
.L_overlay_start_1:
0x0: {  	(tag) =	ssettag $0x1  }
0x1: {  	s2 =	rddreg [dreg:$0x0]  }
0x2: {  	s7 =	rddreg [dreg:$0x1]  }
0x3: {  	s3 =	rddreg [dreg:$0x2];
	s4 =	srdreg.scid  }
0x4: {  	s1 =	stileid.u32;
	s0 =	rddreg [dreg:$0x3]  }
0x5: {  	s17 =	simm.s32 $0xC350;
	s18 =	simm.s32 $0x50;
	s19 =	simm.s32 $0xEA60  }
0x6: {  	s20 =	simm.s32 $0xFE60;
	s21 =	simm.s32 $0x1;
	s22 =	simm.s32 $0x2  }
0x7: {  	s23 =	simm.s32 $0xEA10;
	s24 =	simm.s32 $0x0;
	s6 =	sand.u32 $0x1, s4  }
0x8: {  	s5 =	sshll.u32 s1, $0x1;
	s4 =	simm.s32 $0x0;
	s8 =	smul.u32 $0x9C00, s1  }
0x9: {  	s11 =	sadd.s32 $0x2AC00, s7;
	s13 =	smul.u32 $0x1380, s1;
	s31 =	sshll.u32 s1, $0x6  }
0xa: {  	s16 =	sadd.s32 $0x9C000, s3;
	p0 =	sne.s32 s1, $0xF;
	s30 =	smul.u32 $0x13880, s6  }
0xb: {  	s5 =	sor.u32 s6, s5;
	[smem:$0x7FF] =	sst s4;
	s15 =	smul.u32 $0x9C400, s6  }
0xc: {  	s29 =	ssub.s32 $0x2, s6;
	s6 =	sor.u32 $0x1C03, s31;
	s5 =	smul.u32 $0x4E2, s5  }
0xd: {  	_ =	strace $0x8000004A;
	s9 =	sshrl.u32 s8, $0x3;
	s12 =	sshrl.u32 s29, $0x1  }
0xe: {  	s14 =	sadd.s32 s8, s3;
	s28 =	sadd.s32 s9, s7;
	s12 =	ssub.s32 s29, s12  }
0xf: {  	s13 =	sadd.s32 s13, s30;
	s15 =	sshrl.u32 s15, $0x3;
	s10 =	sadd.s32 s5, s7  }
0x10: {  	s5 =	sadd.s32 $0x17200, s28;
	s7 =	sadd.s32 $0x2AA00, s7;
	s12 =	smax.u32 s12, $0x1  }
0x11: {  	s8 =	sadd.s32 $0x3600, s10;
	s9 =	sadd.s32 $0xD400, s10;
	s10 =	sadd.s32 s11, s13  }
0x12: {  	s11 =	sadd.s32 s11, s15;
	s13 =	sshrl.u32 s14, $0x3;
	s14 =	simm.s32 $0x3  }
0x13: {  	s15 =	sshrl.u32 @!p0 s16, $0x3;
	s16 =	simm.s32 $0x9C40;
	s11 =	sadd.s32 $0x13800, s11  }
.LBB2_1:
0x14: {  	[spmem:s13], [sflag:s6] =	dma.local [hbm:s5], $0x1380  }
0x15: {  	_ =	swait.ge [sflag:s14], $0x1380  }
0x16: {  	[sflag:s14] =	ssyncset.done $0x0  }
0x17: {  	s25 =	simm.s32 @!p0 $0x3;
	[sflag:s14] =	ssyncadd.s32 $0xFFFFEC80  }
0x18: {  	[spmem:s15], [sflag:s6] =	dma.local @!p0 [hbm:s7], $0x80  }
0x19: {  	_ =	swait.ge @!p0 [sflag:s25], $0x80  }
0x1a: {  	[sflag:s25] =	ssyncset.done @!p0 $0x0  }
0x1b: {  	[sflag:s25] =	ssyncadd.s32 @!p0 $0xFFFFFF80  }
0x1c: {  	[tilespmem:s16], [sflag:$0x3] =	stream.linear.gather [hbm4b:s8+s4], $0x2710, $0x38;
	[tilespmem:$0x11260] =	vst v63  }
0x1d: {  	_ =	swait.ge [sflag:s14], $0x2710  }
0x1e: {  	[sflag:s14] =	ssyncset.done $0x0  }
0x1f: {  	[sflag:s14] =	ssyncadd.s32 $0xFFFFD8F0  }
0x20: {  	[tilespmem:s17], [sflag:$0x3] =	stream.linear.gather [hbm4b:s9+s4], $0x2710, $0x38;
	[tilespmem:$0x11260] =	vst v63  }
0x21: {  	_ =	swait.ge [sflag:s14], $0x2710  }
0x22: {  	[sflag:s14] =	ssyncset.done $0x0  }
0x23: {  	[sflag:s14] =	ssyncadd.s32 $0xFFFFD8F0  }
0x24: {  	[bflag:$0x0] =	sbarrier.arrive $0xFFFF  }
0x25: {  	[tilespmem:s19], [sflag:$0x1] =	stream.indirect.gather [hbm4b:s2+s18], $0x40, s16, s18, $0xb8;
	[tilespmem:$0x11260] =	vst v63  }
0x26: {  	s28 =	simm.s32 $0x9C90  }
0x27: {  	[tilespmem:s20], [sflag:$0x2] =	stream.indirect.gather [hbm4b:s2+s18], $0x40, s28, s18, $0xb8;
	[tilespmem:$0x11260] =	vst v63  }
0x28: {  	_ =	swait.ge [sflag:s21], $0x1400  }
0x29: {  	[sflag:s21] =	ssyncset.done $0x0  }
0x2a: {  	s29 =	simm.s32 $0xC350;
	[sflag:s21] =	ssyncadd.s32 $0xFFFFEC00  }
0x2b: {  	[spmem:s3] =	stream.indirect.scatter.add.f32 [tilespmem:s19], [sflag:$0x3], $0x40, s29, s18, $0xb8;
	[tilespmem:$0x11260] =	vst v63  }
0x2c: {  	_ =	swait.ge [sflag:s14], $0x1400  }
0x2d: {  	[sflag:s14] =	ssyncset.done $0x0  }
0x2e: {  	s30 =	simm.s32 $0x9CE0;
	[sflag:s14] =	ssyncadd.s32 $0xFFFFEC00  }
0x2f: {  	[tilespmem:s19], [sflag:$0x1] =	stream.indirect.gather [hbm4b:s2+s18], $0x40, s30, s18, $0xb8;
	[tilespmem:$0x11260] =	vst v63  }
0x30: {  	_ =	swait.ge [sflag:s22], $0x1400  }
0x31: {  	[sflag:s22] =	ssyncset.done $0x0  }
0x32: {  	s31 =	simm.s32 $0xC3A0;
	[sflag:s22] =	ssyncadd.s32 $0xFFFFEC00  }
0x33: {  	[spmem:s3] =	stream.indirect.scatter.add.f32 [tilespmem:s20], [sflag:$0x3], $0x40, s31, s18, $0xb8;
	[tilespmem:$0x11260] =	vst v63  }
0x34: {  	_ =	swait.ge [sflag:s14], $0x1400  }
0x35: {  	s26 =	simm.s32 $0x500;
	s25 =	simm.s32 $0xA0;
	[sflag:s14] =	ssyncset.done $0x0  }
.LBB2_2:
0x36: {  	s28 =	sadd.s32 $0x9C90, s25  }
0x37: {  	[sflag:s14] =	ssyncadd.s32 $0xFFFFEC00;
	s29 =	smov.u32 s26;
	s30 =	sadd.s32 $0x280, s26  }
0x38: {  	[tilespmem:s20], [sflag:$0x2] =	stream.indirect.gather [hbm4b:s2+s18], $0x40, s28, s18, $0xb8;
	[tilespmem:$0x11260] =	vst v63  }
0x39: {  	p1 =	sne.s32 s26, $0x9880;
	_ =	swait.ge [sflag:s21], $0x1400  }
0x3a: {  	[sflag:s21] =	ssyncset.done $0x0  }
0x3b: {  	s26 =	sadd.s32 $0xC350, s25;
	[sflag:s21] =	ssyncadd.s32 $0xFFFFEC00  }
0x3c: {  	[spmem:s3] =	stream.indirect.scatter.add.f32 [tilespmem:s19], [sflag:$0x3], $0x40, s26, s18, $0xb8;
	[tilespmem:$0x11260] =	vst v63  }
0x3d: {  	_ =	swait.ge [sflag:s14], $0x1400  }
0x3e: {  	[sflag:s14] =	ssyncset.done $0x0  }
0x3f: {  	s26 =	sadd.s32 $0x9CE0, s25;
	[sflag:s14] =	ssyncadd.s32 $0xFFFFEC00  }
0x40: {  	[tilespmem:s19], [sflag:$0x1] =	stream.indirect.gather [hbm4b:s2+s18], $0x40, s26, s18, $0xb8;
	[tilespmem:$0x11260] =	vst v63  }
0x41: {  	_ =	swait.ge [sflag:s22], $0x1400  }
.Ltmp0:
0x42: {  	[sflag:s22] =	ssyncset.done $0x0;
	(pc) =	sbr.rel @p1 .LBB2_2-.Ltmp0, $4  }
0x43: {  	s25 =	sadd.s32 $0xC3A0, s25;
	[sflag:s22] =	ssyncadd.s32 $0xFFFFEC00  }
0x44: {  	[spmem:s3] =	stream.indirect.scatter.add.f32 [tilespmem:s20], [sflag:$0x3], $0x40, s25, s18, $0xb8;
	[tilespmem:$0x11260] =	vst v63  }
0x45: {  	_ =	swait.ge [sflag:s14], $0x1400  }
0x46: {  	s26 =	smov.u32 s30;
	s25 =	sshra.s32 s29, $0x2;
	[sflag:s14] =	ssyncset.done $0x0  }
0x47: {  	s26 =	sadd.s32 $0x9C90, s25;
	[sflag:s14] =	ssyncadd.s32 $0xFFFFEC00  }
0x48: {  	[tilespmem:s20], [sflag:$0x2] =	stream.indirect.gather [hbm4b:s2+s18], $0x40, s26, s18, $0xb8;
	[tilespmem:$0x11260] =	vst v63  }
0x49: {  	_ =	swait.ge [sflag:s21], $0x1400  }
0x4a: {  	[sflag:s21] =	ssyncset.done $0x0  }
0x4b: {  	s29 =	sadd.s32 $0xC350, s25;
	[sflag:s21] =	ssyncadd.s32 $0xFFFFEC00  }
0x4c: {  	[spmem:s3] =	stream.indirect.scatter.add.f32 [tilespmem:s19], [sflag:$0x3], $0x40, s29, s18, $0xb8;
	[tilespmem:$0x11260] =	vst v63  }
0x4d: {  	_ =	swait.ge [sflag:s14], $0x1400  }
0x4e: {  	[sflag:s14] =	ssyncset.done $0x0  }
0x4f: {  	s30 =	sadd.s32 $0x9CE0, s25;
	[sflag:s14] =	ssyncadd.s32 $0xFFFFEC00  }
0x50: {  	[tilespmem:s19], [sflag:$0x1] =	stream.indirect.gather [hbm4b:s2+s18], $0x40, s30, s18, $0xb8;
	[tilespmem:$0x11260] =	vst v63  }
0x51: {  	_ =	swait.ge [sflag:s22], $0x1400  }
0x52: {  	[sflag:s22] =	ssyncset.done $0x0  }
0x53: {  	s31 =	sadd.s32 $0xC3A0, s25;
	[sflag:s22] =	ssyncadd.s32 $0xFFFFEC00  }
0x54: {  	[spmem:s3] =	stream.indirect.scatter.add.f32 [tilespmem:s20], [sflag:$0x3], $0x40, s31, s18, $0xb8;
	[tilespmem:$0x11260] =	vst v63  }
0x55: {  	_ =	swait.ge [sflag:s14], $0x1400  }
0x56: {  	[sflag:s14] =	ssyncset.done $0x0  }
0x57: {  	[sflag:s14] =	ssyncadd.s32 $0xFFFFEC00  }
0x58: {  	_ =	swait.ge [sflag:s21], $0x1400  }
0x59: {  	[sflag:s21] =	ssyncset.done $0x0  }
0x5a: {  	[sflag:s21] =	ssyncadd.s32 $0xFFFFEC00  }
0x5b: {  	[spmem:s3] =	stream.indirect.scatter.add.f32 [tilespmem:s19], [sflag:$0x3], $0x40, s23, s18, $0xb8;
	[tilespmem:$0x11260] =	vst v63  }
0x5c: {  	_ =	swait.ge [sflag:s14], $0x1400  }
0x5d: {  	[sflag:s14] =	ssyncset.done $0x0  }
0x5e: {  	[sflag:s14] =	ssyncadd.s32 $0xFFFFEC00  }
0x5f: {  	[bflag:$0x0] =	sbarrier.arrive $0xFFFF  }
0x60: {  	[hbm:s10], [sflag:s6] =	dma.local [spmem:s13], $0x1380  }
0x61: {  	s24 =	sadd.s32 $0x1, s24;
	_ =	swait.ge [sflag:s14], $0x1380  }
0x62: {  	p1 =	sne.s32 s24, s12;
	[sflag:s14] =	ssyncset.done $0x0  }
.Ltmp1:
0x63: {  	s25 =	simm.s32 @!p0 $0x3;
	[sflag:s14] =	ssyncadd.s32 $0xFFFFEC80;
	(pc) =	sbr.rel @p1 .LBB2_1-.Ltmp1, $4  }
0x64: {  	[hbm:s11], [sflag:s6] =	dma.local @!p0 [spmem:s15], $0x80  }
0x65: {  	_ =	swait.ge @!p0 [sflag:s25], $0x80  }
0x66: {  	[sflag:s25] =	ssyncset.done @!p0 $0x0  }
0x67: {  	[sflag:s25] =	ssyncadd.s32 @!p0 $0xFFFFFF80  }
0x68: {  	_ =	sfence.sel $0x180000  }
0x69: {  	[bflag:$0x0] =	sbarrier.arrive $0xFFFF  }
0x6a: {  	p0 =	sne.s32 s1, $0x0;
	_ =	strace $0x9000004A  }
0x6b: {  	s0 =	sadd.s32 @!p0 $0x100000, s0;
	[bflag:$0x2] =	sbarrier.arrive $0xFFFF  }
0x6c: {  	[sflag:s0] =	ssyncadd.tile.s32 @!p0 $0x1;
	_ =	shalt  }
.Lfunc_end2:
_tile_overlayer_lowered:
.L_overlay_start_2:
0x6d: {  	(tag) =	ssettag $0x2  }
0x6e: {  	s0 =	rddreg [dreg:$0x0];
	s2 =	stileid.u32  }
0x6f: {  	s1 =	rddreg [dreg:$0x1];
	p0 =	sne.s32 s2, $0x0  }
0x70: {  	s3 =	rddreg [dreg:$0x2];
	[bflag:$0x3] =	sbarrier.arrive $0xFFFF;
	s2 =	simm.s32 @!p0 $0x1C03  }
0x71: {  	[timem:s3], [sflag:s2] =	dma.local @!p0 [hbm:s0], s1  }
0x72: {  	s0 =	simm.s32 @!p0 $0x3  }
0x73: {  	_ =	swait.ge @!p0 [sflag:s0], s1  }
0x74: {  	s1 =	ssub.s32 @!p0 $0x0, s1;
	[sflag:s0] =	ssyncset.done @!p0 $0x0  }
0x75: {  	[sflag:s0] =	ssyncadd.s32 @!p0 s1  }
0x76: {  	[bflag:$0x3] =	sbarrier.arrive $0xFFFF  }
0x77: {  	_ =	shalt  }

// kernel: kernel.18.cloned.1.call-start
scs
__scs_entry_jumppad:
0x0: {  	(pc) =	sbr.rel $0x88, $3  }
0x1: {  	(tag) =	ssettag $0x0;
	lr =	simm.s32 $0x1  }
0x2: {  	[smem:$0x3F92] =	sst lr;
	_ =	strace $0xD0000000  }
0x3: {  	_ = 	snop  }
0x4: {  	_ = 	snop  }
0x5: {  	_ = 	snop  }
0x6: {  	_ = 	snop  }
0x7: {  	_ = 	snop  }
__scs_overlays_trampoline_lowered:
0x8: {  	[smem:$0x3FA1] =	sst s0  }
0x9: {  	[smem:$0x3FA2] =	sst s1  }
0xa: {  	[smem:$0x3FA3] =	sst s2  }
0xb: {  	[smem:$0x3FA4] =	sst s3  }
0xc: {  	[smem:$0x3FA5] =	sst s4  }
0xd: {  	[smem:$0x3FA6] =	sst s5  }
0xe: {  	[smem:$0x3FA7] =	sst s6  }
0xf: {  	[smem:$0x3FA8] =	sst s7  }
0x10: {  	[smem:$0x3FA9] =	sst s8  }
0x11: {  	[smem:$0x3FAA] =	sst s9;
	s0 =	simm.s32 @!p0 $0x0  }
0x12: {  	s1 =	sld [smem:$0x3F90];
	s0 =	simm.s32 @p0 $0x1  }
0x13: {  	[smem:$0x3FAB] =	sst s0;
	s0 =	simm.s32 @!p1 $0x0  }
0x14: {  	s2 =	sld [smem:$0x3F8F];
	s0 =	simm.s32 @p1 $0x1  }
0x15: {  	[smem:$0x3FAC] =	sst s0;
	s0 =	simm.s32 @!p2 $0x0  }
0x16: {  	s3 =	sld [smem:$0x3FDB];
	s0 =	simm.s32 @p2 $0x1  }
0x17: {  	s4 =	simm.s32 $0x1BF5;
	[smem:$0x3FAE] =	sst s0  }
0x18: {  	s0 =	sld [smem:$0x3F91];
	_ =	swait.ge [sflag:s4], $0x0  }
0x19: {  	s7 =	sld [smem:$0x3F92]  }
0x1a: {  	s8 =	sadd.s32 $0xFFFFE003, lr  }
0x1b: {  	s9 =	sadd.s32 $0xFFFFFEF7, lr;
	s5 =	simm.s32 $0xFFFFFFFF;
	p2 =	slt.u32 s8, $0xFFFFF086  }
0x1c: {  	p1 =	slt.u32 s9, $0xF7A;
	s5 =	simm.s32 @!p2 $0x0  }
0x1d: {  	s5 =	simm.s32 @p1 $0x1;
	p0 =	seq.s32 s7, s2  }
0x1e: {  	s7 =	smul.u32 @!p0 $0xF7A, s2;
	p2 =	seq.s32 @!p0 s5, $0x0  }
0x1f: {  	s9 =	smul.u32 $0xF7A, s1;
	s8 =	simm.s32 @!p0 $0x1BF5;
	p2 =	por !p2, p0  }
0x20: {  	[sflag:s8] =	ssyncset.s32 @!p0 $0xFFFFF086;
	s6 =	sadd.s32 @!p0 s3, s7;
	s7 =	simm.s32 @!p0 $0x108  }
0x21: {  	s3 =	sadd.s32 s3, s9;
	s6 =	sadd.s32 @!p0 $0x88, s6;
	s7 =	simm.s32 @p2 $0x1082  }
0x22: {  	[simem:s7], [sflag:s8] =	dma.local @!p0 [hbm:s6], $0xF7A  }
0x23: {  	s9 =	sor.u32 $0xD0000000, s2;
	s6 =	simm.s32 $0x108;
	_ =	swait.ge @!p0 [sflag:s8], $0x0  }
0x24: {  	s3 =	sadd.s32 $0x88, s3;
	s6 =	simm.s32 @!p1 $0x1082;
	[sflag:s4] =	ssyncset.s32 $0xFFFFF086  }
0x25: {  	[simem:s6], [sflag:s4] =	dma.local [hbm:s3], $0xF7A  }
0x26: {  	[smem:$0x3F92] =	sst s1;
	(tag) =	ssettag s2;
	_ =	strace s9  }
0x27: {  	s1 =	sld [smem:$0x3FA2]  }
0x28: {  	s2 =	sld [smem:$0x3FA3]  }
0x29: {  	s4 =	sld [smem:$0x3FA5]  }
0x2a: {  	p0 =	seq.s32 s5, $0x0;
	s5 =	sld [smem:$0x3FA6]  }
0x2b: {  	s6 =	sld [smem:$0x3FA7]  }
0x2c: {  	s7 =	sld [smem:$0x3FA8]  }
0x2d: {  	s3 =	simm.s32 $0x108;
	s8 =	sld [smem:$0x3FA9]  }
0x2e: {  	s3 =	simm.s32 @!p0 $0x1082;
	s9 =	sld [smem:$0x3FAA]  }
0x2f: {  	lr =	sadd.s32 s0, s3;
	s0 =	sld [smem:$0x3FA1]  }
0x30: {  	s3 =	sld [smem:$0x3FA4]  }
0x31: {  	[smem:$0x3FAD] =	sst s10  }
0x32: {  	s10 =	sld [smem:$0x3FAB];
	_ =	sdelay $0x3  }
0x33: {  	p0 =	seq.s32 s10, $0x1;
	s10 =	sld [smem:$0x3FAD];
	_ =	sdelay $0x3  }
0x34: {  	[smem:$0x3FAD] =	sst s10  }
0x35: {  	s10 =	sld [smem:$0x3FAC];
	_ =	sdelay $0x3  }
0x36: {  	p1 =	seq.s32 s10, $0x1;
	s10 =	sld [smem:$0x3FAD];
	_ =	sdelay $0x3  }
0x37: {  	[smem:$0x3FAD] =	sst s10  }
0x38: {  	s10 =	sld [smem:$0x3FAE]  }
0x39: {  	_ = 	snop;
	(pc) =	sbr.ind lr, $3  }
0x3a: {  	_ = 	snop  }
0x3b: {  	_ = 	snop  }
0x3c: {  	p2 =	seq.s32 s10, $0x1;
	s10 =	sld [smem:$0x3FAD]  }
0x3d: {  	_ =	shalt  }
0x3e: {  	_ =	shalt  }
0x3f: {  	_ =	shalt  }
0x40: {  	_ =	shalt  }
0x41: {  	_ =	shalt  }
0x42: {  	_ =	shalt  }
0x43: {  	_ =	shalt  }
0x44: {  	_ =	shalt  }
0x45: {  	_ =	shalt  }
0x46: {  	_ =	shalt  }
0x47: {  	_ =	shalt  }
0x48: {  	_ =	shalt  }
0x49: {  	_ =	shalt  }
0x4a: {  	_ =	shalt  }
0x4b: {  	_ =	shalt  }
0x4c: {  	_ =	shalt  }
0x4d: {  	_ =	shalt  }
0x4e: {  	_ =	shalt  }
0x4f: {  	_ =	shalt  }
0x50: {  	_ =	shalt  }
0x51: {  	_ =	shalt  }
0x52: {  	_ =	shalt  }
0x53: {  	_ =	shalt  }
0x54: {  	_ =	shalt  }
0x55: {  	_ =	shalt  }
0x56: {  	_ =	shalt  }
0x57: {  	_ =	shalt  }
0x58: {  	_ =	shalt  }
0x59: {  	_ =	shalt  }
0x5a: {  	_ =	shalt  }
0x5b: {  	_ =	shalt  }
0x5c: {  	_ =	shalt  }
0x5d: {  	_ =	shalt  }
0x5e: {  	_ =	shalt  }
0x5f: {  	_ =	shalt  }
0x60: {  	_ =	shalt  }
0x61: {  	_ =	shalt  }
0x62: {  	_ =	shalt  }
0x63: {  	_ =	shalt  }
0x64: {  	_ =	shalt  }
0x65: {  	_ =	shalt  }
0x66: {  	_ =	shalt  }
0x67: {  	_ =	shalt  }
0x68: {  	_ =	shalt  }
0x69: {  	_ =	shalt  }
0x6a: {  	_ =	shalt  }
0x6b: {  	_ =	shalt  }
0x6c: {  	_ =	shalt  }
0x6d: {  	_ =	shalt  }
0x6e: {  	_ =	shalt  }
0x6f: {  	_ =	shalt  }
0x70: {  	_ =	shalt  }
0x71: {  	_ =	shalt  }
0x72: {  	_ =	shalt  }
0x73: {  	_ =	shalt  }
0x74: {  	_ =	shalt  }
0x75: {  	_ =	shalt  }
0x76: {  	_ =	shalt  }
0x77: {  	_ =	shalt  }
0x78: {  	_ =	shalt  }
0x79: {  	_ =	shalt  }
0x7a: {  	_ =	shalt  }
0x7b: {  	_ =	shalt  }
0x7c: {  	_ =	shalt  }
0x7d: {  	_ =	shalt  }
0x7e: {  	_ =	shalt  }
0x7f: {  	_ =	shalt  }
0x80: {  	_ =	shalt  }
0x81: {  	_ =	shalt  }
0x82: {  	_ =	shalt  }
0x83: {  	_ =	shalt  }
0x84: {  	_ =	shalt  }
0x85: {  	_ =	shalt  }
0x86: {  	_ =	shalt  }
0x87: {  	_ =	shalt  }
.Lfunc_end0:
.L_simem_size_0:
called_computation.2_lowered:
.L_overlay_start_0:
0x88: {  	s2 =	sld [smem:$0x3FD9]  }
0x89: {  	s3 =	sld [smem:$0x3FFE];
	_ =	sdelay $0x1  }
0x8a: {  	s1 =	srdreg.scid  }
0x8b: {  	s0 =	sand.u32 $0x1, s1  }
0x8c: {  	s17 =	sshll.u32 s0, $0xA;
	s2 =	sadd.s32 s3, s2  }
0x8d: {  	s2 =	sadd.s32 s2, s17  }
0x8e: {  	[smem:$0x3FB9] =	sst s2  }
0x8f: {  	_ = 	snop  }
0x90: {  	s2 =	sld [smem:$0x3FD0];
	(tm) =	ssettm $0x1  }
0x91: {  	s18 =	sld [smem:$0x3FFB];
	_ =	sdelay $0x3  }
0x92: {  	_ =	strace s18  }
0x93: {  	s3 =	sld [smem:$0x3FFC];
	_ =	sdelay $0x3  }
0x94: {  	_ =	strace s3  }
0x95: {  	s3 =	sld [smem:$0x3FFD];
	_ =	sdelay $0x3  }
0x96: {  	_ =	strace s3  }
0x97: {  	_ =	strace $0x8FFFFFFF  }
0x98: {  	s19 =	sld [smem:$0x3FDB];
	_ =	sdelay $0x1  }
0x99: {  	s4 =	simm.s32 $_scs_section_size  }
0x9a: {  	s5 =	simm.s32 $_size__tile_overlayer_lowered;
	s6 =	simm.s32 $_tile_overlayer_lowered  }
0x9b: {  	s22 =	simm.s32 $0x1BFF;
	s21 =	sshll.u32 s6, $0x1;
	s3 =	sadd.s32 s4, s19  }
0x9c: {  	s7 =	simm.s32 $0x0;
	s20 =	sshll.u32 s5, $0x1;
	s5 =	sadd.s32 s21, s3  }
0x9d: {  	[timem:s7], [sflag:s22] =	dma.local [hbm:s5], s20  }
0x9e: {  	_ =	swait.ge [sflag:s22], s20  }
0x9f: {  	s4 =	ssub.s32 $0x0, s20;
	[sflag:s22] =	ssyncset.done $0x0  }
0xa0: {  	[sflag:s22] =	ssyncadd.s32 s4;
	_ =	sdelay $0x1  }
0xa1: {  	s23 =	simm.s32 $0x1B8B  }
0xa2: {  	_ =	swait.ge [sflag:s23], $0x1  }
0xa3: {  	[sflag:s23] =	ssyncset.done $0x0  }
0xa4: {  	s25 =	simm.s32 $0x1B8E;
	s24 =	sld [smem:$0x3FFE];
	[sflag:s23] =	ssyncadd.s32 $0xFFFFFFFF  }
0xa5: {  	s26 =	simm.s32 $execute0_lowered;
	[smem:$0x3FD2] =	sst s25  }
0xa6: {  	s5 =	sshll.u32 s26, $0x1;
	_ =	strace $0x8000004C;
	[dreg:$0x1] =	wrdreg $0xFFFFFFFF  }
0xa7: {  	s28 =	simm.s32 $_size_execute0_lowered;
	s3 =	sadd.s32 s3, s5;
	[dreg:$0x0] =	wrdreg $0x0  }
0xa8: {  	s5 =	sshll.u32 s28, $0x1;
	[dreg:$0x2] =	wrdreg s3  }
0xa9: {  	[dreg:$0x3] =	wrdreg s5  }
0xaa: {  	[dreg:$0x4] =	wrdreg $0xC0  }
0xab: {  	_ =	task [dreg:s7], $0x5FFFF  }
0xac: {  	[dreg:$0x1] =	wrdreg $0xFFFFFFFF  }
0xad: {  	[dreg:$0x0] =	wrdreg $0x60  }
0xae: {  	[dreg:$0x2] =	wrdreg s2  }
0xaf: {  	[dreg:$0x3] =	wrdreg s24  }
0xb0: {  	[dreg:$0x4] =	wrdreg $0x0  }
0xb1: {  	[dreg:$0x5] =	wrdreg $0x9  }
0xb2: {  	_ =	task.clear_ibuf [dreg:s7], $0x6FFFF;
	_ =	strace $0x9000004C  }
0xb3: {  	s29 =	simm.s32 $0x9;
	_ =	strace $0x8000004E  }
0xb4: {  	_ =	swait.ge [sflag:s29], $0x1  }
0xb5: {  	[sflag:s29] =	ssyncadd.s32 $0xFFFFFFFF  }
0xb6: {  	_ =	strace $0x9000004E  }
0xb7: {  	_ =	sfence  }
0xb8: {  	s30 =	sld [smem:$0x0];
	_ =	sdelay $0x2  }
0xb9: {  	s31 =	sshll.u32 s1, $0xD;
	s1 =	sshrl.u32 s1, $0x2  }
0xba: {  	s3 =	sand.u32 $0x4000, s31;
	s1 =	sadd.s32 s1, s30  }
0xbb: {  	s0 =	sor.u32 s3, s0;
	s1 =	sshll.u32 s1, $0x11  }
0xbc: {  	s0 =	sor.u32 s1, s0  }
0xbd: {  	s0 =	sadd.s32 $0x8F2B, s0  }
0xbe: {  	[sflag:s0] =	ssyncadd.remote.s32 $0x1  }
0xbf: {  	_ =	sfence.sel $0xFFFF  }
0xc0: {  	[dreg:$0x0] =	wrdreg $0xFFFFFFFF;
	(pc) =	sbr.abs _section_cstart, $3  }
0xc1: {  	[dreg:$0x1] =	wrdreg $0xFFFFFFFF  }
0xc2: {  	_ =	task.clear_ibuf [dreg:s7], $0x2FFFF;
	_ =	strace $0x9FFFFFFF  }
0xc3: {  	(tm) =	ssettm $0x7FFFFFFF  }
tec
execute0_lowered:
.L_overlay_start_1:
0x0: {  	(tag) =	ssettag $0x1  }
0x1: {  	s2 =	rddreg [dreg:$0x0]  }
0x2: {  	s7 =	rddreg [dreg:$0x1]  }
0x3: {  	s3 =	rddreg [dreg:$0x2];
	s4 =	srdreg.scid  }
0x4: {  	s1 =	stileid.u32;
	s0 =	rddreg [dreg:$0x3]  }
0x5: {  	s17 =	simm.s32 $0xC350;
	s18 =	simm.s32 $0x50;
	s19 =	simm.s32 $0xEA60  }
0x6: {  	s20 =	simm.s32 $0xFE60;
	s21 =	simm.s32 $0x1;
	s22 =	simm.s32 $0x2  }
0x7: {  	s23 =	simm.s32 $0xEA10;
	s24 =	simm.s32 $0x0;
	s6 =	sand.u32 $0x1, s4  }
0x8: {  	s5 =	sshll.u32 s1, $0x1;
	s4 =	simm.s32 $0x0;
	s8 =	smul.u32 $0x9C00, s1  }
0x9: {  	s11 =	sadd.s32 $0x2AC00, s7;
	s13 =	smul.u32 $0x1380, s1;
	s31 =	sshll.u32 s1, $0x6  }
0xa: {  	s16 =	sadd.s32 $0x9C000, s3;
	p0 =	sne.s32 s1, $0xF;
	s30 =	smul.u32 $0x13880, s6  }
0xb: {  	s5 =	sor.u32 s6, s5;
	[smem:$0x7FF] =	sst s4;
	s15 =	smul.u32 $0x9C400, s6  }
0xc: {  	s29 =	ssub.s32 $0x2, s6;
	s6 =	sor.u32 $0x1C03, s31;
	s5 =	smul.u32 $0x4E2, s5  }
0xd: {  	_ =	strace $0x8000004D;
	s9 =	sshrl.u32 s8, $0x3;
	s12 =	sshrl.u32 s29, $0x1  }
0xe: {  	s14 =	sadd.s32 s8, s3;
	s28 =	sadd.s32 s9, s7;
	s12 =	ssub.s32 s29, s12  }
0xf: {  	s13 =	sadd.s32 s13, s30;
	s15 =	sshrl.u32 s15, $0x3;
	s10 =	sadd.s32 s5, s7  }
0x10: {  	s5 =	sadd.s32 $0x17200, s28;
	s7 =	sadd.s32 $0x2AA00, s7;
	s12 =	smax.u32 s12, $0x1  }
0x11: {  	s8 =	sadd.s32 $0x3600, s10;
	s9 =	sadd.s32 $0xD400, s10;
	s10 =	sadd.s32 s11, s13  }
0x12: {  	s11 =	sadd.s32 s11, s15;
	s13 =	sshrl.u32 s14, $0x3;
	s14 =	simm.s32 $0x3  }
0x13: {  	s15 =	sshrl.u32 @!p0 s16, $0x3;
	s16 =	simm.s32 $0x9C40;
	s11 =	sadd.s32 $0x13800, s11  }
.LBB2_1:
0x14: {  	[spmem:s13], [sflag:s6] =	dma.local [hbm:s5], $0x1380  }
0x15: {  	_ =	swait.ge [sflag:s14], $0x1380  }
0x16: {  	[sflag:s14] =	ssyncset.done $0x0  }
0x17: {  	s25 =	simm.s32 @!p0 $0x3;
	[sflag:s14] =	ssyncadd.s32 $0xFFFFEC80  }
0x18: {  	[spmem:s15], [sflag:s6] =	dma.local @!p0 [hbm:s7], $0x80  }
0x19: {  	_ =	swait.ge @!p0 [sflag:s25], $0x80  }
0x1a: {  	[sflag:s25] =	ssyncset.done @!p0 $0x0  }
0x1b: {  	[sflag:s25] =	ssyncadd.s32 @!p0 $0xFFFFFF80  }
0x1c: {  	[tilespmem:s16], [sflag:$0x3] =	stream.linear.gather [hbm4b:s8+s4], $0x2710, $0x38;
	[tilespmem:$0x11260] =	vst v63  }
0x1d: {  	_ =	swait.ge [sflag:s14], $0x2710  }
0x1e: {  	[sflag:s14] =	ssyncset.done $0x0  }
0x1f: {  	[sflag:s14] =	ssyncadd.s32 $0xFFFFD8F0  }
0x20: {  	[tilespmem:s17], [sflag:$0x3] =	stream.linear.gather [hbm4b:s9+s4], $0x2710, $0x38;
	[tilespmem:$0x11260] =	vst v63  }
0x21: {  	_ =	swait.ge [sflag:s14], $0x2710  }
0x22: {  	[sflag:s14] =	ssyncset.done $0x0  }
0x23: {  	[sflag:s14] =	ssyncadd.s32 $0xFFFFD8F0  }
0x24: {  	[bflag:$0x0] =	sbarrier.arrive $0xFFFF  }
0x25: {  	[tilespmem:s19], [sflag:$0x1] =	stream.indirect.gather [hbm4b:s2+s18], $0x40, s16, s18, $0xb8;
	[tilespmem:$0x11260] =	vst v63  }
0x26: {  	s28 =	simm.s32 $0x9C90  }
0x27: {  	[tilespmem:s20], [sflag:$0x2] =	stream.indirect.gather [hbm4b:s2+s18], $0x40, s28, s18, $0xb8;
	[tilespmem:$0x11260] =	vst v63  }
0x28: {  	_ =	swait.ge [sflag:s21], $0x1400  }
0x29: {  	[sflag:s21] =	ssyncset.done $0x0  }
0x2a: {  	s29 =	simm.s32 $0xC350;
	[sflag:s21] =	ssyncadd.s32 $0xFFFFEC00  }
0x2b: {  	[spmem:s3] =	stream.indirect.scatter.add.f32 [tilespmem:s19], [sflag:$0x3], $0x40, s29, s18, $0xb8;
	[tilespmem:$0x11260] =	vst v63  }
0x2c: {  	_ =	swait.ge [sflag:s14], $0x1400  }
0x2d: {  	[sflag:s14] =	ssyncset.done $0x0  }
0x2e: {  	s30 =	simm.s32 $0x9CE0;
	[sflag:s14] =	ssyncadd.s32 $0xFFFFEC00  }
0x2f: {  	[tilespmem:s19], [sflag:$0x1] =	stream.indirect.gather [hbm4b:s2+s18], $0x40, s30, s18, $0xb8;
	[tilespmem:$0x11260] =	vst v63  }
0x30: {  	_ =	swait.ge [sflag:s22], $0x1400  }
0x31: {  	[sflag:s22] =	ssyncset.done $0x0  }
0x32: {  	s31 =	simm.s32 $0xC3A0;
	[sflag:s22] =	ssyncadd.s32 $0xFFFFEC00  }
0x33: {  	[spmem:s3] =	stream.indirect.scatter.add.f32 [tilespmem:s20], [sflag:$0x3], $0x40, s31, s18, $0xb8;
	[tilespmem:$0x11260] =	vst v63  }
0x34: {  	_ =	swait.ge [sflag:s14], $0x1400  }
0x35: {  	s26 =	simm.s32 $0x500;
	s25 =	simm.s32 $0xA0;
	[sflag:s14] =	ssyncset.done $0x0  }
.LBB2_2:
0x36: {  	s28 =	sadd.s32 $0x9C90, s25  }
0x37: {  	[sflag:s14] =	ssyncadd.s32 $0xFFFFEC00;
	s29 =	smov.u32 s26;
	s30 =	sadd.s32 $0x280, s26  }
0x38: {  	[tilespmem:s20], [sflag:$0x2] =	stream.indirect.gather [hbm4b:s2+s18], $0x40, s28, s18, $0xb8;
	[tilespmem:$0x11260] =	vst v63  }
0x39: {  	p1 =	sne.s32 s26, $0x9880;
	_ =	swait.ge [sflag:s21], $0x1400  }
0x3a: {  	[sflag:s21] =	ssyncset.done $0x0  }
0x3b: {  	s26 =	sadd.s32 $0xC350, s25;
	[sflag:s21] =	ssyncadd.s32 $0xFFFFEC00  }
0x3c: {  	[spmem:s3] =	stream.indirect.scatter.add.f32 [tilespmem:s19], [sflag:$0x3], $0x40, s26, s18, $0xb8;
	[tilespmem:$0x11260] =	vst v63  }
0x3d: {  	_ =	swait.ge [sflag:s14], $0x1400  }
0x3e: {  	[sflag:s14] =	ssyncset.done $0x0  }
0x3f: {  	s26 =	sadd.s32 $0x9CE0, s25;
	[sflag:s14] =	ssyncadd.s32 $0xFFFFEC00  }
0x40: {  	[tilespmem:s19], [sflag:$0x1] =	stream.indirect.gather [hbm4b:s2+s18], $0x40, s26, s18, $0xb8;
	[tilespmem:$0x11260] =	vst v63  }
0x41: {  	_ =	swait.ge [sflag:s22], $0x1400  }
.Ltmp0:
0x42: {  	[sflag:s22] =	ssyncset.done $0x0;
	(pc) =	sbr.rel @p1 .LBB2_2-.Ltmp0, $4  }
0x43: {  	s25 =	sadd.s32 $0xC3A0, s25;
	[sflag:s22] =	ssyncadd.s32 $0xFFFFEC00  }
0x44: {  	[spmem:s3] =	stream.indirect.scatter.add.f32 [tilespmem:s20], [sflag:$0x3], $0x40, s25, s18, $0xb8;
	[tilespmem:$0x11260] =	vst v63  }
0x45: {  	_ =	swait.ge [sflag:s14], $0x1400  }
0x46: {  	s26 =	smov.u32 s30;
	s25 =	sshra.s32 s29, $0x2;
	[sflag:s14] =	ssyncset.done $0x0  }
0x47: {  	s26 =	sadd.s32 $0x9C90, s25;
	[sflag:s14] =	ssyncadd.s32 $0xFFFFEC00  }
0x48: {  	[tilespmem:s20], [sflag:$0x2] =	stream.indirect.gather [hbm4b:s2+s18], $0x40, s26, s18, $0xb8;
	[tilespmem:$0x11260] =	vst v63  }
0x49: {  	_ =	swait.ge [sflag:s21], $0x1400  }
0x4a: {  	[sflag:s21] =	ssyncset.done $0x0  }
0x4b: {  	s29 =	sadd.s32 $0xC350, s25;
	[sflag:s21] =	ssyncadd.s32 $0xFFFFEC00  }
0x4c: {  	[spmem:s3] =	stream.indirect.scatter.add.f32 [tilespmem:s19], [sflag:$0x3], $0x40, s29, s18, $0xb8;
	[tilespmem:$0x11260] =	vst v63  }
0x4d: {  	_ =	swait.ge [sflag:s14], $0x1400  }
0x4e: {  	[sflag:s14] =	ssyncset.done $0x0  }
0x4f: {  	s30 =	sadd.s32 $0x9CE0, s25;
	[sflag:s14] =	ssyncadd.s32 $0xFFFFEC00  }
0x50: {  	[tilespmem:s19], [sflag:$0x1] =	stream.indirect.gather [hbm4b:s2+s18], $0x40, s30, s18, $0xb8;
	[tilespmem:$0x11260] =	vst v63  }
0x51: {  	_ =	swait.ge [sflag:s22], $0x1400  }
0x52: {  	[sflag:s22] =	ssyncset.done $0x0  }
0x53: {  	s31 =	sadd.s32 $0xC3A0, s25;
	[sflag:s22] =	ssyncadd.s32 $0xFFFFEC00  }
0x54: {  	[spmem:s3] =	stream.indirect.scatter.add.f32 [tilespmem:s20], [sflag:$0x3], $0x40, s31, s18, $0xb8;
	[tilespmem:$0x11260] =	vst v63  }
0x55: {  	_ =	swait.ge [sflag:s14], $0x1400  }
0x56: {  	[sflag:s14] =	ssyncset.done $0x0  }
0x57: {  	[sflag:s14] =	ssyncadd.s32 $0xFFFFEC00  }
0x58: {  	_ =	swait.ge [sflag:s21], $0x1400  }
0x59: {  	[sflag:s21] =	ssyncset.done $0x0  }
0x5a: {  	[sflag:s21] =	ssyncadd.s32 $0xFFFFEC00  }
0x5b: {  	[spmem:s3] =	stream.indirect.scatter.add.f32 [tilespmem:s19], [sflag:$0x3], $0x40, s23, s18, $0xb8;
	[tilespmem:$0x11260] =	vst v63  }
0x5c: {  	_ =	swait.ge [sflag:s14], $0x1400  }
0x5d: {  	[sflag:s14] =	ssyncset.done $0x0  }
0x5e: {  	[sflag:s14] =	ssyncadd.s32 $0xFFFFEC00  }
0x5f: {  	[bflag:$0x0] =	sbarrier.arrive $0xFFFF  }
0x60: {  	[hbm:s10], [sflag:s6] =	dma.local [spmem:s13], $0x1380  }
0x61: {  	s24 =	sadd.s32 $0x1, s24;
	_ =	swait.ge [sflag:s14], $0x1380  }
0x62: {  	p1 =	sne.s32 s24, s12;
	[sflag:s14] =	ssyncset.done $0x0  }
.Ltmp1:
0x63: {  	s25 =	simm.s32 @!p0 $0x3;
	[sflag:s14] =	ssyncadd.s32 $0xFFFFEC80;
	(pc) =	sbr.rel @p1 .LBB2_1-.Ltmp1, $4  }
0x64: {  	[hbm:s11], [sflag:s6] =	dma.local @!p0 [spmem:s15], $0x80  }
0x65: {  	_ =	swait.ge @!p0 [sflag:s25], $0x80  }
0x66: {  	[sflag:s25] =	ssyncset.done @!p0 $0x0  }
0x67: {  	[sflag:s25] =	ssyncadd.s32 @!p0 $0xFFFFFF80  }
0x68: {  	_ =	sfence.sel $0x180000  }
0x69: {  	[bflag:$0x0] =	sbarrier.arrive $0xFFFF  }
0x6a: {  	p0 =	sne.s32 s1, $0x0;
	_ =	strace $0x9000004D  }
0x6b: {  	s0 =	sadd.s32 @!p0 $0x100000, s0;
	[bflag:$0x2] =	sbarrier.arrive $0xFFFF  }
0x6c: {  	[sflag:s0] =	ssyncadd.tile.s32 @!p0 $0x1;
	_ =	shalt  }
.Lfunc_end2:
_tile_overlayer_lowered:
.L_overlay_start_2:
0x6d: {  	(tag) =	ssettag $0x2  }
0x6e: {  	s0 =	rddreg [dreg:$0x0];
	s2 =	stileid.u32  }
0x6f: {  	s1 =	rddreg [dreg:$0x1];
	p0 =	sne.s32 s2, $0x0  }
0x70: {  	s3 =	rddreg [dreg:$0x2];
	[bflag:$0x3] =	sbarrier.arrive $0xFFFF;
	s2 =	simm.s32 @!p0 $0x1C03  }
0x71: {  	[timem:s3], [sflag:s2] =	dma.local @!p0 [hbm:s0], s1  }
0x72: {  	s0 =	simm.s32 @!p0 $0x3  }
0x73: {  	_ =	swait.ge @!p0 [sflag:s0], s1  }
0x74: {  	s1 =	ssub.s32 @!p0 $0x0, s1;
	[sflag:s0] =	ssyncset.done @!p0 $0x0  }
0x75: {  	[sflag:s0] =	ssyncadd.s32 @!p0 s1  }
0x76: {  	[bflag:$0x3] =	sbarrier.arrive $0xFFFF  }
0x77: {  	_ =	shalt  }

// kernel: kernel.21.cloned.1.call-start
scs
__scs_entry_jumppad:
0x0: {  	(pc) =	sbr.rel $0x88, $3  }
0x1: {  	(tag) =	ssettag $0x0;
	lr =	simm.s32 $0x1  }
0x2: {  	[smem:$0x3F92] =	sst lr;
	_ =	strace $0xD0000000  }
0x3: {  	_ = 	snop  }
0x4: {  	_ = 	snop  }
0x5: {  	_ = 	snop  }
0x6: {  	_ = 	snop  }
0x7: {  	_ = 	snop  }
__scs_overlays_trampoline_lowered:
0x8: {  	[smem:$0x3FA1] =	sst s0  }
0x9: {  	[smem:$0x3FA2] =	sst s1  }
0xa: {  	[smem:$0x3FA3] =	sst s2  }
0xb: {  	[smem:$0x3FA4] =	sst s3  }
0xc: {  	[smem:$0x3FA5] =	sst s4  }
0xd: {  	[smem:$0x3FA6] =	sst s5  }
0xe: {  	[smem:$0x3FA7] =	sst s6  }
0xf: {  	[smem:$0x3FA8] =	sst s7  }
0x10: {  	[smem:$0x3FA9] =	sst s8  }
0x11: {  	[smem:$0x3FAA] =	sst s9;
	s0 =	simm.s32 @!p0 $0x0  }
0x12: {  	s1 =	sld [smem:$0x3F90];
	s0 =	simm.s32 @p0 $0x1  }
0x13: {  	[smem:$0x3FAB] =	sst s0;
	s0 =	simm.s32 @!p1 $0x0  }
0x14: {  	s2 =	sld [smem:$0x3F8F];
	s0 =	simm.s32 @p1 $0x1  }
0x15: {  	[smem:$0x3FAC] =	sst s0;
	s0 =	simm.s32 @!p2 $0x0  }
0x16: {  	s3 =	sld [smem:$0x3FDB];
	s0 =	simm.s32 @p2 $0x1  }
0x17: {  	s4 =	simm.s32 $0x1BF5;
	[smem:$0x3FAE] =	sst s0  }
0x18: {  	s0 =	sld [smem:$0x3F91];
	_ =	swait.ge [sflag:s4], $0x0  }
0x19: {  	s7 =	sld [smem:$0x3F92]  }
0x1a: {  	s8 =	sadd.s32 $0xFFFFE003, lr  }
0x1b: {  	s9 =	sadd.s32 $0xFFFFFEF7, lr;
	s5 =	simm.s32 $0xFFFFFFFF;
	p2 =	slt.u32 s8, $0xFFFFF086  }
0x1c: {  	p1 =	slt.u32 s9, $0xF7A;
	s5 =	simm.s32 @!p2 $0x0  }
0x1d: {  	s5 =	simm.s32 @p1 $0x1;
	p0 =	seq.s32 s7, s2  }
0x1e: {  	s7 =	smul.u32 @!p0 $0xF7A, s2;
	p2 =	seq.s32 @!p0 s5, $0x0  }
0x1f: {  	s9 =	smul.u32 $0xF7A, s1;
	s8 =	simm.s32 @!p0 $0x1BF5;
	p2 =	por !p2, p0  }
0x20: {  	[sflag:s8] =	ssyncset.s32 @!p0 $0xFFFFF086;
	s6 =	sadd.s32 @!p0 s3, s7;
	s7 =	simm.s32 @!p0 $0x108  }
0x21: {  	s3 =	sadd.s32 s3, s9;
	s6 =	sadd.s32 @!p0 $0x88, s6;
	s7 =	simm.s32 @p2 $0x1082  }
0x22: {  	[simem:s7], [sflag:s8] =	dma.local @!p0 [hbm:s6], $0xF7A  }
0x23: {  	s9 =	sor.u32 $0xD0000000, s2;
	s6 =	simm.s32 $0x108;
	_ =	swait.ge @!p0 [sflag:s8], $0x0  }
0x24: {  	s3 =	sadd.s32 $0x88, s3;
	s6 =	simm.s32 @!p1 $0x1082;
	[sflag:s4] =	ssyncset.s32 $0xFFFFF086  }
0x25: {  	[simem:s6], [sflag:s4] =	dma.local [hbm:s3], $0xF7A  }
0x26: {  	[smem:$0x3F92] =	sst s1;
	(tag) =	ssettag s2;
	_ =	strace s9  }
0x27: {  	s1 =	sld [smem:$0x3FA2]  }
0x28: {  	s2 =	sld [smem:$0x3FA3]  }
0x29: {  	s4 =	sld [smem:$0x3FA5]  }
0x2a: {  	p0 =	seq.s32 s5, $0x0;
	s5 =	sld [smem:$0x3FA6]  }
0x2b: {  	s6 =	sld [smem:$0x3FA7]  }
0x2c: {  	s7 =	sld [smem:$0x3FA8]  }
0x2d: {  	s3 =	simm.s32 $0x108;
	s8 =	sld [smem:$0x3FA9]  }
0x2e: {  	s3 =	simm.s32 @!p0 $0x1082;
	s9 =	sld [smem:$0x3FAA]  }
0x2f: {  	lr =	sadd.s32 s0, s3;
	s0 =	sld [smem:$0x3FA1]  }
0x30: {  	s3 =	sld [smem:$0x3FA4]  }
0x31: {  	[smem:$0x3FAD] =	sst s10  }
0x32: {  	s10 =	sld [smem:$0x3FAB];
	_ =	sdelay $0x3  }
0x33: {  	p0 =	seq.s32 s10, $0x1;
	s10 =	sld [smem:$0x3FAD];
	_ =	sdelay $0x3  }
0x34: {  	[smem:$0x3FAD] =	sst s10  }
0x35: {  	s10 =	sld [smem:$0x3FAC];
	_ =	sdelay $0x3  }
0x36: {  	p1 =	seq.s32 s10, $0x1;
	s10 =	sld [smem:$0x3FAD];
	_ =	sdelay $0x3  }
0x37: {  	[smem:$0x3FAD] =	sst s10  }
0x38: {  	s10 =	sld [smem:$0x3FAE]  }
0x39: {  	_ = 	snop;
	(pc) =	sbr.ind lr, $3  }
0x3a: {  	_ = 	snop  }
0x3b: {  	_ = 	snop  }
0x3c: {  	p2 =	seq.s32 s10, $0x1;
	s10 =	sld [smem:$0x3FAD]  }
0x3d: {  	_ =	shalt  }
0x3e: {  	_ =	shalt  }
0x3f: {  	_ =	shalt  }
0x40: {  	_ =	shalt  }
0x41: {  	_ =	shalt  }
0x42: {  	_ =	shalt  }
0x43: {  	_ =	shalt  }
0x44: {  	_ =	shalt  }
0x45: {  	_ =	shalt  }
0x46: {  	_ =	shalt  }
0x47: {  	_ =	shalt  }
0x48: {  	_ =	shalt  }
0x49: {  	_ =	shalt  }
0x4a: {  	_ =	shalt  }
0x4b: {  	_ =	shalt  }
0x4c: {  	_ =	shalt  }
0x4d: {  	_ =	shalt  }
0x4e: {  	_ =	shalt  }
0x4f: {  	_ =	shalt  }
0x50: {  	_ =	shalt  }
0x51: {  	_ =	shalt  }
0x52: {  	_ =	shalt  }
0x53: {  	_ =	shalt  }
0x54: {  	_ =	shalt  }
0x55: {  	_ =	shalt  }
0x56: {  	_ =	shalt  }
0x57: {  	_ =	shalt  }
0x58: {  	_ =	shalt  }
0x59: {  	_ =	shalt  }
0x5a: {  	_ =	shalt  }
0x5b: {  	_ =	shalt  }
0x5c: {  	_ =	shalt  }
0x5d: {  	_ =	shalt  }
0x5e: {  	_ =	shalt  }
0x5f: {  	_ =	shalt  }
0x60: {  	_ =	shalt  }
0x61: {  	_ =	shalt  }
0x62: {  	_ =	shalt  }
0x63: {  	_ =	shalt  }
0x64: {  	_ =	shalt  }
0x65: {  	_ =	shalt  }
0x66: {  	_ =	shalt  }
0x67: {  	_ =	shalt  }
0x68: {  	_ =	shalt  }
0x69: {  	_ =	shalt  }
0x6a: {  	_ =	shalt  }
0x6b: {  	_ =	shalt  }
0x6c: {  	_ =	shalt  }
0x6d: {  	_ =	shalt  }
0x6e: {  	_ =	shalt  }
0x6f: {  	_ =	shalt  }
0x70: {  	_ =	shalt  }
0x71: {  	_ =	shalt  }
0x72: {  	_ =	shalt  }
0x73: {  	_ =	shalt  }
0x74: {  	_ =	shalt  }
0x75: {  	_ =	shalt  }
0x76: {  	_ =	shalt  }
0x77: {  	_ =	shalt  }
0x78: {  	_ =	shalt  }
0x79: {  	_ =	shalt  }
0x7a: {  	_ =	shalt  }
0x7b: {  	_ =	shalt  }
0x7c: {  	_ =	shalt  }
0x7d: {  	_ =	shalt  }
0x7e: {  	_ =	shalt  }
0x7f: {  	_ =	shalt  }
0x80: {  	_ =	shalt  }
0x81: {  	_ =	shalt  }
0x82: {  	_ =	shalt  }
0x83: {  	_ =	shalt  }
0x84: {  	_ =	shalt  }
0x85: {  	_ =	shalt  }
0x86: {  	_ =	shalt  }
0x87: {  	_ =	shalt  }
.Lfunc_end0:
.L_simem_size_0:
called_computation.3_lowered:
.L_overlay_start_0:
0x88: {  	s2 =	sld [smem:$0x3FD9]  }
0x89: {  	s3 =	sld [smem:$0x3FFE];
	_ =	sdelay $0x1  }
0x8a: {  	s1 =	srdreg.scid  }
0x8b: {  	s0 =	sand.u32 $0x1, s1  }
0x8c: {  	s17 =	sshll.u32 s0, $0xA;
	s2 =	sadd.s32 s3, s2  }
0x8d: {  	s2 =	sadd.s32 s2, s17  }
0x8e: {  	[smem:$0x3FB9] =	sst s2  }
0x8f: {  	_ = 	snop  }
0x90: {  	s2 =	sld [smem:$0x3FD0];
	(tm) =	ssettm $0x1  }
0x91: {  	s18 =	sld [smem:$0x3FFB];
	_ =	sdelay $0x3  }
0x92: {  	_ =	strace s18  }
0x93: {  	s3 =	sld [smem:$0x3FFC];
	_ =	sdelay $0x3  }
0x94: {  	_ =	strace s3  }
0x95: {  	s3 =	sld [smem:$0x3FFD];
	_ =	sdelay $0x3  }
0x96: {  	_ =	strace s3  }
0x97: {  	_ =	strace $0x8FFFFFFF  }
0x98: {  	s19 =	sld [smem:$0x3FDB];
	_ =	sdelay $0x1  }
0x99: {  	s4 =	simm.s32 $_scs_section_size  }
0x9a: {  	s5 =	simm.s32 $_size__tile_overlayer_lowered;
	s6 =	simm.s32 $_tile_overlayer_lowered  }
0x9b: {  	s22 =	simm.s32 $0x1BFF;
	s21 =	sshll.u32 s6, $0x1;
	s3 =	sadd.s32 s4, s19  }
0x9c: {  	s7 =	simm.s32 $0x0;
	s20 =	sshll.u32 s5, $0x1;
	s5 =	sadd.s32 s21, s3  }
0x9d: {  	[timem:s7], [sflag:s22] =	dma.local [hbm:s5], s20  }
0x9e: {  	_ =	swait.ge [sflag:s22], s20  }
0x9f: {  	s4 =	ssub.s32 $0x0, s20;
	[sflag:s22] =	ssyncset.done $0x0  }
0xa0: {  	[sflag:s22] =	ssyncadd.s32 s4;
	_ =	sdelay $0x1  }
0xa1: {  	s23 =	simm.s32 $0x1B8B  }
0xa2: {  	_ =	swait.ge [sflag:s23], $0x1  }
0xa3: {  	[sflag:s23] =	ssyncset.done $0x0  }
0xa4: {  	s25 =	simm.s32 $0x1B8E;
	s24 =	sld [smem:$0x3FFE];
	[sflag:s23] =	ssyncadd.s32 $0xFFFFFFFF  }
0xa5: {  	s26 =	simm.s32 $execute0_lowered;
	[smem:$0x3FD2] =	sst s25  }
0xa6: {  	s5 =	sshll.u32 s26, $0x1;
	_ =	strace $0x8000004F;
	[dreg:$0x1] =	wrdreg $0xFFFFFFFF  }
0xa7: {  	s28 =	simm.s32 $_size_execute0_lowered;
	s3 =	sadd.s32 s3, s5;
	[dreg:$0x0] =	wrdreg $0x0  }
0xa8: {  	s5 =	sshll.u32 s28, $0x1;
	[dreg:$0x2] =	wrdreg s3  }
0xa9: {  	[dreg:$0x3] =	wrdreg s5  }
0xaa: {  	[dreg:$0x4] =	wrdreg $0xC0  }
0xab: {  	_ =	task [dreg:s7], $0x5FFFF  }
0xac: {  	[dreg:$0x1] =	wrdreg $0xFFFFFFFF  }
0xad: {  	[dreg:$0x0] =	wrdreg $0x60  }
0xae: {  	[dreg:$0x2] =	wrdreg s2  }
0xaf: {  	[dreg:$0x3] =	wrdreg s24  }
0xb0: {  	[dreg:$0x4] =	wrdreg $0x0  }
0xb1: {  	[dreg:$0x5] =	wrdreg $0x9  }
0xb2: {  	_ =	task.clear_ibuf [dreg:s7], $0x6FFFF;
	_ =	strace $0x9000004F  }
0xb3: {  	s29 =	simm.s32 $0x9;
	_ =	strace $0x80000051  }
0xb4: {  	_ =	swait.ge [sflag:s29], $0x1  }
0xb5: {  	[sflag:s29] =	ssyncadd.s32 $0xFFFFFFFF  }
0xb6: {  	_ =	strace $0x90000051  }
0xb7: {  	_ =	sfence  }
0xb8: {  	s30 =	sld [smem:$0x0];
	_ =	sdelay $0x2  }
0xb9: {  	s31 =	sshll.u32 s1, $0xD;
	s1 =	sshrl.u32 s1, $0x2  }
0xba: {  	s3 =	sand.u32 $0x4000, s31;
	s1 =	sadd.s32 s1, s30  }
0xbb: {  	s0 =	sor.u32 s3, s0;
	s1 =	sshll.u32 s1, $0x11  }
0xbc: {  	s0 =	sor.u32 s1, s0  }
0xbd: {  	s0 =	sadd.s32 $0x8F2B, s0  }
0xbe: {  	[sflag:s0] =	ssyncadd.remote.s32 $0x1  }
0xbf: {  	_ =	sfence.sel $0xFFFF  }
0xc0: {  	[dreg:$0x0] =	wrdreg $0xFFFFFFFF;
	(pc) =	sbr.abs _section_cstart, $3  }
0xc1: {  	[dreg:$0x1] =	wrdreg $0xFFFFFFFF  }
0xc2: {  	_ =	task.clear_ibuf [dreg:s7], $0x2FFFF;
	_ =	strace $0x9FFFFFFF  }
0xc3: {  	(tm) =	ssettm $0x7FFFFFFF  }
tec
execute0_lowered:
.L_overlay_start_1:
0x0: {  	(tag) =	ssettag $0x1  }
0x1: {  	s2 =	rddreg [dreg:$0x0]  }
0x2: {  	s7 =	rddreg [dreg:$0x1]  }
0x3: {  	s3 =	rddreg [dreg:$0x2];
	s4 =	srdreg.scid  }
0x4: {  	s1 =	stileid.u32;
	s0 =	rddreg [dreg:$0x3]  }
0x5: {  	s17 =	simm.s32 $0xC350;
	s18 =	simm.s32 $0x50;
	s19 =	simm.s32 $0xEA60  }
0x6: {  	s20 =	simm.s32 $0xFE60;
	s21 =	simm.s32 $0x1;
	s22 =	simm.s32 $0x2  }
0x7: {  	s23 =	simm.s32 $0xEA10;
	s24 =	simm.s32 $0x0;
	s6 =	sand.u32 $0x1, s4  }
0x8: {  	s5 =	sshll.u32 s1, $0x1;
	s4 =	simm.s32 $0x0;
	s8 =	smul.u32 $0x9C00, s1  }
0x9: {  	s11 =	sadd.s32 $0x2AC00, s7;
	s13 =	smul.u32 $0x1380, s1;
	s31 =	sshll.u32 s1, $0x6  }
0xa: {  	s16 =	sadd.s32 $0x9C000, s3;
	p0 =	sne.s32 s1, $0xF;
	s30 =	smul.u32 $0x13880, s6  }
0xb: {  	s5 =	sor.u32 s6, s5;
	[smem:$0x7FF] =	sst s4;
	s15 =	smul.u32 $0x9C400, s6  }
0xc: {  	s29 =	ssub.s32 $0x2, s6;
	s6 =	sor.u32 $0x1C03, s31;
	s5 =	smul.u32 $0x4E2, s5  }
0xd: {  	_ =	strace $0x80000050;
	s9 =	sshrl.u32 s8, $0x3;
	s12 =	sshrl.u32 s29, $0x1  }
0xe: {  	s14 =	sadd.s32 s8, s3;
	s28 =	sadd.s32 s9, s7;
	s12 =	ssub.s32 s29, s12  }
0xf: {  	s13 =	sadd.s32 s13, s30;
	s15 =	sshrl.u32 s15, $0x3;
	s10 =	sadd.s32 s5, s7  }
0x10: {  	s5 =	sadd.s32 $0x17200, s28;
	s7 =	sadd.s32 $0x2AA00, s7;
	s12 =	smax.u32 s12, $0x1  }
0x11: {  	s8 =	sadd.s32 $0x3600, s10;
	s9 =	sadd.s32 $0xD400, s10;
	s10 =	sadd.s32 s11, s13  }
0x12: {  	s11 =	sadd.s32 s11, s15;
	s13 =	sshrl.u32 s14, $0x3;
	s14 =	simm.s32 $0x3  }
0x13: {  	s15 =	sshrl.u32 @!p0 s16, $0x3;
	s16 =	simm.s32 $0x9C40;
	s11 =	sadd.s32 $0x13800, s11  }
.LBB2_1:
0x14: {  	[spmem:s13], [sflag:s6] =	dma.local [hbm:s5], $0x1380  }
0x15: {  	_ =	swait.ge [sflag:s14], $0x1380  }
0x16: {  	[sflag:s14] =	ssyncset.done $0x0  }
0x17: {  	s25 =	simm.s32 @!p0 $0x3;
	[sflag:s14] =	ssyncadd.s32 $0xFFFFEC80  }
0x18: {  	[spmem:s15], [sflag:s6] =	dma.local @!p0 [hbm:s7], $0x80  }
0x19: {  	_ =	swait.ge @!p0 [sflag:s25], $0x80  }
0x1a: {  	[sflag:s25] =	ssyncset.done @!p0 $0x0  }
0x1b: {  	[sflag:s25] =	ssyncadd.s32 @!p0 $0xFFFFFF80  }
0x1c: {  	[tilespmem:s16], [sflag:$0x3] =	stream.linear.gather [hbm4b:s8+s4], $0x2710, $0x38;
	[tilespmem:$0x11260] =	vst v63  }
0x1d: {  	_ =	swait.ge [sflag:s14], $0x2710  }
0x1e: {  	[sflag:s14] =	ssyncset.done $0x0  }
0x1f: {  	[sflag:s14] =	ssyncadd.s32 $0xFFFFD8F0  }
0x20: {  	[tilespmem:s17], [sflag:$0x3] =	stream.linear.gather [hbm4b:s9+s4], $0x2710, $0x38;
	[tilespmem:$0x11260] =	vst v63  }
0x21: {  	_ =	swait.ge [sflag:s14], $0x2710  }
0x22: {  	[sflag:s14] =	ssyncset.done $0x0  }
0x23: {  	[sflag:s14] =	ssyncadd.s32 $0xFFFFD8F0  }
0x24: {  	[bflag:$0x0] =	sbarrier.arrive $0xFFFF  }
0x25: {  	[tilespmem:s19], [sflag:$0x1] =	stream.indirect.gather [hbm4b:s2+s18], $0x40, s16, s18, $0xb8;
	[tilespmem:$0x11260] =	vst v63  }
0x26: {  	s28 =	simm.s32 $0x9C90  }
0x27: {  	[tilespmem:s20], [sflag:$0x2] =	stream.indirect.gather [hbm4b:s2+s18], $0x40, s28, s18, $0xb8;
	[tilespmem:$0x11260] =	vst v63  }
0x28: {  	_ =	swait.ge [sflag:s21], $0x1400  }
0x29: {  	[sflag:s21] =	ssyncset.done $0x0  }
0x2a: {  	s29 =	simm.s32 $0xC350;
	[sflag:s21] =	ssyncadd.s32 $0xFFFFEC00  }
0x2b: {  	[spmem:s3] =	stream.indirect.scatter.add.f32 [tilespmem:s19], [sflag:$0x3], $0x40, s29, s18, $0xb8;
	[tilespmem:$0x11260] =	vst v63  }
0x2c: {  	_ =	swait.ge [sflag:s14], $0x1400  }
0x2d: {  	[sflag:s14] =	ssyncset.done $0x0  }
0x2e: {  	s30 =	simm.s32 $0x9CE0;
	[sflag:s14] =	ssyncadd.s32 $0xFFFFEC00  }
0x2f: {  	[tilespmem:s19], [sflag:$0x1] =	stream.indirect.gather [hbm4b:s2+s18], $0x40, s30, s18, $0xb8;
	[tilespmem:$0x11260] =	vst v63  }
0x30: {  	_ =	swait.ge [sflag:s22], $0x1400  }
0x31: {  	[sflag:s22] =	ssyncset.done $0x0  }
0x32: {  	s31 =	simm.s32 $0xC3A0;
	[sflag:s22] =	ssyncadd.s32 $0xFFFFEC00  }
0x33: {  	[spmem:s3] =	stream.indirect.scatter.add.f32 [tilespmem:s20], [sflag:$0x3], $0x40, s31, s18, $0xb8;
	[tilespmem:$0x11260] =	vst v63  }
0x34: {  	_ =	swait.ge [sflag:s14], $0x1400  }
0x35: {  	s26 =	simm.s32 $0x500;
	s25 =	simm.s32 $0xA0;
	[sflag:s14] =	ssyncset.done $0x0  }
.LBB2_2:
0x36: {  	s28 =	sadd.s32 $0x9C90, s25  }
0x37: {  	[sflag:s14] =	ssyncadd.s32 $0xFFFFEC00;
	s29 =	smov.u32 s26;
	s30 =	sadd.s32 $0x280, s26  }
0x38: {  	[tilespmem:s20], [sflag:$0x2] =	stream.indirect.gather [hbm4b:s2+s18], $0x40, s28, s18, $0xb8;
	[tilespmem:$0x11260] =	vst v63  }
0x39: {  	p1 =	sne.s32 s26, $0x9880;
	_ =	swait.ge [sflag:s21], $0x1400  }
0x3a: {  	[sflag:s21] =	ssyncset.done $0x0  }
0x3b: {  	s26 =	sadd.s32 $0xC350, s25;
	[sflag:s21] =	ssyncadd.s32 $0xFFFFEC00  }
0x3c: {  	[spmem:s3] =	stream.indirect.scatter.add.f32 [tilespmem:s19], [sflag:$0x3], $0x40, s26, s18, $0xb8;
	[tilespmem:$0x11260] =	vst v63  }
0x3d: {  	_ =	swait.ge [sflag:s14], $0x1400  }
0x3e: {  	[sflag:s14] =	ssyncset.done $0x0  }
0x3f: {  	s26 =	sadd.s32 $0x9CE0, s25;
	[sflag:s14] =	ssyncadd.s32 $0xFFFFEC00  }
0x40: {  	[tilespmem:s19], [sflag:$0x1] =	stream.indirect.gather [hbm4b:s2+s18], $0x40, s26, s18, $0xb8;
	[tilespmem:$0x11260] =	vst v63  }
0x41: {  	_ =	swait.ge [sflag:s22], $0x1400  }
.Ltmp0:
0x42: {  	[sflag:s22] =	ssyncset.done $0x0;
	(pc) =	sbr.rel @p1 .LBB2_2-.Ltmp0, $4  }
0x43: {  	s25 =	sadd.s32 $0xC3A0, s25;
	[sflag:s22] =	ssyncadd.s32 $0xFFFFEC00  }
0x44: {  	[spmem:s3] =	stream.indirect.scatter.add.f32 [tilespmem:s20], [sflag:$0x3], $0x40, s25, s18, $0xb8;
	[tilespmem:$0x11260] =	vst v63  }
0x45: {  	_ =	swait.ge [sflag:s14], $0x1400  }
0x46: {  	s26 =	smov.u32 s30;
	s25 =	sshra.s32 s29, $0x2;
	[sflag:s14] =	ssyncset.done $0x0  }
0x47: {  	s26 =	sadd.s32 $0x9C90, s25;
	[sflag:s14] =	ssyncadd.s32 $0xFFFFEC00  }
0x48: {  	[tilespmem:s20], [sflag:$0x2] =	stream.indirect.gather [hbm4b:s2+s18], $0x40, s26, s18, $0xb8;
	[tilespmem:$0x11260] =	vst v63  }
0x49: {  	_ =	swait.ge [sflag:s21], $0x1400  }
0x4a: {  	[sflag:s21] =	ssyncset.done $0x0  }
0x4b: {  	s29 =	sadd.s32 $0xC350, s25;
	[sflag:s21] =	ssyncadd.s32 $0xFFFFEC00  }
0x4c: {  	[spmem:s3] =	stream.indirect.scatter.add.f32 [tilespmem:s19], [sflag:$0x3], $0x40, s29, s18, $0xb8;
	[tilespmem:$0x11260] =	vst v63  }
0x4d: {  	_ =	swait.ge [sflag:s14], $0x1400  }
0x4e: {  	[sflag:s14] =	ssyncset.done $0x0  }
0x4f: {  	s30 =	sadd.s32 $0x9CE0, s25;
	[sflag:s14] =	ssyncadd.s32 $0xFFFFEC00  }
0x50: {  	[tilespmem:s19], [sflag:$0x1] =	stream.indirect.gather [hbm4b:s2+s18], $0x40, s30, s18, $0xb8;
	[tilespmem:$0x11260] =	vst v63  }
0x51: {  	_ =	swait.ge [sflag:s22], $0x1400  }
0x52: {  	[sflag:s22] =	ssyncset.done $0x0  }
0x53: {  	s31 =	sadd.s32 $0xC3A0, s25;
	[sflag:s22] =	ssyncadd.s32 $0xFFFFEC00  }
0x54: {  	[spmem:s3] =	stream.indirect.scatter.add.f32 [tilespmem:s20], [sflag:$0x3], $0x40, s31, s18, $0xb8;
	[tilespmem:$0x11260] =	vst v63  }
0x55: {  	_ =	swait.ge [sflag:s14], $0x1400  }
0x56: {  	[sflag:s14] =	ssyncset.done $0x0  }
0x57: {  	[sflag:s14] =	ssyncadd.s32 $0xFFFFEC00  }
0x58: {  	_ =	swait.ge [sflag:s21], $0x1400  }
0x59: {  	[sflag:s21] =	ssyncset.done $0x0  }
0x5a: {  	[sflag:s21] =	ssyncadd.s32 $0xFFFFEC00  }
0x5b: {  	[spmem:s3] =	stream.indirect.scatter.add.f32 [tilespmem:s19], [sflag:$0x3], $0x40, s23, s18, $0xb8;
	[tilespmem:$0x11260] =	vst v63  }
0x5c: {  	_ =	swait.ge [sflag:s14], $0x1400  }
0x5d: {  	[sflag:s14] =	ssyncset.done $0x0  }
0x5e: {  	[sflag:s14] =	ssyncadd.s32 $0xFFFFEC00  }
0x5f: {  	[bflag:$0x0] =	sbarrier.arrive $0xFFFF  }
0x60: {  	[hbm:s10], [sflag:s6] =	dma.local [spmem:s13], $0x1380  }
0x61: {  	s24 =	sadd.s32 $0x1, s24;
	_ =	swait.ge [sflag:s14], $0x1380  }
0x62: {  	p1 =	sne.s32 s24, s12;
	[sflag:s14] =	ssyncset.done $0x0  }
.Ltmp1:
0x63: {  	s25 =	simm.s32 @!p0 $0x3;
	[sflag:s14] =	ssyncadd.s32 $0xFFFFEC80;
	(pc) =	sbr.rel @p1 .LBB2_1-.Ltmp1, $4  }
0x64: {  	[hbm:s11], [sflag:s6] =	dma.local @!p0 [spmem:s15], $0x80  }
0x65: {  	_ =	swait.ge @!p0 [sflag:s25], $0x80  }
0x66: {  	[sflag:s25] =	ssyncset.done @!p0 $0x0  }
0x67: {  	[sflag:s25] =	ssyncadd.s32 @!p0 $0xFFFFFF80  }
0x68: {  	_ =	sfence.sel $0x180000  }
0x69: {  	[bflag:$0x0] =	sbarrier.arrive $0xFFFF  }
0x6a: {  	p0 =	sne.s32 s1, $0x0;
	_ =	strace $0x90000050  }
0x6b: {  	s0 =	sadd.s32 @!p0 $0x100000, s0;
	[bflag:$0x2] =	sbarrier.arrive $0xFFFF  }
0x6c: {  	[sflag:s0] =	ssyncadd.tile.s32 @!p0 $0x1;
	_ =	shalt  }
.Lfunc_end2:
_tile_overlayer_lowered:
.L_overlay_start_2:
0x6d: {  	(tag) =	ssettag $0x2  }
0x6e: {  	s0 =	rddreg [dreg:$0x0];
	s2 =	stileid.u32  }
0x6f: {  	s1 =	rddreg [dreg:$0x1];
	p0 =	sne.s32 s2, $0x0  }
0x70: {  	s3 =	rddreg [dreg:$0x2];
	[bflag:$0x3] =	sbarrier.arrive $0xFFFF;
	s2 =	simm.s32 @!p0 $0x1C03  }
0x71: {  	[timem:s3], [sflag:s2] =	dma.local @!p0 [hbm:s0], s1  }
0x72: {  	s0 =	simm.s32 @!p0 $0x3  }
0x73: {  	_ =	swait.ge @!p0 [sflag:s0], s1  }
0x74: {  	s1 =	ssub.s32 @!p0 $0x0, s1;
	[sflag:s0] =	ssyncset.done @!p0 $0x0  }
0x75: {  	[sflag:s0] =	ssyncadd.s32 @!p0 s1  }
0x76: {  	[bflag:$0x3] =	sbarrier.arrive $0xFFFF  }
0x77: {  	_ =	shalt  }

// kernel: kernel.24.cloned.1.call-start
scs
__scs_entry_jumppad:
0x0: {  	(pc) =	sbr.rel $0x88, $3  }
0x1: {  	(tag) =	ssettag $0x0;
	lr =	simm.s32 $0x1  }
0x2: {  	[smem:$0x3F92] =	sst lr;
	_ =	strace $0xD0000000  }
0x3: {  	_ = 	snop  }
0x4: {  	_ = 	snop  }
0x5: {  	_ = 	snop  }
0x6: {  	_ = 	snop  }
0x7: {  	_ = 	snop  }
__scs_overlays_trampoline_lowered:
0x8: {  	[smem:$0x3FA1] =	sst s0  }
0x9: {  	[smem:$0x3FA2] =	sst s1  }
0xa: {  	[smem:$0x3FA3] =	sst s2  }
0xb: {  	[smem:$0x3FA4] =	sst s3  }
0xc: {  	[smem:$0x3FA5] =	sst s4  }
0xd: {  	[smem:$0x3FA6] =	sst s5  }
0xe: {  	[smem:$0x3FA7] =	sst s6  }
0xf: {  	[smem:$0x3FA8] =	sst s7  }
0x10: {  	[smem:$0x3FA9] =	sst s8  }
0x11: {  	[smem:$0x3FAA] =	sst s9;
	s0 =	simm.s32 @!p0 $0x0  }
0x12: {  	s1 =	sld [smem:$0x3F90];
	s0 =	simm.s32 @p0 $0x1  }
0x13: {  	[smem:$0x3FAB] =	sst s0;
	s0 =	simm.s32 @!p1 $0x0  }
0x14: {  	s2 =	sld [smem:$0x3F8F];
	s0 =	simm.s32 @p1 $0x1  }
0x15: {  	[smem:$0x3FAC] =	sst s0;
	s0 =	simm.s32 @!p2 $0x0  }
0x16: {  	s3 =	sld [smem:$0x3FDB];
	s0 =	simm.s32 @p2 $0x1  }
0x17: {  	s4 =	simm.s32 $0x1BF5;
	[smem:$0x3FAE] =	sst s0  }
0x18: {  	s0 =	sld [smem:$0x3F91];
	_ =	swait.ge [sflag:s4], $0x0  }
0x19: {  	s7 =	sld [smem:$0x3F92]  }
0x1a: {  	s8 =	sadd.s32 $0xFFFFE003, lr  }
0x1b: {  	s9 =	sadd.s32 $0xFFFFFEF7, lr;
	s5 =	simm.s32 $0xFFFFFFFF;
	p2 =	slt.u32 s8, $0xFFFFF086  }
0x1c: {  	p1 =	slt.u32 s9, $0xF7A;
	s5 =	simm.s32 @!p2 $0x0  }
0x1d: {  	s5 =	simm.s32 @p1 $0x1;
	p0 =	seq.s32 s7, s2  }
0x1e: {  	s7 =	smul.u32 @!p0 $0xF7A, s2;
	p2 =	seq.s32 @!p0 s5, $0x0  }
0x1f: {  	s9 =	smul.u32 $0xF7A, s1;
	s8 =	simm.s32 @!p0 $0x1BF5;
	p2 =	por !p2, p0  }
0x20: {  	[sflag:s8] =	ssyncset.s32 @!p0 $0xFFFFF086;
	s6 =	sadd.s32 @!p0 s3, s7;
	s7 =	simm.s32 @!p0 $0x108  }
0x21: {  	s3 =	sadd.s32 s3, s9;
	s6 =	sadd.s32 @!p0 $0x88, s6;
	s7 =	simm.s32 @p2 $0x1082  }
0x22: {  	[simem:s7], [sflag:s8] =	dma.local @!p0 [hbm:s6], $0xF7A  }
0x23: {  	s9 =	sor.u32 $0xD0000000, s2;
	s6 =	simm.s32 $0x108;
	_ =	swait.ge @!p0 [sflag:s8], $0x0  }
0x24: {  	s3 =	sadd.s32 $0x88, s3;
	s6 =	simm.s32 @!p1 $0x1082;
	[sflag:s4] =	ssyncset.s32 $0xFFFFF086  }
0x25: {  	[simem:s6], [sflag:s4] =	dma.local [hbm:s3], $0xF7A  }
0x26: {  	[smem:$0x3F92] =	sst s1;
	(tag) =	ssettag s2;
	_ =	strace s9  }
0x27: {  	s1 =	sld [smem:$0x3FA2]  }
0x28: {  	s2 =	sld [smem:$0x3FA3]  }
0x29: {  	s4 =	sld [smem:$0x3FA5]  }
0x2a: {  	p0 =	seq.s32 s5, $0x0;
	s5 =	sld [smem:$0x3FA6]  }
0x2b: {  	s6 =	sld [smem:$0x3FA7]  }
0x2c: {  	s7 =	sld [smem:$0x3FA8]  }
0x2d: {  	s3 =	simm.s32 $0x108;
	s8 =	sld [smem:$0x3FA9]  }
0x2e: {  	s3 =	simm.s32 @!p0 $0x1082;
	s9 =	sld [smem:$0x3FAA]  }
0x2f: {  	lr =	sadd.s32 s0, s3;
	s0 =	sld [smem:$0x3FA1]  }
0x30: {  	s3 =	sld [smem:$0x3FA4]  }
0x31: {  	[smem:$0x3FAD] =	sst s10  }
0x32: {  	s10 =	sld [smem:$0x3FAB];
	_ =	sdelay $0x3  }
0x33: {  	p0 =	seq.s32 s10, $0x1;
	s10 =	sld [smem:$0x3FAD];
	_ =	sdelay $0x3  }
0x34: {  	[smem:$0x3FAD] =	sst s10  }
0x35: {  	s10 =	sld [smem:$0x3FAC];
	_ =	sdelay $0x3  }
0x36: {  	p1 =	seq.s32 s10, $0x1;
	s10 =	sld [smem:$0x3FAD];
	_ =	sdelay $0x3  }
0x37: {  	[smem:$0x3FAD] =	sst s10  }
0x38: {  	s10 =	sld [smem:$0x3FAE]  }
0x39: {  	_ = 	snop;
	(pc) =	sbr.ind lr, $3  }
0x3a: {  	_ = 	snop  }
0x3b: {  	_ = 	snop  }
0x3c: {  	p2 =	seq.s32 s10, $0x1;
	s10 =	sld [smem:$0x3FAD]  }
0x3d: {  	_ =	shalt  }
0x3e: {  	_ =	shalt  }
0x3f: {  	_ =	shalt  }
0x40: {  	_ =	shalt  }
0x41: {  	_ =	shalt  }
0x42: {  	_ =	shalt  }
0x43: {  	_ =	shalt  }
0x44: {  	_ =	shalt  }
0x45: {  	_ =	shalt  }
0x46: {  	_ =	shalt  }
0x47: {  	_ =	shalt  }
0x48: {  	_ =	shalt  }
0x49: {  	_ =	shalt  }
0x4a: {  	_ =	shalt  }
0x4b: {  	_ =	shalt  }
0x4c: {  	_ =	shalt  }
0x4d: {  	_ =	shalt  }
0x4e: {  	_ =	shalt  }
0x4f: {  	_ =	shalt  }
0x50: {  	_ =	shalt  }
0x51: {  	_ =	shalt  }
0x52: {  	_ =	shalt  }
0x53: {  	_ =	shalt  }
0x54: {  	_ =	shalt  }
0x55: {  	_ =	shalt  }
0x56: {  	_ =	shalt  }
0x57: {  	_ =	shalt  }
0x58: {  	_ =	shalt  }
0x59: {  	_ =	shalt  }
0x5a: {  	_ =	shalt  }
0x5b: {  	_ =	shalt  }
0x5c: {  	_ =	shalt  }
0x5d: {  	_ =	shalt  }
0x5e: {  	_ =	shalt  }
0x5f: {  	_ =	shalt  }
0x60: {  	_ =	shalt  }
0x61: {  	_ =	shalt  }
0x62: {  	_ =	shalt  }
0x63: {  	_ =	shalt  }
0x64: {  	_ =	shalt  }
0x65: {  	_ =	shalt  }
0x66: {  	_ =	shalt  }
0x67: {  	_ =	shalt  }
0x68: {  	_ =	shalt  }
0x69: {  	_ =	shalt  }
0x6a: {  	_ =	shalt  }
0x6b: {  	_ =	shalt  }
0x6c: {  	_ =	shalt  }
0x6d: {  	_ =	shalt  }
0x6e: {  	_ =	shalt  }
0x6f: {  	_ =	shalt  }
0x70: {  	_ =	shalt  }
0x71: {  	_ =	shalt  }
0x72: {  	_ =	shalt  }
0x73: {  	_ =	shalt  }
0x74: {  	_ =	shalt  }
0x75: {  	_ =	shalt  }
0x76: {  	_ =	shalt  }
0x77: {  	_ =	shalt  }
0x78: {  	_ =	shalt  }
0x79: {  	_ =	shalt  }
0x7a: {  	_ =	shalt  }
0x7b: {  	_ =	shalt  }
0x7c: {  	_ =	shalt  }
0x7d: {  	_ =	shalt  }
0x7e: {  	_ =	shalt  }
0x7f: {  	_ =	shalt  }
0x80: {  	_ =	shalt  }
0x81: {  	_ =	shalt  }
0x82: {  	_ =	shalt  }
0x83: {  	_ =	shalt  }
0x84: {  	_ =	shalt  }
0x85: {  	_ =	shalt  }
0x86: {  	_ =	shalt  }
0x87: {  	_ =	shalt  }
.Lfunc_end0:
.L_simem_size_0:
called_computation.4_lowered:
.L_overlay_start_0:
0x88: {  	s2 =	sld [smem:$0x3FD9]  }
0x89: {  	s3 =	sld [smem:$0x3FFE];
	_ =	sdelay $0x1  }
0x8a: {  	s1 =	srdreg.scid  }
0x8b: {  	s0 =	sand.u32 $0x1, s1  }
0x8c: {  	s17 =	sshll.u32 s0, $0xA;
	s2 =	sadd.s32 s3, s2  }
0x8d: {  	s2 =	sadd.s32 s2, s17  }
0x8e: {  	[smem:$0x3FB9] =	sst s2  }
0x8f: {  	_ = 	snop  }
0x90: {  	s2 =	sld [smem:$0x3FD0];
	(tm) =	ssettm $0x1  }
0x91: {  	s18 =	sld [smem:$0x3FFB];
	_ =	sdelay $0x3  }
0x92: {  	_ =	strace s18  }
0x93: {  	s3 =	sld [smem:$0x3FFC];
	_ =	sdelay $0x3  }
0x94: {  	_ =	strace s3  }
0x95: {  	s3 =	sld [smem:$0x3FFD];
	_ =	sdelay $0x3  }
0x96: {  	_ =	strace s3  }
0x97: {  	_ =	strace $0x8FFFFFFF  }
0x98: {  	s19 =	sld [smem:$0x3FDB];
	_ =	sdelay $0x1  }
0x99: {  	s4 =	simm.s32 $_scs_section_size  }
0x9a: {  	s5 =	simm.s32 $_size__tile_overlayer_lowered;
	s6 =	simm.s32 $_tile_overlayer_lowered  }
0x9b: {  	s22 =	simm.s32 $0x1BFF;
	s21 =	sshll.u32 s6, $0x1;
	s3 =	sadd.s32 s4, s19  }
0x9c: {  	s7 =	simm.s32 $0x0;
	s20 =	sshll.u32 s5, $0x1;
	s5 =	sadd.s32 s21, s3  }
0x9d: {  	[timem:s7], [sflag:s22] =	dma.local [hbm:s5], s20  }
0x9e: {  	_ =	swait.ge [sflag:s22], s20  }
0x9f: {  	s4 =	ssub.s32 $0x0, s20;
	[sflag:s22] =	ssyncset.done $0x0  }
0xa0: {  	[sflag:s22] =	ssyncadd.s32 s4;
	_ =	sdelay $0x1  }
0xa1: {  	s23 =	simm.s32 $0x1B8B  }
0xa2: {  	_ =	swait.ge [sflag:s23], $0x1  }
0xa3: {  	[sflag:s23] =	ssyncset.done $0x0  }
0xa4: {  	s25 =	simm.s32 $0x1B8E;
	s24 =	sld [smem:$0x3FFE];
	[sflag:s23] =	ssyncadd.s32 $0xFFFFFFFF  }
0xa5: {  	s26 =	simm.s32 $execute0_lowered;
	[smem:$0x3FD2] =	sst s25  }
0xa6: {  	s5 =	sshll.u32 s26, $0x1;
	_ =	strace $0x80000052;
	[dreg:$0x1] =	wrdreg $0xFFFFFFFF  }
0xa7: {  	s28 =	simm.s32 $_size_execute0_lowered;
	s3 =	sadd.s32 s3, s5;
	[dreg:$0x0] =	wrdreg $0x0  }
0xa8: {  	s5 =	sshll.u32 s28, $0x1;
	[dreg:$0x2] =	wrdreg s3  }
0xa9: {  	[dreg:$0x3] =	wrdreg s5  }
0xaa: {  	[dreg:$0x4] =	wrdreg $0xC0  }
0xab: {  	_ =	task [dreg:s7], $0x5FFFF  }
0xac: {  	[dreg:$0x1] =	wrdreg $0xFFFFFFFF  }
0xad: {  	[dreg:$0x0] =	wrdreg $0x60  }
0xae: {  	[dreg:$0x2] =	wrdreg s2  }
0xaf: {  	[dreg:$0x3] =	wrdreg s24  }
0xb0: {  	[dreg:$0x4] =	wrdreg $0x9  }
0xb1: {  	_ =	task.clear_ibuf [dreg:s7], $0x5FFFF;
	_ =	strace $0x90000052  }
0xb2: {  	s29 =	simm.s32 $0x9;
	_ =	strace $0x80000054  }
0xb3: {  	_ =	swait.ge [sflag:s29], $0x1  }
0xb4: {  	[sflag:s29] =	ssyncadd.s32 $0xFFFFFFFF  }
0xb5: {  	_ =	strace $0x90000054  }
0xb6: {  	_ =	sfence  }
0xb7: {  	s30 =	sld [smem:$0x0];
	_ =	sdelay $0x2  }
0xb8: {  	s31 =	sshll.u32 s1, $0xD;
	s1 =	sshrl.u32 s1, $0x2  }
0xb9: {  	s3 =	sand.u32 $0x4000, s31;
	s1 =	sadd.s32 s1, s30  }
0xba: {  	s0 =	sor.u32 s3, s0;
	s1 =	sshll.u32 s1, $0x11  }
0xbb: {  	s0 =	sor.u32 s1, s0  }
0xbc: {  	s0 =	sadd.s32 $0x8F2B, s0  }
0xbd: {  	[sflag:s0] =	ssyncadd.remote.s32 $0x1  }
0xbe: {  	_ =	sfence.sel $0xFFFF  }
0xbf: {  	[dreg:$0x0] =	wrdreg $0xFFFFFFFF;
	(pc) =	sbr.abs _section_cstart, $3  }
0xc0: {  	[dreg:$0x1] =	wrdreg $0xFFFFFFFF  }
0xc1: {  	_ =	task.clear_ibuf [dreg:s7], $0x2FFFF;
	_ =	strace $0x9FFFFFFF  }
0xc2: {  	(tm) =	ssettm $0x7FFFFFFF  }
0xc3: {  	_ =	shalt  }
tec
execute0_lowered:
.L_overlay_start_1:
0x0: {  	(tag) =	ssettag $0x1  }
0x1: {  	s2 =	rddreg [dreg:$0x0];
	s0 =	srdreg.scid  }
0x2: {  	s10 =	stileid.u32;
	s1 =	rddreg [dreg:$0x1];
	s3 =	simm.s32 $0x0  }
0x3: {  	s11 =	simm.s32 $0x9;
	s12 =	simm.s32 $0x2710;
	s13 =	simm.s32 $0x50  }
0x4: {  	s14 =	simm.s32 $0x4E20;
	s15 =	simm.s32 $0x6220;
	s16 =	simm.s32 $0x7620  }
0x5: {  	s17 =	simm.s32 $0x8A20;
	s18 =	simm.s32 $0x1;
	s19 =	simm.s32 $0x40  }
0x6: {  	s20 =	simm.s32 $0x80;
	s21 =	simm.s32 $0x2;
	s22 =	simm.s32 $0x5  }
0x7: {  	s23 =	simm.s32 $0x6;
	s24 =	simm.s32 $0x3;
	s25 =	simm.s32 $0x4  }
0x8: {  	s26 =	simm.s32 $0x7;
	s0 =	sand.u32 $0x1, s0;
	s4 =	sshll.u32 s10, $0x1  }
0x9: {  	s28 =	simm.s32 $0x8;
	s30 =	smul.u32 $0x4E200, s10;
	s5 =	sor.u32 s0, s4  }
0xa: {  	s29 =	simm.s32 $0x0;
	[smem:$0x7FF] =	sst s3;
	s6 =	smul.u32 $0x2710, s5  }
0xb: {  	_ =	strace $0x80000053;
	s4 =	sadd.s32 $0x17200, s1;
	s7 =	ssub.s32 $0x2, s0  }
0xc: {  	s5 =	smul.u32 $0x138800, s5;
	s8 =	sshrl.u32 s7, $0x1;
	s6 =	sshrl.u32 s6, $0x3  }
0xd: {  	s0 =	smul.u32 $0x27100, s0;
	s9 =	ssub.s32 s7, s8;
	s6 =	sadd.s32 s6, s1  }
0xe: {  	s5 =	sshrl.u32 s5, $0x3;
	s9 =	smax.u32 s9, $0x1;
	s31 =	sadd.s32 $0x3600, s6  }
0xf: {  	s1 =	sadd.s32 $0x2AC00, s1;
	s6 =	sadd.s32 $0xD400, s6;
	[dreg:$0x3] =	wrdreg s31  }
0x10: {  	s5 =	sadd.s32 s1, s5;
	s1 =	sadd.s32 s30, s1;
	[dreg:$0x4] =	wrdreg s6  }
0x11: {  	s7 =	sadd.s32 $0x26C00, s5;
	s8 =	sadd.s32 $0x26C08, s5;
	s10 =	sadd.s32 s0, s1  }
.LBB2_1:
0x12: {  	s0 =	rddreg [dreg:$0x3]  }
0x13: {  	[tilespmem:s3], [sflag:$0x9] =	stream.linear.gather [hbm4b:s0+s3], $0x2710, $0x38;
	[tilespmem:$0x9E20] =	vst v63  }
0x14: {  	_ =	swait.ge [sflag:s11], $0x2710  }
0x15: {  	[sflag:s11] =	ssyncset.done $0x0  }
0x16: {  	s5 =	rddreg [dreg:$0x4];
	[sflag:s11] =	ssyncadd.s32 $0xFFFFD8F0  }
0x17: {  	[tilespmem:s12], [sflag:$0x9] =	stream.linear.gather [hbm4b:s5+s3], $0x2710, $0x38;
	[tilespmem:$0x9E20] =	vst v63  }
0x18: {  	_ =	swait.ge [sflag:s11], $0x2710  }
0x19: {  	[sflag:s11] =	ssyncset.done $0x0  }
0x1a: {  	[sflag:s11] =	ssyncadd.s32 $0xFFFFD8F0  }
0x1b: {  	[tilespmem:s14], [sflag:$0x1] =	stream.indirect.gather [hbm4b:s2+s13], $0x40, s3, s13, $0xb8;
	[tilespmem:$0x9E20] =	vst v63  }
0x1c: {  	_ = 	snop  }
0x1d: {  	[tilespmem:s15], [sflag:$0x2] =	stream.indirect.gather [hbm4b:s4+s13], $0x40, s12, s13, $0xb8;
	[tilespmem:$0x9E20] =	vst v63  }
0x1e: {  	s6 =	simm.s32 $0x50  }
0x1f: {  	[tilespmem:s16], [sflag:$0x3] =	stream.indirect.gather [hbm4b:s2+s13], $0x40, s6, s13, $0xb8;
	[tilespmem:$0x9E20] =	vst v63  }
0x20: {  	s1 =	simm.s32 $0x2760  }
0x21: {  	[tilespmem:s17], [sflag:$0x4] =	stream.indirect.gather [hbm4b:s4+s13], $0x40, s1, s13, $0xb8;
	[tilespmem:$0x9E20] =	vst v63  }
0x22: {  	_ =	swait.ge [sflag:s18], $0x1400  }
0x23: {  	[sflag:s18] =	ssyncset.done $0x0  }
0x24: {  	[sflag:s18] =	ssyncadd.s32 $0xFFFFEC00  }
0x25: {  	[hbm4b:s10+s19] =	stream.strided.scatter [tilespmem:s14], [sflag:$0x5], $0x1400, s20, s19, $0x38;
	[tilespmem:$0x9E20] =	vst v63  }
0x26: {  	_ =	swait.ge [sflag:s21], $0x1400  }
0x27: {  	[sflag:s21] =	ssyncset.done $0x0  }
0x28: {  	s5 =	sadd.s32 $0x8, s10;
	[sflag:s21] =	ssyncadd.s32 $0xFFFFEC00  }
0x29: {  	[hbm4b:s5+s19] =	stream.strided.scatter [tilespmem:s15], [sflag:$0x6], $0x1400, s20, s19, $0x38;
	[tilespmem:$0x9E20] =	vst v63  }
0x2a: {  	_ =	swait.ge [sflag:s22], $0x1400  }
0x2b: {  	[sflag:s22] =	ssyncset.done $0x0  }
0x2c: {  	[sflag:s22] =	ssyncadd.s32 $0xFFFFEC00  }
0x2d: {  	_ =	swait.ge [sflag:s23], $0x1400  }
0x2e: {  	[sflag:s23] =	ssyncset.done $0x0  }
0x2f: {  	s6 =	simm.s32 $0xA0;
	[sflag:s23] =	ssyncadd.s32 $0xFFFFEC00  }
0x30: {  	[tilespmem:s14], [sflag:$0x1] =	stream.indirect.gather [hbm4b:s2+s13], $0x40, s6, s13, $0xb8;
	[tilespmem:$0x9E20] =	vst v63  }
0x31: {  	s1 =	simm.s32 $0x27B0  }
0x32: {  	[tilespmem:s15], [sflag:$0x2] =	stream.indirect.gather [hbm4b:s4+s13], $0x40, s1, s13, $0xb8;
	[tilespmem:$0x9E20] =	vst v63  }
0x33: {  	_ =	swait.ge [sflag:s24], $0x1400  }
0x34: {  	[sflag:s24] =	ssyncset.done $0x0  }
0x35: {  	s5 =	sadd.s32 $0x500, s10;
	[sflag:s24] =	ssyncadd.s32 $0xFFFFEC00  }
0x36: {  	[hbm4b:s5+s19] =	stream.strided.scatter [tilespmem:s16], [sflag:$0x7], $0x1400, s20, s19, $0x38;
	[tilespmem:$0x9E20] =	vst v63  }
0x37: {  	_ =	swait.ge [sflag:s25], $0x1400  }
0x38: {  	[sflag:s25] =	ssyncset.done $0x0  }
0x39: {  	s6 =	sadd.s32 $0x508, s10;
	[sflag:s25] =	ssyncadd.s32 $0xFFFFEC00  }
0x3a: {  	[hbm4b:s6+s19] =	stream.strided.scatter [tilespmem:s17], [sflag:$0x8], $0x1400, s20, s19, $0x38;
	[tilespmem:$0x9E20] =	vst v63  }
0x3b: {  	_ =	swait.ge [sflag:s26], $0x1400  }
0x3c: {  	[sflag:s26] =	ssyncset.done $0x0  }
0x3d: {  	[sflag:s26] =	ssyncadd.s32 $0xFFFFEC00  }
0x3e: {  	s31 =	simm.s32 $0xA0;
	_ =	swait.ge [sflag:s28], $0x1400  }
0x3f: {  	s30 =	sadd.s32 $0xA00, s10;
	s1 =	simm.s32 $0x500;
	[sflag:s28] =	ssyncset.done $0x0  }
.LBB2_2:
0x40: {  	s6 =	sadd.s32 $0x50, s31  }
0x41: {  	[sflag:s28] =	ssyncadd.s32 $0xFFFFEC00;
	s0 =	smov.u32 s1;
	s5 =	sadd.s32 $0x280, s1  }
0x42: {  	[tilespmem:s16], [sflag:$0x3] =	stream.indirect.gather [hbm4b:s2+s13], $0x40, s6, s13, $0xb8;
	[tilespmem:$0x9E20] =	vst v63  }
0x43: {  	p0 =	sne.s32 s1, $0x9880;
	s1 =	sadd.s32 $0x2760, s31  }
0x44: {  	[tilespmem:s17], [sflag:$0x4] =	stream.indirect.gather [hbm4b:s4+s13], $0x40, s1, s13, $0xb8;
	[tilespmem:$0x9E20] =	vst v63  }
0x45: {  	_ =	swait.ge [sflag:s18], $0x1400  }
0x46: {  	[sflag:s18] =	ssyncset.done $0x0  }
0x47: {  	[sflag:s18] =	ssyncadd.s32 $0xFFFFEC00  }
0x48: {  	[hbm4b:s30+s19] =	stream.strided.scatter [tilespmem:s14], [sflag:$0x5], $0x1400, s20, s19, $0x38;
	[tilespmem:$0x9E20] =	vst v63  }
0x49: {  	_ =	swait.ge [sflag:s21], $0x1400  }
0x4a: {  	[sflag:s21] =	ssyncset.done $0x0  }
0x4b: {  	s1 =	sadd.s32 $0x8, s30;
	[sflag:s21] =	ssyncadd.s32 $0xFFFFEC00  }
0x4c: {  	[hbm4b:s1+s19] =	stream.strided.scatter [tilespmem:s15], [sflag:$0x6], $0x1400, s20, s19, $0x38;
	[tilespmem:$0x9E20] =	vst v63  }
0x4d: {  	_ =	swait.ge [sflag:s22], $0x1400  }
0x4e: {  	[sflag:s22] =	ssyncset.done $0x0  }
0x4f: {  	[sflag:s22] =	ssyncadd.s32 $0xFFFFEC00  }
0x50: {  	_ =	swait.ge [sflag:s23], $0x1400  }
0x51: {  	[sflag:s23] =	ssyncset.done $0x0  }
0x52: {  	s1 =	sadd.s32 $0xA0, s31;
	[sflag:s23] =	ssyncadd.s32 $0xFFFFEC00  }
0x53: {  	[tilespmem:s14], [sflag:$0x1] =	stream.indirect.gather [hbm4b:s2+s13], $0x40, s1, s13, $0xb8;
	[tilespmem:$0x9E20] =	vst v63  }
0x54: {  	s1 =	sadd.s32 $0x27B0, s31  }
0x55: {  	[tilespmem:s15], [sflag:$0x2] =	stream.indirect.gather [hbm4b:s4+s13], $0x40, s1, s13, $0xb8;
	[tilespmem:$0x9E20] =	vst v63  }
0x56: {  	_ =	swait.ge [sflag:s24], $0x1400  }
0x57: {  	[sflag:s24] =	ssyncset.done $0x0  }
0x58: {  	s1 =	sadd.s32 $0x500, s30;
	[sflag:s24] =	ssyncadd.s32 $0xFFFFEC00  }
0x59: {  	[hbm4b:s1+s19] =	stream.strided.scatter [tilespmem:s16], [sflag:$0x7], $0x1400, s20, s19, $0x38;
	[tilespmem:$0x9E20] =	vst v63  }
0x5a: {  	_ =	swait.ge [sflag:s25], $0x1400  }
0x5b: {  	[sflag:s25] =	ssyncset.done $0x0  }
0x5c: {  	s1 =	sadd.s32 $0x508, s30;
	[sflag:s25] =	ssyncadd.s32 $0xFFFFEC00  }
0x5d: {  	[hbm4b:s1+s19] =	stream.strided.scatter [tilespmem:s17], [sflag:$0x8], $0x1400, s20, s19, $0x38;
	[tilespmem:$0x9E20] =	vst v63  }
.Ltmp0:
0x5e: {  	_ =	swait.ge [sflag:s26], $0x1400;
	(pc) =	sbr.rel @p0 .LBB2_2-.Ltmp0, $4  }
0x5f: {  	[sflag:s26] =	ssyncset.done $0x0  }
0x60: {  	[sflag:s26] =	ssyncadd.s32 $0xFFFFEC00  }
0x61: {  	s31 =	sshra.s32 s0, $0x2;
	_ =	swait.ge [sflag:s28], $0x1400  }
0x62: {  	s30 =	sadd.s32 $0xA00, s30;
	s1 =	smov.u32 s5;
	[sflag:s28] =	ssyncset.done $0x0  }
0x63: {  	s0 =	sadd.s32 $0x50, s31;
	[sflag:s28] =	ssyncadd.s32 $0xFFFFEC00  }
0x64: {  	[tilespmem:s16], [sflag:$0x3] =	stream.indirect.gather [hbm4b:s2+s13], $0x40, s0, s13, $0xb8;
	[tilespmem:$0x9E20] =	vst v63  }
0x65: {  	s5 =	sadd.s32 $0x2760, s31  }
0x66: {  	[tilespmem:s17], [sflag:$0x4] =	stream.indirect.gather [hbm4b:s4+s13], $0x40, s5, s13, $0xb8;
	[tilespmem:$0x9E20] =	vst v63  }
0x67: {  	_ =	swait.ge [sflag:s18], $0x1400  }
0x68: {  	[sflag:s18] =	ssyncset.done $0x0  }
0x69: {  	[sflag:s18] =	ssyncadd.s32 $0xFFFFEC00  }
0x6a: {  	[hbm4b:s30+s19] =	stream.strided.scatter [tilespmem:s14], [sflag:$0x5], $0x1400, s20, s19, $0x38;
	[tilespmem:$0x9E20] =	vst v63  }
0x6b: {  	_ =	swait.ge [sflag:s21], $0x1400  }
0x6c: {  	[sflag:s21] =	ssyncset.done $0x0  }
0x6d: {  	s6 =	sadd.s32 $0x8, s30;
	[sflag:s21] =	ssyncadd.s32 $0xFFFFEC00  }
0x6e: {  	[hbm4b:s6+s19] =	stream.strided.scatter [tilespmem:s15], [sflag:$0x6], $0x1400, s20, s19, $0x38;
	[tilespmem:$0x9E20] =	vst v63  }
0x6f: {  	_ =	swait.ge [sflag:s22], $0x1400  }
0x70: {  	[sflag:s22] =	ssyncset.done $0x0  }
0x71: {  	[sflag:s22] =	ssyncadd.s32 $0xFFFFEC00  }
0x72: {  	_ =	swait.ge [sflag:s23], $0x1400  }
0x73: {  	[sflag:s23] =	ssyncset.done $0x0  }
0x74: {  	s1 =	sadd.s32 $0xA0, s31;
	[sflag:s23] =	ssyncadd.s32 $0xFFFFEC00  }
0x75: {  	[tilespmem:s14], [sflag:$0x1] =	stream.indirect.gather [hbm4b:s2+s13], $0x40, s1, s13, $0xb8;
	[tilespmem:$0x9E20] =	vst v63  }
0x76: {  	s5 =	sadd.s32 $0x27B0, s31  }
0x77: {  	[tilespmem:s15], [sflag:$0x2] =	stream.indirect.gather [hbm4b:s4+s13], $0x40, s5, s13, $0xb8;
	[tilespmem:$0x9E20] =	vst v63  }
0x78: {  	_ =	swait.ge [sflag:s24], $0x1400  }
0x79: {  	[sflag:s24] =	ssyncset.done $0x0  }
0x7a: {  	s6 =	sadd.s32 $0x500, s30;
	[sflag:s24] =	ssyncadd.s32 $0xFFFFEC00  }
0x7b: {  	[hbm4b:s6+s19] =	stream.strided.scatter [tilespmem:s16], [sflag:$0x7], $0x1400, s20, s19, $0x38;
	[tilespmem:$0x9E20] =	vst v63  }
0x7c: {  	_ =	swait.ge [sflag:s25], $0x1400  }
0x7d: {  	[sflag:s25] =	ssyncset.done $0x0  }
0x7e: {  	s31 =	sadd.s32 $0x508, s30;
	[sflag:s25] =	ssyncadd.s32 $0xFFFFEC00  }
0x7f: {  	[hbm4b:s31+s19] =	stream.strided.scatter [tilespmem:s17], [sflag:$0x8], $0x1400, s20, s19, $0x38;
	[tilespmem:$0x9E20] =	vst v63  }
0x80: {  	_ =	swait.ge [sflag:s26], $0x1400  }
0x81: {  	[sflag:s26] =	ssyncset.done $0x0  }
0x82: {  	[sflag:s26] =	ssyncadd.s32 $0xFFFFEC00  }
0x83: {  	_ =	swait.ge [sflag:s28], $0x1400  }
0x84: {  	[sflag:s28] =	ssyncset.done $0x0  }
0x85: {  	[sflag:s28] =	ssyncadd.s32 $0xFFFFEC00  }
0x86: {  	_ =	swait.ge [sflag:s18], $0x1400  }
0x87: {  	[sflag:s18] =	ssyncset.done $0x0  }
0x88: {  	[sflag:s18] =	ssyncadd.s32 $0xFFFFEC00  }
0x89: {  	[hbm4b:s7+s19] =	stream.strided.scatter [tilespmem:s14], [sflag:$0x5], $0x1400, s20, s19, $0x38;
	[tilespmem:$0x9E20] =	vst v63  }
0x8a: {  	_ =	swait.ge [sflag:s21], $0x1400  }
0x8b: {  	[sflag:s21] =	ssyncset.done $0x0  }
0x8c: {  	s29 =	sadd.s32 $0x1, s29;
	[sflag:s21] =	ssyncadd.s32 $0xFFFFEC00  }
0x8d: {  	[hbm4b:s8+s19] =	stream.strided.scatter [tilespmem:s15], [sflag:$0x6], $0x1400, s20, s19, $0x38;
	[tilespmem:$0x9E20] =	vst v63  }
0x8e: {  	p0 =	sne.s32 s29, s9;
	_ =	swait.ge [sflag:s22], $0x1400  }
.Ltmp1:
0x8f: {  	[sflag:s22] =	ssyncset.done $0x0;
	(pc) =	sbr.rel @p0 .LBB2_1-.Ltmp1, $4  }
0x90: {  	[sflag:s22] =	ssyncadd.s32 $0xFFFFEC00  }
0x91: {  	_ =	swait.ge [sflag:s23], $0x1400  }
0x92: {  	[sflag:s23] =	ssyncset.done $0x0  }
0x93: {  	[sflag:s23] =	ssyncadd.s32 $0xFFFFEC00  }
0x94: {  	_ =	sfence.sel $0x180000  }
0x95: {  	[bflag:$0x0] =	sbarrier.arrive $0xFFFF  }
0x96: {  	_ =	strace $0x90000053  }
0x97: {  	s0 =	stileid.u32;
	[bflag:$0x2] =	sbarrier.arrive $0xFFFF  }
0x98: {  	p0 =	sne.s32 s0, $0x0;
	s0 =	rddreg [dreg:$0x2]  }
0x99: {  	s0 =	sadd.s32 @!p0 $0x100000, s0  }
0x9a: {  	[sflag:s0] =	ssyncadd.tile.s32 @!p0 $0x1;
	_ =	shalt  }
.Lfunc_end2:
_tile_overlayer_lowered:
.L_overlay_start_2:
0x9b: {  	(tag) =	ssettag $0x2  }
0x9c: {  	s0 =	rddreg [dreg:$0x0];
	s2 =	stileid.u32  }
0x9d: {  	s1 =	rddreg [dreg:$0x1];
	p0 =	sne.s32 s2, $0x0  }
0x9e: {  	s3 =	rddreg [dreg:$0x2];
	[bflag:$0x3] =	sbarrier.arrive $0xFFFF;
	s2 =	simm.s32 @!p0 $0x1C09  }
0x9f: {  	[timem:s3], [sflag:s2] =	dma.local @!p0 [hbm:s0], s1  }
0xa0: {  	s0 =	simm.s32 @!p0 $0x9  }
0xa1: {  	_ =	swait.ge @!p0 [sflag:s0], s1  }
0xa2: {  	s1 =	ssub.s32 @!p0 $0x0, s1;
	[sflag:s0] =	ssyncset.done @!p0 $0x0  }
0xa3: {  	[sflag:s0] =	ssyncadd.s32 @!p0 s1  }
0xa4: {  	[bflag:$0x3] =	sbarrier.arrive $0xFFFF  }
0xa5: {  	_ =	shalt  }

</sc_bundles>
